<compile_context>
chip_gen: v7x
topology: tpu7x:2x2x1
jax: 0.10.2.dev20260603
libtpu: 0.0.44.dev20260713+nightly
codegen_flags: <defaults>
</compile_context>

<pallas_src>
import functools

import jax
import jax.numpy as jnp
from jax import lax
from jax.experimental import pallas as pl
from jax.experimental.pallas import tpu as pltpu
from jax.experimental.pallas import tpu_sc as plsc

NC = 2
NS = 16
NW = NC * NS
LANES = 16
CH = 128
G = 64


def _sc_mesh():
    return plsc.VectorSubcoreMesh(core_axis_name="c", subcore_axis_name="s")


def _make_deg_kernel(chunks, n_tab):

    def body(dst_hbm, out_hbm, dst_v, deg_v, sem):
        cid = lax.axis_index("c")
        sid = lax.axis_index("s")
        wid = cid * NS + sid
        cp = pltpu.async_copy(dst_hbm.at[wid], dst_v, sem)
        zeros16 = jnp.zeros((LANES,), jnp.float32)

        def zero_body(i, carry):
            deg_v[pl.ds(i * LANES, LANES)] = zeros16
            return carry

        lax.fori_loop(0, n_tab // LANES, zero_body, 0)
        cp.wait()
        ones16 = jnp.ones((LANES,), jnp.float32)

        def edge_body(j, carry):
            for q in range(CH // LANES):
                idx = dst_v[j, pl.ds(q * LANES, LANES)]
                plsc.addupdate_scatter(deg_v, [idx], ones16)
            return carry

        lax.fori_loop(0, chunks, edge_body, 0)
        pltpu.sync_copy(deg_v, out_hbm.at[wid])

    return pl.kernel(
        body,
        out_type=jax.ShapeDtypeStruct((NW, n_tab), jnp.float32),
        mesh=_sc_mesh(),
        compiler_params=pltpu.CompilerParams(needs_layout_passes=False, use_tc_tiling_on_sc=False),
        scratch_types=[
            pltpu.VMEM((chunks, CH), jnp.int32),
            pltpu.VMEM((n_tab,), jnp.float32),
            pltpu.SemaphoreType.DMA,
        ],
    )


NBUF = 4


def _make_edge_kernel(chunks, n_tab, h_dim):
    rows_per_tile = n_tab // NS
    n_full, rem = divmod(rows_per_tile, CH)
    n_batches = chunks // NBUF
    assert n_batches % 2 == 0

    def body(h_hbm, src_hbm, dst_hbm, acc_hbm, src_v, dst_v,
             a0, a1, a2, a3, b0, b1, b2, b3, acc_sh, sem,
             semga, semgb):
        bufs_a = (a0, a1, a2, a3)
        bufs_b = (b0, b1, b2, b3)
        cid = lax.axis_index("c")
        sid = lax.axis_index("s")
        wid = cid * NS + sid
        cps = pltpu.async_copy(src_hbm.at[wid], src_v, sem)
        cpd = pltpu.async_copy(dst_hbm.at[wid], dst_v, sem)
        zeros16 = jnp.zeros((LANES,), jnp.float32)

        def zero_body(i, carry):
            for q in range(h_dim // LANES):
                a0[i, pl.ds(q * LANES, LANES)] = zeros16
            return carry

        lax.fori_loop(0, CH, zero_body, 0)
        base = sid * rows_per_tile
        for k in range(n_full):
            pltpu.sync_copy(a0, acc_sh.at[pl.ds(base + k * CH, CH)])
        if rem:
            pltpu.sync_copy(a0.at[pl.ds(0, rem)],
                            acc_sh.at[pl.ds(base + n_full * CH, rem)])
        cps.wait()
        cpd.wait()
        plsc.subcore_barrier()

        for b in range(NBUF):
            pltpu.async_copy(h_hbm.at[src_v.at[b]], bufs_a[b], semga)
        for b in range(NBUF):
            pltpu.async_copy(h_hbm.at[src_v.at[NBUF + b]], bufs_b[b], semgb)

        def pair_body(i, carry):
            for bufs, semg, half in ((bufs_a, semga, 0), (bufs_b, semgb, 1)):
                bi = i * 2 + half
                j0 = bi * NBUF
                for b in range(NBUF):
                    pltpu.make_async_copy(h_hbm.at[src_v.at[j0 + b]],
                                          bufs[b], semg).wait()
                for b in range(NBUF):
                    pltpu.sync_copy(bufs[b], acc_sh.at[dst_v.at[j0 + b]],
                                    add=True)

                @pl.when(bi + 2 < n_batches)
                def _():
                    for b in range(NBUF):
                        pltpu.async_copy(
                            h_hbm.at[src_v.at[j0 + 2 * NBUF + b]],
                            bufs[b], semg)
            return carry

        lax.fori_loop(0, n_batches // 2, pair_body, 0)
        plsc.subcore_barrier()
        pltpu.sync_copy(acc_sh.at[pl.ds(base, rows_per_tile)],
                        acc_hbm.at[cid, pl.ds(base, rows_per_tile)])

    return pl.kernel(
        body,
        out_type=jax.ShapeDtypeStruct((NC, n_tab, h_dim), jnp.float32),
        mesh=_sc_mesh(),
        compiler_params=pltpu.CompilerParams(needs_layout_passes=False, use_tc_tiling_on_sc=False),
        scratch_types=[
            pltpu.VMEM((chunks, CH), jnp.int32),
            pltpu.VMEM((chunks, CH), jnp.int32),
        ] + [pltpu.VMEM((CH, h_dim), jnp.float32) for _ in range(2 * NBUF)]
        + [
            pltpu.VMEM_SHARED((n_tab, h_dim), jnp.float32),
            pltpu.SemaphoreType.DMA,
            pltpu.SemaphoreType.DMA,
            pltpu.SemaphoreType.DMA,
        ],
    )


def _scale_body(x_ref, w_ref, degt_ref, h_ref, dinv_ref):
    deg = jnp.sum(degt_ref[...], axis=1, keepdims=True) + 1.0
    dinv = lax.rsqrt(deg)
    dinv_ref[...] = dinv
    h_ref[...] = jnp.dot(x_ref[...], w_ref[...],
                         preferred_element_type=jnp.float32) * dinv


def _mid_body(a0_ref, a1_ref, h_ref, dinv_ref, b_ref, w_ref, out_ref):
    dinv = dinv_ref[...]
    t = (a0_ref[...] + a1_ref[...] + h_ref[...]) * dinv + b_ref[...]
    t = jnp.maximum(t, 0.0)
    out_ref[...] = jnp.dot(t, w_ref[...],
                           preferred_element_type=jnp.float32) * dinv


def _final_body(a0_ref, a1_ref, h_ref, dinv_ref, b_ref, lw_ref, lb_ref,
                batch_ref, out_ref):
    t = (a0_ref[...] + a1_ref[...] + h_ref[...]) * dinv_ref[...] + b_ref[...]
    t = jnp.maximum(t, 0.0)
    gids = lax.broadcasted_iota(jnp.int32, t.shape, 1)
    onehot = (batch_ref[...] == gids).astype(jnp.float32)
    cdims = (((0,), (0,)), ((), ()))
    sums = lax.dot_general(onehot, t, cdims,
                           preferred_element_type=jnp.float32,
                           precision=lax.Precision.HIGHEST)
    counts = lax.dot_general(onehot, jnp.ones_like(t[:, :1]), cdims,
                             preferred_element_type=jnp.float32,
                             precision=lax.Precision.HIGHEST)
    pooled = sums / jnp.maximum(counts, 1.0)
    out_ref[...] = jnp.dot(pooled, lw_ref[...],
                           preferred_element_type=jnp.float32) + lb_ref[...]


def kernel(x, edge_index, batch, W1, b1, W2, b2, lin_W, lin_b):
    n, d = x.shape
    h_dim = W1.shape[1]
    e = edge_index.shape[1]
    n_tab = -(-(n + 1) // (NS * 8)) * (NS * 8)
    pad = n_tab - n
    chunks = -(-e // (NW * CH))
    chunks = -(-chunks // (2 * NBUF)) * (2 * NBUF)
    e_pad = chunks * CH * NW

    fill = jnp.full((e_pad - e,), n, jnp.int32)
    src = jnp.concatenate([edge_index[0], fill]).reshape(NW, chunks, CH)
    dst = jnp.concatenate([edge_index[1], fill]).reshape(NW, chunks, CH)
    x_pad = jnp.concatenate([x, jnp.zeros((pad, d), x.dtype)])
    batch_col = jnp.concatenate(
        [batch, jnp.full((pad,), G, jnp.int32)]).reshape(n_tab, 1)
    b1_row = b1.reshape(1, h_dim)
    b2_row = b2.reshape(1, h_dim)
    lb_2d = lin_b.reshape(1, 1)

    deg_parts = _make_deg_kernel(chunks, n_tab)(dst)
    degt = deg_parts.T

    h1p, dinv = pl.pallas_call(
        _scale_body,
        out_shape=(
            jax.ShapeDtypeStruct((n_tab, h_dim), jnp.float32),
            jax.ShapeDtypeStruct((n_tab, 1), jnp.float32),
        ),
    )(x_pad, W1, degt)

    edge_kernel = _make_edge_kernel(chunks, n_tab, h_dim)

    acc1 = edge_kernel(h1p, src, dst)
    h2p = pl.pallas_call(
        _mid_body,
        out_shape=jax.ShapeDtypeStruct((n_tab, h_dim), jnp.float32),
    )(acc1[0], acc1[1], h1p, dinv, b1_row, W2)

    acc2 = edge_kernel(h2p, src, dst)
    logits = pl.pallas_call(
        _final_body,
        out_shape=jax.ShapeDtypeStruct((G, 1), jnp.float32),
    )(acc2[0], acc2[1], h2p, dinv, b2_row, lin_W, lb_2d, batch_col)

    return logits.reshape(-1)

# --- scband reference (transcript-rebuilt; emitter-appended) ---
"""Pipeline reference for scband-gcn-27350351741103 (READ-ONLY COPY).

The authoritative reference and input builder live on the scoring server;
editing this copy changes nothing except your own understanding.
"""

import jax, jax.numpy as jnp
import numpy as np

N = 10000
E = 320000
D = 128
H = 64
G = 64


def setup_inputs(seed: int = 0) -> dict:
    key = jax.random.key(seed)
    ks = jax.random.split(key, 9)
    x = jax.random.normal(ks[0], (N, D), dtype=jnp.float32)
    edge_index = jax.random.randint(ks[1], (2, E), 0, N, dtype=jnp.int32)
    batch = jnp.sort(jax.random.randint(ks[2], (N,), 0, G, dtype=jnp.int32))
    W1 = jax.random.normal(ks[3], (D, H), dtype=jnp.float32) * (1.0 / np.sqrt(D))
    b1 = jnp.zeros((H,), dtype=jnp.float32)
    W2 = jax.random.normal(ks[4], (H, H), dtype=jnp.float32) * (1.0 / np.sqrt(H))
    b2 = jnp.zeros((H,), dtype=jnp.float32)
    lin_W = jax.random.normal(ks[5], (H, 1), dtype=jnp.float32) * (1.0 / np.sqrt(H))
    lin_b = jnp.zeros((1,), dtype=jnp.float32)
    return {"x": x, "edge_index": edge_index, "batch": batch,
            "W1": W1, "b1": b1, "W2": W2, "b2": b2,
            "lin_W": lin_W, "lin_b": lin_b}


def _gcn_conv(x, edge_index, W, b):
    # PyG GCNConv: h = x @ W; symmetric-normalized aggregation with self-loops; + bias
    num_nodes = x.shape[0]
    loop = jnp.arange(num_nodes, dtype=edge_index.dtype)
    src = jnp.concatenate([edge_index[0], loop])
    dst = jnp.concatenate([edge_index[1], loop])
    deg = jnp.zeros((num_nodes,), dtype=x.dtype).at[dst].add(1.0)
    dinv = jnp.where(deg > 0, deg ** -0.5, 0.0)
    norm = dinv[src] * dinv[dst]
    h = x @ W
    msg = h[src] * norm[:, None]
    out = jnp.zeros((num_nodes, h.shape[1]), dtype=h.dtype).at[dst].add(msg)
    return out + b


def reference(x, edge_index, batch, W1, b1, W2, b2, lin_W, lin_b):
    # layer 1 (dropout is identity in eval mode)
    h = _gcn_conv(x, edge_index, W1, b1)
    h = jax.nn.relu(h)
    # layer 2
    h = _gcn_conv(h, edge_index, W2, b2)
    h = jax.nn.relu(h)
    # global mean pool over graphs
    sums = jax.ops.segment_sum(h, batch, num_segments=G)
    counts = jax.ops.segment_sum(jnp.ones((h.shape[0], 1), dtype=h.dtype), batch, num_segments=G)
    pooled = sums / jnp.maximum(counts, 1.0)
    logits = (pooled @ lin_W + lin_b).reshape(-1)
    return logits

if __name__ == "__main__":
    import jax
    _d = setup_inputs()
    print(jax.jit(kernel)(*tuple(_d.values())))

</pallas_src>

<mosaic_0001>
#map = affine_map<(d0, d1) -> (0, 0)>
#map1 = affine_map<(d0, d1) -> (0, 0, 0)>
module attributes {stable_mosaic.version = 14 : i64} {
  func.func @body(%arg0: i32, %arg1: i32, %arg2: memref<10112x64xf32, #tpu.memory_space<hbm>>, %arg3: memref<32x80x128xi32, #tpu.memory_space<hbm>>, %arg4: memref<32x80x128xi32, #tpu.memory_space<hbm>>, %arg5: memref<2x10112x64xf32, #tpu.memory_space<hbm>>, %arg6: memref<80x128xi32, #tpu.memory_space<vmem>>, %arg7: memref<80x128xi32, #tpu.memory_space<vmem>>, %arg8: memref<128x64xf32, #tpu.memory_space<vmem>>, %arg9: memref<128x64xf32, #tpu.memory_space<vmem>>, %arg10: memref<128x64xf32, #tpu.memory_space<vmem>>, %arg11: memref<128x64xf32, #tpu.memory_space<vmem>>, %arg12: memref<128x64xf32, #tpu.memory_space<vmem>>, %arg13: memref<128x64xf32, #tpu.memory_space<vmem>>, %arg14: memref<128x64xf32, #tpu.memory_space<vmem>>, %arg15: memref<128x64xf32, #tpu.memory_space<vmem>>, %arg16: memref<10112x64xf32, #tpu.memory_space<vmem_shared>>, %arg17: memref<!tpu.dma_semaphore, #tpu.memory_space<semaphore_mem>>, %arg18: memref<!tpu.dma_semaphore, #tpu.memory_space<semaphore_mem>>, %arg19: memref<!tpu.dma_semaphore, #tpu.memory_space<semaphore_mem>>) attributes {dimension_semantics = [#tpu.dimension_semantics<core_parallel>, #tpu.dimension_semantics<subcore_parallel>], iteration_bounds = array<i64: 2, 16>, scalar_prefetch = 0 : i64, scratch_operands = 14 : i64, tpu.core_type = #tpu.core_type<sc_vector_subcore>, window_params = [{transform_indices = #map}, {transform_indices = #map1}, {transform_indices = #map1}, {transform_indices = #map1}]} {
    %mul3A = arith.constant 16 : i32
    %mul3A_0 = arith.muli %arg0, %mul3A : i32
    %add3A = arith.addi %mul3A_0, %arg1 : i32
    %dma_start3A = arith.constant 0 : i32
    %dma_start3A_1 = arith.constant 0 : i32
    %dma_start3A_2 = tpu.memref_slice %arg3[%add3A, %dma_start3A, %dma_start3A_1] : memref<32x80x128xi32, #tpu.memory_space<hbm>> -> memref<1x80x128xi32, #tpu.memory_space<hbm>>
    %dma_start3A_3 = tpu.memref_squeeze %dma_start3A_2 : memref<1x80x128xi32, #tpu.memory_space<hbm>> -> memref<80x128xi32, #tpu.memory_space<hbm>>
    %dma_start3A_4 = arith.constant 0 : i32
    %dma_start3A_5 = arith.constant 0 : i32
    %dma_start3A_6 = tpu.memref_slice %arg3[%add3A, %dma_start3A_4, %dma_start3A_5] : memref<32x80x128xi32, #tpu.memory_space<hbm>> -> memref<1x80x128xi32, #tpu.memory_space<hbm>>
    %dma_start3A_7 = tpu.memref_squeeze %dma_start3A_6 : memref<1x80x128xi32, #tpu.memory_space<hbm>> -> memref<80x128xi32, #tpu.memory_space<hbm>>
    tpu.enqueue_dma source(%dma_start3A_7 : memref<80x128xi32, #tpu.memory_space<hbm>>) target(%arg6 : memref<80x128xi32, #tpu.memory_space<vmem>>) target_semaphore(%arg17 : memref<!tpu.dma_semaphore, #tpu.memory_space<semaphore_mem>>)
    %dma_start3A_8 = arith.constant 0 : i32
    %dma_start3A_9 = arith.constant 0 : i32
    %dma_start3A_10 = tpu.memref_slice %arg4[%add3A, %dma_start3A_8, %dma_start3A_9] : memref<32x80x128xi32, #tpu.memory_space<hbm>> -> memref<1x80x128xi32, #tpu.memory_space<hbm>>
    %dma_start3A_11 = tpu.memref_squeeze %dma_start3A_10 : memref<1x80x128xi32, #tpu.memory_space<hbm>> -> memref<80x128xi32, #tpu.memory_space<hbm>>
    %dma_start3A_12 = arith.constant 0 : i32
    %dma_start3A_13 = arith.constant 0 : i32
    %dma_start3A_14 = tpu.memref_slice %arg4[%add3A, %dma_start3A_12, %dma_start3A_13] : memref<32x80x128xi32, #tpu.memory_space<hbm>> -> memref<1x80x128xi32, #tpu.memory_space<hbm>>
    %dma_start3A_15 = tpu.memref_squeeze %dma_start3A_14 : memref<1x80x128xi32, #tpu.memory_space<hbm>> -> memref<80x128xi32, #tpu.memory_space<hbm>>
    tpu.enqueue_dma source(%dma_start3A_15 : memref<80x128xi32, #tpu.memory_space<hbm>>) target(%arg7 : memref<80x128xi32, #tpu.memory_space<vmem>>) target_semaphore(%arg17 : memref<!tpu.dma_semaphore, #tpu.memory_space<semaphore_mem>>)
    %broadcast_in_dim3A = arith.constant 0.000000e+00 : f32
    %broadcast_in_dim3A_16 = vector.broadcast %broadcast_in_dim3A : f32 to vector<16xf32>
    %scan3A = arith.constant 0 : i32
    %scan3A_17 = arith.constant 0 : i32
    %scan3A_18 = arith.constant 128 : i32
    %scan3A_19 = arith.addi %scan3A_17, %scan3A_18 : i32
    %scan3A_20 = arith.constant 1 : i32
    scf.for %scan3A_112 = %scan3A_17 to %scan3A_19 step %scan3A_20  : i32 {
      %swap3A = arith.index_cast %scan3A_112 : i32 to index
      %swap3A_113 = arith.constant 0 : index
      %swap3A_114 = tpu.vector_load %arg8[%swap3A, %swap3A_113] {strides = array<i32>} : memref<128x64xf32, #tpu.memory_space<vmem>>, vector<16xf32>,
      tpu.vector_store %arg8[%swap3A, %swap3A_113], %broadcast_in_dim3A_16 {strides = array<i32>} : memref<128x64xf32, #tpu.memory_space<vmem>>, vector<16xf32>,
      %swap3A_115 = arith.index_cast %scan3A_112 : i32 to index
      %swap3A_116 = arith.constant 16 : index
      %swap3A_117 = tpu.vector_load %arg8[%swap3A_115, %swap3A_116] {strides = array<i32>} : memref<128x64xf32, #tpu.memory_space<vmem>>, vector<16xf32>,
      tpu.vector_store %arg8[%swap3A_115, %swap3A_116], %broadcast_in_dim3A_16 {strides = array<i32>} : memref<128x64xf32, #tpu.memory_space<vmem>>, vector<16xf32>,
      %swap3A_118 = arith.index_cast %scan3A_112 : i32 to index
      %swap3A_119 = arith.constant 32 : index
      %swap3A_120 = tpu.vector_load %arg8[%swap3A_118, %swap3A_119] {strides = array<i32>} : memref<128x64xf32, #tpu.memory_space<vmem>>, vector<16xf32>,
      tpu.vector_store %arg8[%swap3A_118, %swap3A_119], %broadcast_in_dim3A_16 {strides = array<i32>} : memref<128x64xf32, #tpu.memory_space<vmem>>, vector<16xf32>,
      %swap3A_121 = arith.index_cast %scan3A_112 : i32 to index
      %swap3A_122 = arith.constant 48 : index
      %swap3A_123 = tpu.vector_load %arg8[%swap3A_121, %swap3A_122] {strides = array<i32>} : memref<128x64xf32, #tpu.memory_space<vmem>>, vector<16xf32>,
      tpu.vector_store %arg8[%swap3A_121, %swap3A_122], %broadcast_in_dim3A_16 {strides = array<i32>} : memref<128x64xf32, #tpu.memory_space<vmem>>, vector<16xf32>,
    }
    %scan3A_21 = arith.constant 128 : i32
    %mul3A_22 = arith.constant 632 : i32
    %mul3A_23 = arith.muli %arg1, %mul3A_22 : i32
    %add3A_24 = arith.constant 0 : i32
    %add3A_25 = arith.addi %mul3A_23, %add3A_24 : i32
    "tpu.region"() ({
      %run_scoped3A = tpu.sem_alloc : memref<!tpu.dma_semaphore, #tpu.memory_space<semaphore_mem>>
      %dma_start3A_112 = arith.constant 0 : i32
      %dma_start3A_113 = tpu.memref_slice %arg16[%add3A_25, %dma_start3A_112] : memref<10112x64xf32, #tpu.memory_space<vmem_shared>> -> memref<128x64xf32, #tpu.memory_space<vmem_shared>>
      %dma_start3A_114 = arith.constant 0 : i32
      %dma_start3A_115 = tpu.memref_slice %arg16[%add3A_25, %dma_start3A_114] : memref<10112x64xf32, #tpu.memory_space<vmem_shared>> -> memref<128x64xf32, #tpu.memory_space<vmem_shared>>
      tpu.enqueue_dma source(%arg8 : memref<128x64xf32, #tpu.memory_space<vmem>>) target(%dma_start3A_115 : memref<128x64xf32, #tpu.memory_space<vmem_shared>>) target_semaphore(%run_scoped3A : memref<!tpu.dma_semaphore, #tpu.memory_space<semaphore_mem>>)
      %dma_wait3A_116 = arith.constant 0 : i32
      %dma_wait3A_117 = tpu.memref_slice %arg16[%add3A_25, %dma_wait3A_116] : memref<10112x64xf32, #tpu.memory_space<vmem_shared>> -> memref<128x64xf32, #tpu.memory_space<vmem_shared>>
      %dma_wait3A_118 = arith.constant 0 : i32
      %dma_wait3A_119 = tpu.memref_slice %arg16[%add3A_25, %dma_wait3A_118] : memref<10112x64xf32, #tpu.memory_space<vmem_shared>> -> memref<128x64xf32, #tpu.memory_space<vmem_shared>>
      tpu.wait_dma2 semaphore(%run_scoped3A : memref<!tpu.dma_semaphore, #tpu.memory_space<semaphore_mem>>) src(%arg8 : memref<128x64xf32, #tpu.memory_space<vmem>>) dst(%dma_wait3A_119 : memref<128x64xf32, #tpu.memory_space<vmem_shared>>)
      tpu.yield
    }) : () -> ()
    %add3A_26 = arith.constant 128 : i32
    %add3A_27 = arith.addi %mul3A_23, %add3A_26 : i32
    "tpu.region"() ({
      %run_scoped3A = tpu.sem_alloc : memref<!tpu.dma_semaphore, #tpu.memory_space<semaphore_mem>>
      %dma_start3A_112 = arith.constant 0 : i32
      %dma_start3A_113 = tpu.memref_slice %arg16[%add3A_27, %dma_start3A_112] : memref<10112x64xf32, #tpu.memory_space<vmem_shared>> -> memref<128x64xf32, #tpu.memory_space<vmem_shared>>
      %dma_start3A_114 = arith.constant 0 : i32
      %dma_start3A_115 = tpu.memref_slice %arg16[%add3A_27, %dma_start3A_114] : memref<10112x64xf32, #tpu.memory_space<vmem_shared>> -> memref<128x64xf32, #tpu.memory_space<vmem_shared>>
      tpu.enqueue_dma source(%arg8 : memref<128x64xf32, #tpu.memory_space<vmem>>) target(%dma_start3A_115 : memref<128x64xf32, #tpu.memory_space<vmem_shared>>) target_semaphore(%run_scoped3A : memref<!tpu.dma_semaphore, #tpu.memory_space<semaphore_mem>>)
      %dma_wait3A_116 = arith.constant 0 : i32
      %dma_wait3A_117 = tpu.memref_slice %arg16[%add3A_27, %dma_wait3A_116] : memref<10112x64xf32, #tpu.memory_space<vmem_shared>> -> memref<128x64xf32, #tpu.memory_space<vmem_shared>>
      %dma_wait3A_118 = arith.constant 0 : i32
      %dma_wait3A_119 = tpu.memref_slice %arg16[%add3A_27, %dma_wait3A_118] : memref<10112x64xf32, #tpu.memory_space<vmem_shared>> -> memref<128x64xf32, #tpu.memory_space<vmem_shared>>
      tpu.wait_dma2 semaphore(%run_scoped3A : memref<!tpu.dma_semaphore, #tpu.memory_space<semaphore_mem>>) src(%arg8 : memref<128x64xf32, #tpu.memory_space<vmem>>) dst(%dma_wait3A_119 : memref<128x64xf32, #tpu.memory_space<vmem_shared>>)
      tpu.yield
    }) : () -> ()
    %add3A_28 = arith.constant 256 : i32
    %add3A_29 = arith.addi %mul3A_23, %add3A_28 : i32
    "tpu.region"() ({
      %run_scoped3A = tpu.sem_alloc : memref<!tpu.dma_semaphore, #tpu.memory_space<semaphore_mem>>
      %dma_start3A_112 = arith.constant 0 : i32
      %dma_start3A_113 = tpu.memref_slice %arg16[%add3A_29, %dma_start3A_112] : memref<10112x64xf32, #tpu.memory_space<vmem_shared>> -> memref<128x64xf32, #tpu.memory_space<vmem_shared>>
      %dma_start3A_114 = arith.constant 0 : i32
      %dma_start3A_115 = tpu.memref_slice %arg16[%add3A_29, %dma_start3A_114] : memref<10112x64xf32, #tpu.memory_space<vmem_shared>> -> memref<128x64xf32, #tpu.memory_space<vmem_shared>>
      tpu.enqueue_dma source(%arg8 : memref<128x64xf32, #tpu.memory_space<vmem>>) target(%dma_start3A_115 : memref<128x64xf32, #tpu.memory_space<vmem_shared>>) target_semaphore(%run_scoped3A : memref<!tpu.dma_semaphore, #tpu.memory_space<semaphore_mem>>)
      %dma_wait3A_116 = arith.constant 0 : i32
      %dma_wait3A_117 = tpu.memref_slice %arg16[%add3A_29, %dma_wait3A_116] : memref<10112x64xf32, #tpu.memory_space<vmem_shared>> -> memref<128x64xf32, #tpu.memory_space<vmem_shared>>
      %dma_wait3A_118 = arith.constant 0 : i32
      %dma_wait3A_119 = tpu.memref_slice %arg16[%add3A_29, %dma_wait3A_118] : memref<10112x64xf32, #tpu.memory_space<vmem_shared>> -> memref<128x64xf32, #tpu.memory_space<vmem_shared>>
      tpu.wait_dma2 semaphore(%run_scoped3A : memref<!tpu.dma_semaphore, #tpu.memory_space<semaphore_mem>>) src(%arg8 : memref<128x64xf32, #tpu.memory_space<vmem>>) dst(%dma_wait3A_119 : memref<128x64xf32, #tpu.memory_space<vmem_shared>>)
      tpu.yield
    }) : () -> ()
    %add3A_30 = arith.constant 384 : i32
    %add3A_31 = arith.addi %mul3A_23, %add3A_30 : i32
    "tpu.region"() ({
      %run_scoped3A = tpu.sem_alloc : memref<!tpu.dma_semaphore, #tpu.memory_space<semaphore_mem>>
      %dma_start3A_112 = arith.constant 0 : i32
      %dma_start3A_113 = tpu.memref_slice %arg16[%add3A_31, %dma_start3A_112] : memref<10112x64xf32, #tpu.memory_space<vmem_shared>> -> memref<128x64xf32, #tpu.memory_space<vmem_shared>>
      %dma_start3A_114 = arith.constant 0 : i32
      %dma_start3A_115 = tpu.memref_slice %arg16[%add3A_31, %dma_start3A_114] : memref<10112x64xf32, #tpu.memory_space<vmem_shared>> -> memref<128x64xf32, #tpu.memory_space<vmem_shared>>
      tpu.enqueue_dma source(%arg8 : memref<128x64xf32, #tpu.memory_space<vmem>>) target(%dma_start3A_115 : memref<128x64xf32, #tpu.memory_space<vmem_shared>>) target_semaphore(%run_scoped3A : memref<!tpu.dma_semaphore, #tpu.memory_space<semaphore_mem>>)
      %dma_wait3A_116 = arith.constant 0 : i32
      %dma_wait3A_117 = tpu.memref_slice %arg16[%add3A_31, %dma_wait3A_116] : memref<10112x64xf32, #tpu.memory_space<vmem_shared>> -> memref<128x64xf32, #tpu.memory_space<vmem_shared>>
      %dma_wait3A_118 = arith.constant 0 : i32
      %dma_wait3A_119 = tpu.memref_slice %arg16[%add3A_31, %dma_wait3A_118] : memref<10112x64xf32, #tpu.memory_space<vmem_shared>> -> memref<128x64xf32, #tpu.memory_space<vmem_shared>>
      tpu.wait_dma2 semaphore(%run_scoped3A : memref<!tpu.dma_semaphore, #tpu.memory_space<semaphore_mem>>) src(%arg8 : memref<128x64xf32, #tpu.memory_space<vmem>>) dst(%dma_wait3A_119 : memref<128x64xf32, #tpu.memory_space<vmem_shared>>)
      tpu.yield
    }) : () -> ()
    %add3A_32 = arith.constant 512 : i32
    %add3A_33 = arith.addi %mul3A_23, %add3A_32 : i32
    "tpu.region"() ({
      %run_scoped3A = tpu.sem_alloc : memref<!tpu.dma_semaphore, #tpu.memory_space<semaphore_mem>>
      %dma_start3A_112 = arith.constant 0 : i32
      %dma_start3A_113 = arith.constant 0 : i32
      %dma_start3A_114 = tpu.memref_slice %arg8[%dma_start3A_112, %dma_start3A_113] : memref<128x64xf32, #tpu.memory_space<vmem>> -> memref<120x64xf32, #tpu.memory_space<vmem>>
      %dma_start3A_115 = arith.constant 0 : i32
      %dma_start3A_116 = tpu.memref_slice %arg16[%add3A_33, %dma_start3A_115] : memref<10112x64xf32, #tpu.memory_space<vmem_shared>> -> memref<120x64xf32, #tpu.memory_space<vmem_shared>>
      %dma_start3A_117 = arith.constant 0 : i32
      %dma_start3A_118 = tpu.memref_slice %arg16[%add3A_33, %dma_start3A_117] : memref<10112x64xf32, #tpu.memory_space<vmem_shared>> -> memref<120x64xf32, #tpu.memory_space<vmem_shared>>
      %dma_start3A_119 = arith.constant 0 : i32
      %dma_start3A_120 = arith.constant 0 : i32
      %dma_start3A_121 = tpu.memref_slice %arg8[%dma_start3A_119, %dma_start3A_120] : memref<128x64xf32, #tpu.memory_space<vmem>> -> memref<120x64xf32, #tpu.memory_space<vmem>>
      tpu.enqueue_dma source(%dma_start3A_121 : memref<120x64xf32, #tpu.memory_space<vmem>>) target(%dma_start3A_118 : memref<120x64xf32, #tpu.memory_space<vmem_shared>>) target_semaphore(%run_scoped3A : memref<!tpu.dma_semaphore, #tpu.memory_space<semaphore_mem>>)
      %dma_wait3A_122 = arith.constant 0 : i32
      %dma_wait3A_123 = arith.constant 0 : i32
      %dma_wait3A_124 = tpu.memref_slice %arg8[%dma_wait3A_122, %dma_wait3A_123] : memref<128x64xf32, #tpu.memory_space<vmem>> -> memref<120x64xf32, #tpu.memory_space<vmem>>
      %dma_wait3A_125 = arith.constant 0 : i32
      %dma_wait3A_126 = tpu.memref_slice %arg16[%add3A_33, %dma_wait3A_125] : memref<10112x64xf32, #tpu.memory_space<vmem_shared>> -> memref<120x64xf32, #tpu.memory_space<vmem_shared>>
      %dma_wait3A_127 = arith.constant 0 : i32
      %dma_wait3A_128 = tpu.memref_slice %arg16[%add3A_33, %dma_wait3A_127] : memref<10112x64xf32, #tpu.memory_space<vmem_shared>> -> memref<120x64xf32, #tpu.memory_space<vmem_shared>>
      %dma_wait3A_129 = arith.constant 0 : i32
      %dma_wait3A_130 = arith.constant 0 : i32
      %dma_wait3A_131 = tpu.memref_slice %arg8[%dma_wait3A_129, %dma_wait3A_130] : memref<128x64xf32, #tpu.memory_space<vmem>> -> memref<120x64xf32, #tpu.memory_space<vmem>>
      tpu.wait_dma2 semaphore(%run_scoped3A : memref<!tpu.dma_semaphore, #tpu.memory_space<semaphore_mem>>) src(%dma_wait3A_131 : memref<120x64xf32, #tpu.memory_space<vmem>>) dst(%dma_wait3A_128 : memref<120x64xf32, #tpu.memory_space<vmem_shared>>)
      tpu.yield
    }) : () -> ()
    %dma_wait3A = arith.constant 0 : i32
    %dma_wait3A_34 = arith.constant 0 : i32
    %dma_wait3A_35 = tpu.memref_slice %arg3[%add3A, %dma_wait3A, %dma_wait3A_34] : memref<32x80x128xi32, #tpu.memory_space<hbm>> -> memref<1x80x128xi32, #tpu.memory_space<hbm>>
    %dma_wait3A_36 = tpu.memref_squeeze %dma_wait3A_35 : memref<1x80x128xi32, #tpu.memory_space<hbm>> -> memref<80x128xi32, #tpu.memory_space<hbm>>
    %dma_wait3A_37 = arith.constant 0 : i32
    %dma_wait3A_38 = arith.constant 0 : i32
    %dma_wait3A_39 = tpu.memref_slice %arg3[%add3A, %dma_wait3A_37, %dma_wait3A_38] : memref<32x80x128xi32, #tpu.memory_space<hbm>> -> memref<1x80x128xi32, #tpu.memory_space<hbm>>
    %dma_wait3A_40 = tpu.memref_squeeze %dma_wait3A_39 : memref<1x80x128xi32, #tpu.memory_space<hbm>> -> memref<80x128xi32, #tpu.memory_space<hbm>>
    tpu.wait_dma2 semaphore(%arg17 : memref<!tpu.dma_semaphore, #tpu.memory_space<semaphore_mem>>) src(%dma_wait3A_40 : memref<80x128xi32, #tpu.memory_space<hbm>>) dst(%arg6 : memref<80x128xi32, #tpu.memory_space<vmem>>)
    %dma_wait3A_41 = arith.constant 0 : i32
    %dma_wait3A_42 = arith.constant 0 : i32
    %dma_wait3A_43 = tpu.memref_slice %arg4[%add3A, %dma_wait3A_41, %dma_wait3A_42] : memref<32x80x128xi32, #tpu.memory_space<hbm>> -> memref<1x80x128xi32, #tpu.memory_space<hbm>>
    %dma_wait3A_44 = tpu.memref_squeeze %dma_wait3A_43 : memref<1x80x128xi32, #tpu.memory_space<hbm>> -> memref<80x128xi32, #tpu.memory_space<hbm>>
    %dma_wait3A_45 = arith.constant 0 : i32
    %dma_wait3A_46 = arith.constant 0 : i32
    %dma_wait3A_47 = tpu.memref_slice %arg4[%add3A, %dma_wait3A_45, %dma_wait3A_46] : memref<32x80x128xi32, #tpu.memory_space<hbm>> -> memref<1x80x128xi32, #tpu.memory_space<hbm>>
    %dma_wait3A_48 = tpu.memref_squeeze %dma_wait3A_47 : memref<1x80x128xi32, #tpu.memory_space<hbm>> -> memref<80x128xi32, #tpu.memory_space<hbm>>
    tpu.wait_dma2 semaphore(%arg17 : memref<!tpu.dma_semaphore, #tpu.memory_space<semaphore_mem>>) src(%dma_wait3A_48 : memref<80x128xi32, #tpu.memory_space<hbm>>) dst(%arg7 : memref<80x128xi32, #tpu.memory_space<vmem>>)
    %barrier3A = arith.constant 0 : index
    tpu.barrier barrier_id(%barrier3A)
    %dma_start3A_49 = arith.constant 0 : i32
    %dma_start3A_50 = arith.constant 0 : i32
    %dma_start3A_51 = tpu.memref_slice %arg6[%dma_start3A_49, %dma_start3A_50] : memref<80x128xi32, #tpu.memory_space<vmem>> -> memref<1x128xi32, #tpu.memory_space<vmem>>
    %dma_start3A_52 = tpu.memref_squeeze %dma_start3A_51 : memref<1x128xi32, #tpu.memory_space<vmem>> -> memref<128xi32, #tpu.memory_space<vmem>>
    %dma_start3A_53 = arith.constant 0 : i32
    %dma_start3A_54 = arith.constant 0 : i32
    %dma_start3A_55 = tpu.memref_slice %arg2[%dma_start3A_53, %dma_start3A_54] : memref<10112x64xf32, #tpu.memory_space<hbm>> -> memref<10112x64xf32, #tpu.memory_space<hbm>>
    tpu.enqueue_indirect_dma source(%dma_start3A_55 : memref<10112x64xf32, #tpu.memory_space<hbm>>) target(%arg8 : memref<128x64xf32, #tpu.memory_space<vmem>>) offsets(%dma_start3A_52 : memref<128xi32, #tpu.memory_space<vmem>>) semaphore(%arg18 : memref<!tpu.dma_semaphore, #tpu.memory_space<semaphore_mem>>)
    %dma_start3A_56 = arith.constant 1 : i32
    %dma_start3A_57 = arith.constant 0 : i32
    %dma_start3A_58 = tpu.memref_slice %arg6[%dma_start3A_56, %dma_start3A_57] : memref<80x128xi32, #tpu.memory_space<vmem>> -> memref<1x128xi32, #tpu.memory_space<vmem>>
    %dma_start3A_59 = tpu.memref_squeeze %dma_start3A_58 : memref<1x128xi32, #tpu.memory_space<vmem>> -> memref<128xi32, #tpu.memory_space<vmem>>
    %dma_start3A_60 = arith.constant 0 : i32
    %dma_start3A_61 = arith.constant 0 : i32
    %dma_start3A_62 = tpu.memref_slice %arg2[%dma_start3A_60, %dma_start3A_61] : memref<10112x64xf32, #tpu.memory_space<hbm>> -> memref<10112x64xf32, #tpu.memory_space<hbm>>
    tpu.enqueue_indirect_dma source(%dma_start3A_62 : memref<10112x64xf32, #tpu.memory_space<hbm>>) target(%arg9 : memref<128x64xf32, #tpu.memory_space<vmem>>) offsets(%dma_start3A_59 : memref<128xi32, #tpu.memory_space<vmem>>) semaphore(%arg18 : memref<!tpu.dma_semaphore, #tpu.memory_space<semaphore_mem>>)
    %dma_start3A_63 = arith.constant 2 : i32
    %dma_start3A_64 = arith.constant 0 : i32
    %dma_start3A_65 = tpu.memref_slice %arg6[%dma_start3A_63, %dma_start3A_64] : memref<80x128xi32, #tpu.memory_space<vmem>> -> memref<1x128xi32, #tpu.memory_space<vmem>>
    %dma_start3A_66 = tpu.memref_squeeze %dma_start3A_65 : memref<1x128xi32, #tpu.memory_space<vmem>> -> memref<128xi32, #tpu.memory_space<vmem>>
    %dma_start3A_67 = arith.constant 0 : i32
    %dma_start3A_68 = arith.constant 0 : i32
    %dma_start3A_69 = tpu.memref_slice %arg2[%dma_start3A_67, %dma_start3A_68] : memref<10112x64xf32, #tpu.memory_space<hbm>> -> memref<10112x64xf32, #tpu.memory_space<hbm>>
    tpu.enqueue_indirect_dma source(%dma_start3A_69 : memref<10112x64xf32, #tpu.memory_space<hbm>>) target(%arg10 : memref<128x64xf32, #tpu.memory_space<vmem>>) offsets(%dma_start3A_66 : memref<128xi32, #tpu.memory_space<vmem>>) semaphore(%arg18 : memref<!tpu.dma_semaphore, #tpu.memory_space<semaphore_mem>>)
    %dma_start3A_70 = arith.constant 3 : i32
    %dma_start3A_71 = arith.constant 0 : i32
    %dma_start3A_72 = tpu.memref_slice %arg6[%dma_start3A_70, %dma_start3A_71] : memref<80x128xi32, #tpu.memory_space<vmem>> -> memref<1x128xi32, #tpu.memory_space<vmem>>
    %dma_start3A_73 = tpu.memref_squeeze %dma_start3A_72 : memref<1x128xi32, #tpu.memory_space<vmem>> -> memref<128xi32, #tpu.memory_space<vmem>>
    %dma_start3A_74 = arith.constant 0 : i32
    %dma_start3A_75 = arith.constant 0 : i32
    %dma_start3A_76 = tpu.memref_slice %arg2[%dma_start3A_74, %dma_start3A_75] : memref<10112x64xf32, #tpu.memory_space<hbm>> -> memref<10112x64xf32, #tpu.memory_space<hbm>>
    tpu.enqueue_indirect_dma source(%dma_start3A_76 : memref<10112x64xf32, #tpu.memory_space<hbm>>) target(%arg11 : memref<128x64xf32, #tpu.memory_space<vmem>>) offsets(%dma_start3A_73 : memref<128xi32, #tpu.memory_space<vmem>>) semaphore(%arg18 : memref<!tpu.dma_semaphore, #tpu.memory_space<semaphore_mem>>)
    %dma_start3A_77 = arith.constant 4 : i32
    %dma_start3A_78 = arith.constant 0 : i32
    %dma_start3A_79 = tpu.memref_slice %arg6[%dma_start3A_77, %dma_start3A_78] : memref<80x128xi32, #tpu.memory_space<vmem>> -> memref<1x128xi32, #tpu.memory_space<vmem>>
    %dma_start3A_80 = tpu.memref_squeeze %dma_start3A_79 : memref<1x128xi32, #tpu.memory_space<vmem>> -> memref<128xi32, #tpu.memory_space<vmem>>
    %dma_start3A_81 = arith.constant 0 : i32
    %dma_start3A_82 = arith.constant 0 : i32
    %dma_start3A_83 = tpu.memref_slice %arg2[%dma_start3A_81, %dma_start3A_82] : memref<10112x64xf32, #tpu.memory_space<hbm>> -> memref<10112x64xf32, #tpu.memory_space<hbm>>
    tpu.enqueue_indirect_dma source(%dma_start3A_83 : memref<10112x64xf32, #tpu.memory_space<hbm>>) target(%arg12 : memref<128x64xf32, #tpu.memory_space<vmem>>) offsets(%dma_start3A_80 : memref<128xi32, #tpu.memory_space<vmem>>) semaphore(%arg19 : memref<!tpu.dma_semaphore, #tpu.memory_space<semaphore_mem>>)
    %dma_start3A_84 = arith.constant 5 : i32
    %dma_start3A_85 = arith.constant 0 : i32
    %dma_start3A_86 = tpu.memref_slice %arg6[%dma_start3A_84, %dma_start3A_85] : memref<80x128xi32, #tpu.memory_space<vmem>> -> memref<1x128xi32, #tpu.memory_space<vmem>>
    %dma_start3A_87 = tpu.memref_squeeze %dma_start3A_86 : memref<1x128xi32, #tpu.memory_space<vmem>> -> memref<128xi32, #tpu.memory_space<vmem>>
    %dma_start3A_88 = arith.constant 0 : i32
    %dma_start3A_89 = arith.constant 0 : i32
    %dma_start3A_90 = tpu.memref_slice %arg2[%dma_start3A_88, %dma_start3A_89] : memref<10112x64xf32, #tpu.memory_space<hbm>> -> memref<10112x64xf32, #tpu.memory_space<hbm>>
    tpu.enqueue_indirect_dma source(%dma_start3A_90 : memref<10112x64xf32, #tpu.memory_space<hbm>>) target(%arg13 : memref<128x64xf32, #tpu.memory_space<vmem>>) offsets(%dma_start3A_87 : memref<128xi32, #tpu.memory_space<vmem>>) semaphore(%arg19 : memref<!tpu.dma_semaphore, #tpu.memory_space<semaphore_mem>>)
    %dma_start3A_91 = arith.constant 6 : i32
    %dma_start3A_92 = arith.constant 0 : i32
    %dma_start3A_93 = tpu.memref_slice %arg6[%dma_start3A_91, %dma_start3A_92] : memref<80x128xi32, #tpu.memory_space<vmem>> -> memref<1x128xi32, #tpu.memory_space<vmem>>
    %dma_start3A_94 = tpu.memref_squeeze %dma_start3A_93 : memref<1x128xi32, #tpu.memory_space<vmem>> -> memref<128xi32, #tpu.memory_space<vmem>>
    %dma_start3A_95 = arith.constant 0 : i32
    %dma_start3A_96 = arith.constant 0 : i32
    %dma_start3A_97 = tpu.memref_slice %arg2[%dma_start3A_95, %dma_start3A_96] : memref<10112x64xf32, #tpu.memory_space<hbm>> -> memref<10112x64xf32, #tpu.memory_space<hbm>>
    tpu.enqueue_indirect_dma source(%dma_start3A_97 : memref<10112x64xf32, #tpu.memory_space<hbm>>) target(%arg14 : memref<128x64xf32, #tpu.memory_space<vmem>>) offsets(%dma_start3A_94 : memref<128xi32, #tpu.memory_space<vmem>>) semaphore(%arg19 : memref<!tpu.dma_semaphore, #tpu.memory_space<semaphore_mem>>)
    %dma_start3A_98 = arith.constant 7 : i32
    %dma_start3A_99 = arith.constant 0 : i32
    %dma_start3A_100 = tpu.memref_slice %arg6[%dma_start3A_98, %dma_start3A_99] : memref<80x128xi32, #tpu.memory_space<vmem>> -> memref<1x128xi32, #tpu.memory_space<vmem>>
    %dma_start3A_101 = tpu.memref_squeeze %dma_start3A_100 : memref<1x128xi32, #tpu.memory_space<vmem>> -> memref<128xi32, #tpu.memory_space<vmem>>
    %dma_start3A_102 = arith.constant 0 : i32
    %dma_start3A_103 = arith.constant 0 : i32
    %dma_start3A_104 = tpu.memref_slice %arg2[%dma_start3A_102, %dma_start3A_103] : memref<10112x64xf32, #tpu.memory_space<hbm>> -> memref<10112x64xf32, #tpu.memory_space<hbm>>
    tpu.enqueue_indirect_dma source(%dma_start3A_104 : memref<10112x64xf32, #tpu.memory_space<hbm>>) target(%arg15 : memref<128x64xf32, #tpu.memory_space<vmem>>) offsets(%dma_start3A_101 : memref<128xi32, #tpu.memory_space<vmem>>) semaphore(%arg19 : memref<!tpu.dma_semaphore, #tpu.memory_space<semaphore_mem>>)
    %scan3A_105 = arith.constant 0 : i32
    %scan3A_106 = arith.constant 0 : i32
    %scan3A_107 = arith.constant 10 : i32
    %scan3A_108 = arith.addi %scan3A_106, %scan3A_107 : i32
    %scan3A_109 = arith.constant 1 : i32
    scf.for %scan3A_112 = %scan3A_106 to %scan3A_108 step %scan3A_109  : i32 {
      %mul3A_113 = arith.constant 2 : i32
      %mul3A_114 = arith.muli %scan3A_112, %mul3A_113 : i32
      %add3A_115 = arith.constant 0 : i32
      %add3A_116 = arith.addi %mul3A_114, %add3A_115 : i32
      %mul3A_117 = arith.constant 4 : i32
      %mul3A_118 = arith.muli %add3A_116, %mul3A_117 : i32
      %add3A_119 = arith.constant 0 : i32
      %add3A_120 = arith.addi %mul3A_118, %add3A_119 : i32
      %dma_wait3A_121 = arith.constant 0 : i32
      %dma_wait3A_122 = tpu.memref_slice %arg6[%add3A_120, %dma_wait3A_121] : memref<80x128xi32, #tpu.memory_space<vmem>> -> memref<1x128xi32, #tpu.memory_space<vmem>>
      %dma_wait3A_123 = tpu.memref_squeeze %dma_wait3A_122 : memref<1x128xi32, #tpu.memory_space<vmem>> -> memref<128xi32, #tpu.memory_space<vmem>>
      %dma_wait3A_124 = arith.constant 0 : i32
      %dma_wait3A_125 = arith.constant 0 : i32
      %dma_wait3A_126 = tpu.memref_slice %arg2[%dma_wait3A_124, %dma_wait3A_125] : memref<10112x64xf32, #tpu.memory_space<hbm>> -> memref<10112x64xf32, #tpu.memory_space<hbm>>
      tpu.wait_indirect_dma semaphore(%arg18 : memref<!tpu.dma_semaphore, #tpu.memory_space<semaphore_mem>>) src(%dma_wait3A_126 : memref<10112x64xf32, #tpu.memory_space<hbm>>) dst(%arg8 : memref<128x64xf32, #tpu.memory_space<vmem>>)
      %add3A_127 = arith.constant 1 : i32
      %add3A_128 = arith.addi %mul3A_118, %add3A_127 : i32
      %dma_wait3A_129 = arith.constant 0 : i32
      %dma_wait3A_130 = tpu.memref_slice %arg6[%add3A_128, %dma_wait3A_129] : memref<80x128xi32, #tpu.memory_space<vmem>> -> memref<1x128xi32, #tpu.memory_space<vmem>>
      %dma_wait3A_131 = tpu.memref_squeeze %dma_wait3A_130 : memref<1x128xi32, #tpu.memory_space<vmem>> -> memref<128xi32, #tpu.memory_space<vmem>>
      %dma_wait3A_132 = arith.constant 0 : i32
      %dma_wait3A_133 = arith.constant 0 : i32
      %dma_wait3A_134 = tpu.memref_slice %arg2[%dma_wait3A_132, %dma_wait3A_133] : memref<10112x64xf32, #tpu.memory_space<hbm>> -> memref<10112x64xf32, #tpu.memory_space<hbm>>
      tpu.wait_indirect_dma semaphore(%arg18 : memref<!tpu.dma_semaphore, #tpu.memory_space<semaphore_mem>>) src(%dma_wait3A_134 : memref<10112x64xf32, #tpu.memory_space<hbm>>) dst(%arg9 : memref<128x64xf32, #tpu.memory_space<vmem>>)
      %add3A_135 = arith.constant 2 : i32
      %add3A_136 = arith.addi %mul3A_118, %add3A_135 : i32
      %dma_wait3A_137 = arith.constant 0 : i32
      %dma_wait3A_138 = tpu.memref_slice %arg6[%add3A_136, %dma_wait3A_137] : memref<80x128xi32, #tpu.memory_space<vmem>> -> memref<1x128xi32, #tpu.memory_space<vmem>>
      %dma_wait3A_139 = tpu.memref_squeeze %dma_wait3A_138 : memref<1x128xi32, #tpu.memory_space<vmem>> -> memref<128xi32, #tpu.memory_space<vmem>>
      %dma_wait3A_140 = arith.constant 0 : i32
      %dma_wait3A_141 = arith.constant 0 : i32
      %dma_wait3A_142 = tpu.memref_slice %arg2[%dma_wait3A_140, %dma_wait3A_141] : memref<10112x64xf32, #tpu.memory_space<hbm>> -> memref<10112x64xf32, #tpu.memory_space<hbm>>
      tpu.wait_indirect_dma semaphore(%arg18 : memref<!tpu.dma_semaphore, #tpu.memory_space<semaphore_mem>>) src(%dma_wait3A_142 : memref<10112x64xf32, #tpu.memory_space<hbm>>) dst(%arg10 : memref<128x64xf32, #tpu.memory_space<vmem>>)
      %add3A_143 = arith.constant 3 : i32
      %add3A_144 = arith.addi %mul3A_118, %add3A_143 : i32
      %dma_wait3A_145 = arith.constant 0 : i32
      %dma_wait3A_146 = tpu.memref_slice %arg6[%add3A_144, %dma_wait3A_145] : memref<80x128xi32, #tpu.memory_space<vmem>> -> memref<1x128xi32, #tpu.memory_space<vmem>>
      %dma_wait3A_147 = tpu.memref_squeeze %dma_wait3A_146 : memref<1x128xi32, #tpu.memory_space<vmem>> -> memref<128xi32, #tpu.memory_space<vmem>>
      %dma_wait3A_148 = arith.constant 0 : i32
      %dma_wait3A_149 = arith.constant 0 : i32
      %dma_wait3A_150 = tpu.memref_slice %arg2[%dma_wait3A_148, %dma_wait3A_149] : memref<10112x64xf32, #tpu.memory_space<hbm>> -> memref<10112x64xf32, #tpu.memory_space<hbm>>
      tpu.wait_indirect_dma semaphore(%arg18 : memref<!tpu.dma_semaphore, #tpu.memory_space<semaphore_mem>>) src(%dma_wait3A_150 : memref<10112x64xf32, #tpu.memory_space<hbm>>) dst(%arg11 : memref<128x64xf32, #tpu.memory_space<vmem>>)
      %add3A_151 = arith.constant 0 : i32
      %add3A_152 = arith.addi %mul3A_118, %add3A_151 : i32
      "tpu.region"() ({
        %run_scoped3A = tpu.sem_alloc : memref<!tpu.dma_semaphore, #tpu.memory_space<semaphore_mem>>
        %dma_start3A_216 = arith.constant 0 : i32
        %dma_start3A_217 = tpu.memref_slice %arg7[%add3A_152, %dma_start3A_216] : memref<80x128xi32, #tpu.memory_space<vmem>> -> memref<1x128xi32, #tpu.memory_space<vmem>>
        %dma_start3A_218 = tpu.memref_squeeze %dma_start3A_217 : memref<1x128xi32, #tpu.memory_space<vmem>> -> memref<128xi32, #tpu.memory_space<vmem>>
        %dma_start3A_219 = arith.constant 0 : i32
        %dma_start3A_220 = arith.constant 0 : i32
        %dma_start3A_221 = tpu.memref_slice %arg16[%dma_start3A_219, %dma_start3A_220] : memref<10112x64xf32, #tpu.memory_space<vmem_shared>> -> memref<10112x64xf32, #tpu.memory_space<vmem_shared>>
        tpu.enqueue_indirect_dma source(%arg8 : memref<128x64xf32, #tpu.memory_space<vmem>>) target(%dma_start3A_221 : memref<10112x64xf32, #tpu.memory_space<vmem_shared>>) offsets(%dma_start3A_218 : memref<128xi32, #tpu.memory_space<vmem>>) semaphore(%run_scoped3A : memref<!tpu.dma_semaphore, #tpu.memory_space<semaphore_mem>>) {add = true}
        %dma_wait3A_222 = arith.constant 0 : i32
        %dma_wait3A_223 = tpu.memref_slice %arg7[%add3A_152, %dma_wait3A_222] : memref<80x128xi32, #tpu.memory_space<vmem>> -> memref<1x128xi32, #tpu.memory_space<vmem>>
        %dma_wait3A_224 = tpu.memref_squeeze %dma_wait3A_223 : memref<1x128xi32, #tpu.memory_space<vmem>> -> memref<128xi32, #tpu.memory_space<vmem>>
        %dma_wait3A_225 = arith.constant 0 : i32
        %dma_wait3A_226 = arith.constant 0 : i32
        %dma_wait3A_227 = tpu.memref_slice %arg16[%dma_wait3A_225, %dma_wait3A_226] : memref<10112x64xf32, #tpu.memory_space<vmem_shared>> -> memref<10112x64xf32, #tpu.memory_space<vmem_shared>>
        tpu.wait_indirect_dma semaphore(%run_scoped3A : memref<!tpu.dma_semaphore, #tpu.memory_space<semaphore_mem>>) src(%arg8 : memref<128x64xf32, #tpu.memory_space<vmem>>) dst(%dma_wait3A_227 : memref<10112x64xf32, #tpu.memory_space<vmem_shared>>)
        tpu.yield
      }) : () -> ()
      %add3A_153 = arith.constant 1 : i32
      %add3A_154 = arith.addi %mul3A_118, %add3A_153 : i32
      "tpu.region"() ({
        %run_scoped3A = tpu.sem_alloc : memref<!tpu.dma_semaphore, #tpu.memory_space<semaphore_mem>>
        %dma_start3A_216 = arith.constant 0 : i32
        %dma_start3A_217 = tpu.memref_slice %arg7[%add3A_154, %dma_start3A_216] : memref<80x128xi32, #tpu.memory_space<vmem>> -> memref<1x128xi32, #tpu.memory_space<vmem>>
        %dma_start3A_218 = tpu.memref_squeeze %dma_start3A_217 : memref<1x128xi32, #tpu.memory_space<vmem>> -> memref<128xi32, #tpu.memory_space<vmem>>
        %dma_start3A_219 = arith.constant 0 : i32
        %dma_start3A_220 = arith.constant 0 : i32
        %dma_start3A_221 = tpu.memref_slice %arg16[%dma_start3A_219, %dma_start3A_220] : memref<10112x64xf32, #tpu.memory_space<vmem_shared>> -> memref<10112x64xf32, #tpu.memory_space<vmem_shared>>
        tpu.enqueue_indirect_dma source(%arg9 : memref<128x64xf32, #tpu.memory_space<vmem>>) target(%dma_start3A_221 : memref<10112x64xf32, #tpu.memory_space<vmem_shared>>) offsets(%dma_start3A_218 : memref<128xi32, #tpu.memory_space<vmem>>) semaphore(%run_scoped3A : memref<!tpu.dma_semaphore, #tpu.memory_space<semaphore_mem>>) {add = true}
        %dma_wait3A_222 = arith.constant 0 : i32
        %dma_wait3A_223 = tpu.memref_slice %arg7[%add3A_154, %dma_wait3A_222] : memref<80x128xi32, #tpu.memory_space<vmem>> -> memref<1x128xi32, #tpu.memory_space<vmem>>
        %dma_wait3A_224 = tpu.memref_squeeze %dma_wait3A_223 : memref<1x128xi32, #tpu.memory_space<vmem>> -> memref<128xi32, #tpu.memory_space<vmem>>
        %dma_wait3A_225 = arith.constant 0 : i32
        %dma_wait3A_226 = arith.constant 0 : i32
        %dma_wait3A_227 = tpu.memref_slice %arg16[%dma_wait3A_225, %dma_wait3A_226] : memref<10112x64xf32, #tpu.memory_space<vmem_shared>> -> memref<10112x64xf32, #tpu.memory_space<vmem_shared>>
        tpu.wait_indirect_dma semaphore(%run_scoped3A : memref<!tpu.dma_semaphore, #tpu.memory_space<semaphore_mem>>) src(%arg9 : memref<128x64xf32, #tpu.memory_space<vmem>>) dst(%dma_wait3A_227 : memref<10112x64xf32, #tpu.memory_space<vmem_shared>>)
        tpu.yield
      }) : () -> ()
      %add3A_155 = arith.constant 2 : i32
      %add3A_156 = arith.addi %mul3A_118, %add3A_155 : i32
      "tpu.region"() ({
        %run_scoped3A = tpu.sem_alloc : memref<!tpu.dma_semaphore, #tpu.memory_space<semaphore_mem>>
        %dma_start3A_216 = arith.constant 0 : i32
        %dma_start3A_217 = tpu.memref_slice %arg7[%add3A_156, %dma_start3A_216] : memref<80x128xi32, #tpu.memory_space<vmem>> -> memref<1x128xi32, #tpu.memory_space<vmem>>
        %dma_start3A_218 = tpu.memref_squeeze %dma_start3A_217 : memref<1x128xi32, #tpu.memory_space<vmem>> -> memref<128xi32, #tpu.memory_space<vmem>>
        %dma_start3A_219 = arith.constant 0 : i32
        %dma_start3A_220 = arith.constant 0 : i32
        %dma_start3A_221 = tpu.memref_slice %arg16[%dma_start3A_219, %dma_start3A_220] : memref<10112x64xf32, #tpu.memory_space<vmem_shared>> -> memref<10112x64xf32, #tpu.memory_space<vmem_shared>>
        tpu.enqueue_indirect_dma source(%arg10 : memref<128x64xf32, #tpu.memory_space<vmem>>) target(%dma_start3A_221 : memref<10112x64xf32, #tpu.memory_space<vmem_shared>>) offsets(%dma_start3A_218 : memref<128xi32, #tpu.memory_space<vmem>>) semaphore(%run_scoped3A : memref<!tpu.dma_semaphore, #tpu.memory_space<semaphore_mem>>) {add = true}
        %dma_wait3A_222 = arith.constant 0 : i32
        %dma_wait3A_223 = tpu.memref_slice %arg7[%add3A_156, %dma_wait3A_222] : memref<80x128xi32, #tpu.memory_space<vmem>> -> memref<1x128xi32, #tpu.memory_space<vmem>>
        %dma_wait3A_224 = tpu.memref_squeeze %dma_wait3A_223 : memref<1x128xi32, #tpu.memory_space<vmem>> -> memref<128xi32, #tpu.memory_space<vmem>>
        %dma_wait3A_225 = arith.constant 0 : i32
        %dma_wait3A_226 = arith.constant 0 : i32
        %dma_wait3A_227 = tpu.memref_slice %arg16[%dma_wait3A_225, %dma_wait3A_226] : memref<10112x64xf32, #tpu.memory_space<vmem_shared>> -> memref<10112x64xf32, #tpu.memory_space<vmem_shared>>
        tpu.wait_indirect_dma semaphore(%run_scoped3A : memref<!tpu.dma_semaphore, #tpu.memory_space<semaphore_mem>>) src(%arg10 : memref<128x64xf32, #tpu.memory_space<vmem>>) dst(%dma_wait3A_227 : memref<10112x64xf32, #tpu.memory_space<vmem_shared>>)
        tpu.yield
      }) : () -> ()
      %add3A_157 = arith.constant 3 : i32
      %add3A_158 = arith.addi %mul3A_118, %add3A_157 : i32
      "tpu.region"() ({
        %run_scoped3A = tpu.sem_alloc : memref<!tpu.dma_semaphore, #tpu.memory_space<semaphore_mem>>
        %dma_start3A_216 = arith.constant 0 : i32
        %dma_start3A_217 = tpu.memref_slice %arg7[%add3A_158, %dma_start3A_216] : memref<80x128xi32, #tpu.memory_space<vmem>> -> memref<1x128xi32, #tpu.memory_space<vmem>>
        %dma_start3A_218 = tpu.memref_squeeze %dma_start3A_217 : memref<1x128xi32, #tpu.memory_space<vmem>> -> memref<128xi32, #tpu.memory_space<vmem>>
        %dma_start3A_219 = arith.constant 0 : i32
        %dma_start3A_220 = arith.constant 0 : i32
        %dma_start3A_221 = tpu.memref_slice %arg16[%dma_start3A_219, %dma_start3A_220] : memref<10112x64xf32, #tpu.memory_space<vmem_shared>> -> memref<10112x64xf32, #tpu.memory_space<vmem_shared>>
        tpu.enqueue_indirect_dma source(%arg11 : memref<128x64xf32, #tpu.memory_space<vmem>>) target(%dma_start3A_221 : memref<10112x64xf32, #tpu.memory_space<vmem_shared>>) offsets(%dma_start3A_218 : memref<128xi32, #tpu.memory_space<vmem>>) semaphore(%run_scoped3A : memref<!tpu.dma_semaphore, #tpu.memory_space<semaphore_mem>>) {add = true}
        %dma_wait3A_222 = arith.constant 0 : i32
        %dma_wait3A_223 = tpu.memref_slice %arg7[%add3A_158, %dma_wait3A_222] : memref<80x128xi32, #tpu.memory_space<vmem>> -> memref<1x128xi32, #tpu.memory_space<vmem>>
        %dma_wait3A_224 = tpu.memref_squeeze %dma_wait3A_223 : memref<1x128xi32, #tpu.memory_space<vmem>> -> memref<128xi32, #tpu.memory_space<vmem>>
        %dma_wait3A_225 = arith.constant 0 : i32
        %dma_wait3A_226 = arith.constant 0 : i32
        %dma_wait3A_227 = tpu.memref_slice %arg16[%dma_wait3A_225, %dma_wait3A_226] : memref<10112x64xf32, #tpu.memory_space<vmem_shared>> -> memref<10112x64xf32, #tpu.memory_space<vmem_shared>>
        tpu.wait_indirect_dma semaphore(%run_scoped3A : memref<!tpu.dma_semaphore, #tpu.memory_space<semaphore_mem>>) src(%arg11 : memref<128x64xf32, #tpu.memory_space<vmem>>) dst(%dma_wait3A_227 : memref<10112x64xf32, #tpu.memory_space<vmem_shared>>)
        tpu.yield
      }) : () -> ()
      %add3A_159 = arith.constant 2 : i32
      %add3A_160 = arith.addi %add3A_116, %add3A_159 : i32
      %lt3A = arith.constant 20 : i32
      %lt3A_161 = arith.cmpi slt, %add3A_160, %lt3A : i32
      %convert_element_type3A = arith.extui %lt3A_161 : i1 to i32
      %cond3A = arith.constant 0 : i32
      %cond3A_162 = arith.cmpi ne, %convert_element_type3A, %cond3A : i32
      scf.if %cond3A_162 {
        %add3A_216 = arith.constant 8 : i32
        %add3A_217 = arith.addi %mul3A_118, %add3A_216 : i32
        %add3A_218 = arith.constant 0 : i32
        %add3A_219 = arith.addi %add3A_217, %add3A_218 : i32
        %dma_start3A_220 = arith.constant 0 : i32
        %dma_start3A_221 = tpu.memref_slice %arg6[%add3A_219, %dma_start3A_220] : memref<80x128xi32, #tpu.memory_space<vmem>> -> memref<1x128xi32, #tpu.memory_space<vmem>>
        %dma_start3A_222 = tpu.memref_squeeze %dma_start3A_221 : memref<1x128xi32, #tpu.memory_space<vmem>> -> memref<128xi32, #tpu.memory_space<vmem>>
        %dma_start3A_223 = arith.constant 0 : i32
        %dma_start3A_224 = arith.constant 0 : i32
        %dma_start3A_225 = tpu.memref_slice %arg2[%dma_start3A_223, %dma_start3A_224] : memref<10112x64xf32, #tpu.memory_space<hbm>> -> memref<10112x64xf32, #tpu.memory_space<hbm>>
        tpu.enqueue_indirect_dma source(%dma_start3A_225 : memref<10112x64xf32, #tpu.memory_space<hbm>>) target(%arg8 : memref<128x64xf32, #tpu.memory_space<vmem>>) offsets(%dma_start3A_222 : memref<128xi32, #tpu.memory_space<vmem>>) semaphore(%arg18 : memref<!tpu.dma_semaphore, #tpu.memory_space<semaphore_mem>>)
        %add3A_226 = arith.constant 8 : i32
        %add3A_227 = arith.addi %mul3A_118, %add3A_226 : i32
        %add3A_228 = arith.constant 1 : i32
        %add3A_229 = arith.addi %add3A_227, %add3A_228 : i32
        %dma_start3A_230 = arith.constant 0 : i32
        %dma_start3A_231 = tpu.memref_slice %arg6[%add3A_229, %dma_start3A_230] : memref<80x128xi32, #tpu.memory_space<vmem>> -> memref<1x128xi32, #tpu.memory_space<vmem>>
        %dma_start3A_232 = tpu.memref_squeeze %dma_start3A_231 : memref<1x128xi32, #tpu.memory_space<vmem>> -> memref<128xi32, #tpu.memory_space<vmem>>
        %dma_start3A_233 = arith.constant 0 : i32
        %dma_start3A_234 = arith.constant 0 : i32
        %dma_start3A_235 = tpu.memref_slice %arg2[%dma_start3A_233, %dma_start3A_234] : memref<10112x64xf32, #tpu.memory_space<hbm>> -> memref<10112x64xf32, #tpu.memory_space<hbm>>
        tpu.enqueue_indirect_dma source(%dma_start3A_235 : memref<10112x64xf32, #tpu.memory_space<hbm>>) target(%arg9 : memref<128x64xf32, #tpu.memory_space<vmem>>) offsets(%dma_start3A_232 : memref<128xi32, #tpu.memory_space<vmem>>) semaphore(%arg18 : memref<!tpu.dma_semaphore, #tpu.memory_space<semaphore_mem>>)
        %add3A_236 = arith.constant 8 : i32
        %add3A_237 = arith.addi %mul3A_118, %add3A_236 : i32
        %add3A_238 = arith.constant 2 : i32
        %add3A_239 = arith.addi %add3A_237, %add3A_238 : i32
        %dma_start3A_240 = arith.constant 0 : i32
        %dma_start3A_241 = tpu.memref_slice %arg6[%add3A_239, %dma_start3A_240] : memref<80x128xi32, #tpu.memory_space<vmem>> -> memref<1x128xi32, #tpu.memory_space<vmem>>
        %dma_start3A_242 = tpu.memref_squeeze %dma_start3A_241 : memref<1x128xi32, #tpu.memory_space<vmem>> -> memref<128xi32, #tpu.memory_space<vmem>>
        %dma_start3A_243 = arith.constant 0 : i32
        %dma_start3A_244 = arith.constant 0 : i32
        %dma_start3A_245 = tpu.memref_slice %arg2[%dma_start3A_243, %dma_start3A_244] : memref<10112x64xf32, #tpu.memory_space<hbm>> -> memref<10112x64xf32, #tpu.memory_space<hbm>>
        tpu.enqueue_indirect_dma source(%dma_start3A_245 : memref<10112x64xf32, #tpu.memory_space<hbm>>) target(%arg10 : memref<128x64xf32, #tpu.memory_space<vmem>>) offsets(%dma_start3A_242 : memref<128xi32, #tpu.memory_space<vmem>>) semaphore(%arg18 : memref<!tpu.dma_semaphore, #tpu.memory_space<semaphore_mem>>)
        %add3A_246 = arith.constant 8 : i32
        %add3A_247 = arith.addi %mul3A_118, %add3A_246 : i32
        %add3A_248 = arith.constant 3 : i32
        %add3A_249 = arith.addi %add3A_247, %add3A_248 : i32
        %dma_start3A_250 = arith.constant 0 : i32
        %dma_start3A_251 = tpu.memref_slice %arg6[%add3A_249, %dma_start3A_250] : memref<80x128xi32, #tpu.memory_space<vmem>> -> memref<1x128xi32, #tpu.memory_space<vmem>>
        %dma_start3A_252 = tpu.memref_squeeze %dma_start3A_251 : memref<1x128xi32, #tpu.memory_space<vmem>> -> memref<128xi32, #tpu.memory_space<vmem>>
        %dma_start3A_253 = arith.constant 0 : i32
        %dma_start3A_254 = arith.constant 0 : i32
        %dma_start3A_255 = tpu.memref_slice %arg2[%dma_start3A_253, %dma_start3A_254] : memref<10112x64xf32, #tpu.memory_space<hbm>> -> memref<10112x64xf32, #tpu.memory_space<hbm>>
        tpu.enqueue_indirect_dma source(%dma_start3A_255 : memref<10112x64xf32, #tpu.memory_space<hbm>>) target(%arg11 : memref<128x64xf32, #tpu.memory_space<vmem>>) offsets(%dma_start3A_252 : memref<128xi32, #tpu.memory_space<vmem>>) semaphore(%arg18 : memref<!tpu.dma_semaphore, #tpu.memory_space<semaphore_mem>>)
      } else {
      }
      %mul3A_163 = arith.constant 2 : i32
      %mul3A_164 = arith.muli %scan3A_112, %mul3A_163 : i32
      %add3A_165 = arith.constant 1 : i32
      %add3A_166 = arith.addi %mul3A_164, %add3A_165 : i32
      %mul3A_167 = arith.constant 4 : i32
      %mul3A_168 = arith.muli %add3A_166, %mul3A_167 : i32
      %add3A_169 = arith.constant 0 : i32
      %add3A_170 = arith.addi %mul3A_168, %add3A_169 : i32
      %dma_wait3A_171 = arith.constant 0 : i32
      %dma_wait3A_172 = tpu.memref_slice %arg6[%add3A_170, %dma_wait3A_171] : memref<80x128xi32, #tpu.memory_space<vmem>> -> memref<1x128xi32, #tpu.memory_space<vmem>>
      %dma_wait3A_173 = tpu.memref_squeeze %dma_wait3A_172 : memref<1x128xi32, #tpu.memory_space<vmem>> -> memref<128xi32, #tpu.memory_space<vmem>>
      %dma_wait3A_174 = arith.constant 0 : i32
      %dma_wait3A_175 = arith.constant 0 : i32
      %dma_wait3A_176 = tpu.memref_slice %arg2[%dma_wait3A_174, %dma_wait3A_175] : memref<10112x64xf32, #tpu.memory_space<hbm>> -> memref<10112x64xf32, #tpu.memory_space<hbm>>
      tpu.wait_indirect_dma semaphore(%arg19 : memref<!tpu.dma_semaphore, #tpu.memory_space<semaphore_mem>>) src(%dma_wait3A_176 : memref<10112x64xf32, #tpu.memory_space<hbm>>) dst(%arg12 : memref<128x64xf32, #tpu.memory_space<vmem>>)
      %add3A_177 = arith.constant 1 : i32
      %add3A_178 = arith.addi %mul3A_168, %add3A_177 : i32
      %dma_wait3A_179 = arith.constant 0 : i32
      %dma_wait3A_180 = tpu.memref_slice %arg6[%add3A_178, %dma_wait3A_179] : memref<80x128xi32, #tpu.memory_space<vmem>> -> memref<1x128xi32, #tpu.memory_space<vmem>>
      %dma_wait3A_181 = tpu.memref_squeeze %dma_wait3A_180 : memref<1x128xi32, #tpu.memory_space<vmem>> -> memref<128xi32, #tpu.memory_space<vmem>>
      %dma_wait3A_182 = arith.constant 0 : i32
      %dma_wait3A_183 = arith.constant 0 : i32
      %dma_wait3A_184 = tpu.memref_slice %arg2[%dma_wait3A_182, %dma_wait3A_183] : memref<10112x64xf32, #tpu.memory_space<hbm>> -> memref<10112x64xf32, #tpu.memory_space<hbm>>
      tpu.wait_indirect_dma semaphore(%arg19 : memref<!tpu.dma_semaphore, #tpu.memory_space<semaphore_mem>>) src(%dma_wait3A_184 : memref<10112x64xf32, #tpu.memory_space<hbm>>) dst(%arg13 : memref<128x64xf32, #tpu.memory_space<vmem>>)
      %add3A_185 = arith.constant 2 : i32
      %add3A_186 = arith.addi %mul3A_168, %add3A_185 : i32
      %dma_wait3A_187 = arith.constant 0 : i32
      %dma_wait3A_188 = tpu.memref_slice %arg6[%add3A_186, %dma_wait3A_187] : memref<80x128xi32, #tpu.memory_space<vmem>> -> memref<1x128xi32, #tpu.memory_space<vmem>>
      %dma_wait3A_189 = tpu.memref_squeeze %dma_wait3A_188 : memref<1x128xi32, #tpu.memory_space<vmem>> -> memref<128xi32, #tpu.memory_space<vmem>>
      %dma_wait3A_190 = arith.constant 0 : i32
      %dma_wait3A_191 = arith.constant 0 : i32
      %dma_wait3A_192 = tpu.memref_slice %arg2[%dma_wait3A_190, %dma_wait3A_191] : memref<10112x64xf32, #tpu.memory_space<hbm>> -> memref<10112x64xf32, #tpu.memory_space<hbm>>
      tpu.wait_indirect_dma semaphore(%arg19 : memref<!tpu.dma_semaphore, #tpu.memory_space<semaphore_mem>>) src(%dma_wait3A_192 : memref<10112x64xf32, #tpu.memory_space<hbm>>) dst(%arg14 : memref<128x64xf32, #tpu.memory_space<vmem>>)
      %add3A_193 = arith.constant 3 : i32
      %add3A_194 = arith.addi %mul3A_168, %add3A_193 : i32
      %dma_wait3A_195 = arith.constant 0 : i32
      %dma_wait3A_196 = tpu.memref_slice %arg6[%add3A_194, %dma_wait3A_195] : memref<80x128xi32, #tpu.memory_space<vmem>> -> memref<1x128xi32, #tpu.memory_space<vmem>>
      %dma_wait3A_197 = tpu.memref_squeeze %dma_wait3A_196 : memref<1x128xi32, #tpu.memory_space<vmem>> -> memref<128xi32, #tpu.memory_space<vmem>>
      %dma_wait3A_198 = arith.constant 0 : i32
      %dma_wait3A_199 = arith.constant 0 : i32
      %dma_wait3A_200 = tpu.memref_slice %arg2[%dma_wait3A_198, %dma_wait3A_199] : memref<10112x64xf32, #tpu.memory_space<hbm>> -> memref<10112x64xf32, #tpu.memory_space<hbm>>
      tpu.wait_indirect_dma semaphore(%arg19 : memref<!tpu.dma_semaphore, #tpu.memory_space<semaphore_mem>>) src(%dma_wait3A_200 : memref<10112x64xf32, #tpu.memory_space<hbm>>) dst(%arg15 : memref<128x64xf32, #tpu.memory_space<vmem>>)
      %add3A_201 = arith.constant 0 : i32
      %add3A_202 = arith.addi %mul3A_168, %add3A_201 : i32
      "tpu.region"() ({
        %run_scoped3A = tpu.sem_alloc : memref<!tpu.dma_semaphore, #tpu.memory_space<semaphore_mem>>
        %dma_start3A_216 = arith.constant 0 : i32
        %dma_start3A_217 = tpu.memref_slice %arg7[%add3A_202, %dma_start3A_216] : memref<80x128xi32, #tpu.memory_space<vmem>> -> memref<1x128xi32, #tpu.memory_space<vmem>>
        %dma_start3A_218 = tpu.memref_squeeze %dma_start3A_217 : memref<1x128xi32, #tpu.memory_space<vmem>> -> memref<128xi32, #tpu.memory_space<vmem>>
        %dma_start3A_219 = arith.constant 0 : i32
        %dma_start3A_220 = arith.constant 0 : i32
        %dma_start3A_221 = tpu.memref_slice %arg16[%dma_start3A_219, %dma_start3A_220] : memref<10112x64xf32, #tpu.memory_space<vmem_shared>> -> memref<10112x64xf32, #tpu.memory_space<vmem_shared>>
        tpu.enqueue_indirect_dma source(%arg12 : memref<128x64xf32, #tpu.memory_space<vmem>>) target(%dma_start3A_221 : memref<10112x64xf32, #tpu.memory_space<vmem_shared>>) offsets(%dma_start3A_218 : memref<128xi32, #tpu.memory_space<vmem>>) semaphore(%run_scoped3A : memref<!tpu.dma_semaphore, #tpu.memory_space<semaphore_mem>>) {add = true}
        %dma_wait3A_222 = arith.constant 0 : i32
        %dma_wait3A_223 = tpu.memref_slice %arg7[%add3A_202, %dma_wait3A_222] : memref<80x128xi32, #tpu.memory_space<vmem>> -> memref<1x128xi32, #tpu.memory_space<vmem>>
        %dma_wait3A_224 = tpu.memref_squeeze %dma_wait3A_223 : memref<1x128xi32, #tpu.memory_space<vmem>> -> memref<128xi32, #tpu.memory_space<vmem>>
        %dma_wait3A_225 = arith.constant 0 : i32
        %dma_wait3A_226 = arith.constant 0 : i32
        %dma_wait3A_227 = tpu.memref_slice %arg16[%dma_wait3A_225, %dma_wait3A_226] : memref<10112x64xf32, #tpu.memory_space<vmem_shared>> -> memref<10112x64xf32, #tpu.memory_space<vmem_shared>>
        tpu.wait_indirect_dma semaphore(%run_scoped3A : memref<!tpu.dma_semaphore, #tpu.memory_space<semaphore_mem>>) src(%arg12 : memref<128x64xf32, #tpu.memory_space<vmem>>) dst(%dma_wait3A_227 : memref<10112x64xf32, #tpu.memory_space<vmem_shared>>)
        tpu.yield
      }) : () -> ()
      %add3A_203 = arith.constant 1 : i32
      %add3A_204 = arith.addi %mul3A_168, %add3A_203 : i32
      "tpu.region"() ({
        %run_scoped3A = tpu.sem_alloc : memref<!tpu.dma_semaphore, #tpu.memory_space<semaphore_mem>>
        %dma_start3A_216 = arith.constant 0 : i32
        %dma_start3A_217 = tpu.memref_slice %arg7[%add3A_204, %dma_start3A_216] : memref<80x128xi32, #tpu.memory_space<vmem>> -> memref<1x128xi32, #tpu.memory_space<vmem>>
        %dma_start3A_218 = tpu.memref_squeeze %dma_start3A_217 : memref<1x128xi32, #tpu.memory_space<vmem>> -> memref<128xi32, #tpu.memory_space<vmem>>
        %dma_start3A_219 = arith.constant 0 : i32
        %dma_start3A_220 = arith.constant 0 : i32
        %dma_start3A_221 = tpu.memref_slice %arg16[%dma_start3A_219, %dma_start3A_220] : memref<10112x64xf32, #tpu.memory_space<vmem_shared>> -> memref<10112x64xf32, #tpu.memory_space<vmem_shared>>
        tpu.enqueue_indirect_dma source(%arg13 : memref<128x64xf32, #tpu.memory_space<vmem>>) target(%dma_start3A_221 : memref<10112x64xf32, #tpu.memory_space<vmem_shared>>) offsets(%dma_start3A_218 : memref<128xi32, #tpu.memory_space<vmem>>) semaphore(%run_scoped3A : memref<!tpu.dma_semaphore, #tpu.memory_space<semaphore_mem>>) {add = true}
        %dma_wait3A_222 = arith.constant 0 : i32
        %dma_wait3A_223 = tpu.memref_slice %arg7[%add3A_204, %dma_wait3A_222] : memref<80x128xi32, #tpu.memory_space<vmem>> -> memref<1x128xi32, #tpu.memory_space<vmem>>
        %dma_wait3A_224 = tpu.memref_squeeze %dma_wait3A_223 : memref<1x128xi32, #tpu.memory_space<vmem>> -> memref<128xi32, #tpu.memory_space<vmem>>
        %dma_wait3A_225 = arith.constant 0 : i32
        %dma_wait3A_226 = arith.constant 0 : i32
        %dma_wait3A_227 = tpu.memref_slice %arg16[%dma_wait3A_225, %dma_wait3A_226] : memref<10112x64xf32, #tpu.memory_space<vmem_shared>> -> memref<10112x64xf32, #tpu.memory_space<vmem_shared>>
        tpu.wait_indirect_dma semaphore(%run_scoped3A : memref<!tpu.dma_semaphore, #tpu.memory_space<semaphore_mem>>) src(%arg13 : memref<128x64xf32, #tpu.memory_space<vmem>>) dst(%dma_wait3A_227 : memref<10112x64xf32, #tpu.memory_space<vmem_shared>>)
        tpu.yield
      }) : () -> ()
      %add3A_205 = arith.constant 2 : i32
      %add3A_206 = arith.addi %mul3A_168, %add3A_205 : i32
      "tpu.region"() ({
        %run_scoped3A = tpu.sem_alloc : memref<!tpu.dma_semaphore, #tpu.memory_space<semaphore_mem>>
        %dma_start3A_216 = arith.constant 0 : i32
        %dma_start3A_217 = tpu.memref_slice %arg7[%add3A_206, %dma_start3A_216] : memref<80x128xi32, #tpu.memory_space<vmem>> -> memref<1x128xi32, #tpu.memory_space<vmem>>
        %dma_start3A_218 = tpu.memref_squeeze %dma_start3A_217 : memref<1x128xi32, #tpu.memory_space<vmem>> -> memref<128xi32, #tpu.memory_space<vmem>>
        %dma_start3A_219 = arith.constant 0 : i32
        %dma_start3A_220 = arith.constant 0 : i32
        %dma_start3A_221 = tpu.memref_slice %arg16[%dma_start3A_219, %dma_start3A_220] : memref<10112x64xf32, #tpu.memory_space<vmem_shared>> -> memref<10112x64xf32, #tpu.memory_space<vmem_shared>>
        tpu.enqueue_indirect_dma source(%arg14 : memref<128x64xf32, #tpu.memory_space<vmem>>) target(%dma_start3A_221 : memref<10112x64xf32, #tpu.memory_space<vmem_shared>>) offsets(%dma_start3A_218 : memref<128xi32, #tpu.memory_space<vmem>>) semaphore(%run_scoped3A : memref<!tpu.dma_semaphore, #tpu.memory_space<semaphore_mem>>) {add = true}
        %dma_wait3A_222 = arith.constant 0 : i32
        %dma_wait3A_223 = tpu.memref_slice %arg7[%add3A_206, %dma_wait3A_222] : memref<80x128xi32, #tpu.memory_space<vmem>> -> memref<1x128xi32, #tpu.memory_space<vmem>>
        %dma_wait3A_224 = tpu.memref_squeeze %dma_wait3A_223 : memref<1x128xi32, #tpu.memory_space<vmem>> -> memref<128xi32, #tpu.memory_space<vmem>>
        %dma_wait3A_225 = arith.constant 0 : i32
        %dma_wait3A_226 = arith.constant 0 : i32
        %dma_wait3A_227 = tpu.memref_slice %arg16[%dma_wait3A_225, %dma_wait3A_226] : memref<10112x64xf32, #tpu.memory_space<vmem_shared>> -> memref<10112x64xf32, #tpu.memory_space<vmem_shared>>
        tpu.wait_indirect_dma semaphore(%run_scoped3A : memref<!tpu.dma_semaphore, #tpu.memory_space<semaphore_mem>>) src(%arg14 : memref<128x64xf32, #tpu.memory_space<vmem>>) dst(%dma_wait3A_227 : memref<10112x64xf32, #tpu.memory_space<vmem_shared>>)
        tpu.yield
      }) : () -> ()
      %add3A_207 = arith.constant 3 : i32
      %add3A_208 = arith.addi %mul3A_168, %add3A_207 : i32
      "tpu.region"() ({
        %run_scoped3A = tpu.sem_alloc : memref<!tpu.dma_semaphore, #tpu.memory_space<semaphore_mem>>
        %dma_start3A_216 = arith.constant 0 : i32
        %dma_start3A_217 = tpu.memref_slice %arg7[%add3A_208, %dma_start3A_216] : memref<80x128xi32, #tpu.memory_space<vmem>> -> memref<1x128xi32, #tpu.memory_space<vmem>>
        %dma_start3A_218 = tpu.memref_squeeze %dma_start3A_217 : memref<1x128xi32, #tpu.memory_space<vmem>> -> memref<128xi32, #tpu.memory_space<vmem>>
        %dma_start3A_219 = arith.constant 0 : i32
        %dma_start3A_220 = arith.constant 0 : i32
        %dma_start3A_221 = tpu.memref_slice %arg16[%dma_start3A_219, %dma_start3A_220] : memref<10112x64xf32, #tpu.memory_space<vmem_shared>> -> memref<10112x64xf32, #tpu.memory_space<vmem_shared>>
        tpu.enqueue_indirect_dma source(%arg15 : memref<128x64xf32, #tpu.memory_space<vmem>>) target(%dma_start3A_221 : memref<10112x64xf32, #tpu.memory_space<vmem_shared>>) offsets(%dma_start3A_218 : memref<128xi32, #tpu.memory_space<vmem>>) semaphore(%run_scoped3A : memref<!tpu.dma_semaphore, #tpu.memory_space<semaphore_mem>>) {add = true}
        %dma_wait3A_222 = arith.constant 0 : i32
        %dma_wait3A_223 = tpu.memref_slice %arg7[%add3A_208, %dma_wait3A_222] : memref<80x128xi32, #tpu.memory_space<vmem>> -> memref<1x128xi32, #tpu.memory_space<vmem>>
        %dma_wait3A_224 = tpu.memref_squeeze %dma_wait3A_223 : memref<1x128xi32, #tpu.memory_space<vmem>> -> memref<128xi32, #tpu.memory_space<vmem>>
        %dma_wait3A_225 = arith.constant 0 : i32
        %dma_wait3A_226 = arith.constant 0 : i32
        %dma_wait3A_227 = tpu.memref_slice %arg16[%dma_wait3A_225, %dma_wait3A_226] : memref<10112x64xf32, #tpu.memory_space<vmem_shared>> -> memref<10112x64xf32, #tpu.memory_space<vmem_shared>>
        tpu.wait_indirect_dma semaphore(%run_scoped3A : memref<!tpu.dma_semaphore, #tpu.memory_space<semaphore_mem>>) src(%arg15 : memref<128x64xf32, #tpu.memory_space<vmem>>) dst(%dma_wait3A_227 : memref<10112x64xf32, #tpu.memory_space<vmem_shared>>)
        tpu.yield
      }) : () -> ()
      %add3A_209 = arith.constant 2 : i32
      %add3A_210 = arith.addi %add3A_166, %add3A_209 : i32
      %lt3A_211 = arith.constant 20 : i32
      %lt3A_212 = arith.cmpi slt, %add3A_210, %lt3A_211 : i32
      %convert_element_type3A_213 = arith.extui %lt3A_212 : i1 to i32
      %cond3A_214 = arith.constant 0 : i32
      %cond3A_215 = arith.cmpi ne, %convert_element_type3A_213, %cond3A_214 : i32
      scf.if %cond3A_215 {
        %add3A_216 = arith.constant 8 : i32
        %add3A_217 = arith.addi %mul3A_168, %add3A_216 : i32
        %add3A_218 = arith.constant 0 : i32
        %add3A_219 = arith.addi %add3A_217, %add3A_218 : i32
        %dma_start3A_220 = arith.constant 0 : i32
        %dma_start3A_221 = tpu.memref_slice %arg6[%add3A_219, %dma_start3A_220] : memref<80x128xi32, #tpu.memory_space<vmem>> -> memref<1x128xi32, #tpu.memory_space<vmem>>
        %dma_start3A_222 = tpu.memref_squeeze %dma_start3A_221 : memref<1x128xi32, #tpu.memory_space<vmem>> -> memref<128xi32, #tpu.memory_space<vmem>>
        %dma_start3A_223 = arith.constant 0 : i32
        %dma_start3A_224 = arith.constant 0 : i32
        %dma_start3A_225 = tpu.memref_slice %arg2[%dma_start3A_223, %dma_start3A_224] : memref<10112x64xf32, #tpu.memory_space<hbm>> -> memref<10112x64xf32, #tpu.memory_space<hbm>>
        tpu.enqueue_indirect_dma source(%dma_start3A_225 : memref<10112x64xf32, #tpu.memory_space<hbm>>) target(%arg12 : memref<128x64xf32, #tpu.memory_space<vmem>>) offsets(%dma_start3A_222 : memref<128xi32, #tpu.memory_space<vmem>>) semaphore(%arg19 : memref<!tpu.dma_semaphore, #tpu.memory_space<semaphore_mem>>)
        %add3A_226 = arith.constant 8 : i32
        %add3A_227 = arith.addi %mul3A_168, %add3A_226 : i32
        %add3A_228 = arith.constant 1 : i32
        %add3A_229 = arith.addi %add3A_227, %add3A_228 : i32
        %dma_start3A_230 = arith.constant 0 : i32
        %dma_start3A_231 = tpu.memref_slice %arg6[%add3A_229, %dma_start3A_230] : memref<80x128xi32, #tpu.memory_space<vmem>> -> memref<1x128xi32, #tpu.memory_space<vmem>>
        %dma_start3A_232 = tpu.memref_squeeze %dma_start3A_231 : memref<1x128xi32, #tpu.memory_space<vmem>> -> memref<128xi32, #tpu.memory_space<vmem>>
        %dma_start3A_233 = arith.constant 0 : i32
        %dma_start3A_234 = arith.constant 0 : i32
        %dma_start3A_235 = tpu.memref_slice %arg2[%dma_start3A_233, %dma_start3A_234] : memref<10112x64xf32, #tpu.memory_space<hbm>> -> memref<10112x64xf32, #tpu.memory_space<hbm>>
        tpu.enqueue_indirect_dma source(%dma_start3A_235 : memref<10112x64xf32, #tpu.memory_space<hbm>>) target(%arg13 : memref<128x64xf32, #tpu.memory_space<vmem>>) offsets(%dma_start3A_232 : memref<128xi32, #tpu.memory_space<vmem>>) semaphore(%arg19 : memref<!tpu.dma_semaphore, #tpu.memory_space<semaphore_mem>>)
        %add3A_236 = arith.constant 8 : i32
        %add3A_237 = arith.addi %mul3A_168, %add3A_236 : i32
        %add3A_238 = arith.constant 2 : i32
        %add3A_239 = arith.addi %add3A_237, %add3A_238 : i32
        %dma_start3A_240 = arith.constant 0 : i32
        %dma_start3A_241 = tpu.memref_slice %arg6[%add3A_239, %dma_start3A_240] : memref<80x128xi32, #tpu.memory_space<vmem>> -> memref<1x128xi32, #tpu.memory_space<vmem>>
        %dma_start3A_242 = tpu.memref_squeeze %dma_start3A_241 : memref<1x128xi32, #tpu.memory_space<vmem>> -> memref<128xi32, #tpu.memory_space<vmem>>
        %dma_start3A_243 = arith.constant 0 : i32
        %dma_start3A_244 = arith.constant 0 : i32
        %dma_start3A_245 = tpu.memref_slice %arg2[%dma_start3A_243, %dma_start3A_244] : memref<10112x64xf32, #tpu.memory_space<hbm>> -> memref<10112x64xf32, #tpu.memory_space<hbm>>
        tpu.enqueue_indirect_dma source(%dma_start3A_245 : memref<10112x64xf32, #tpu.memory_space<hbm>>) target(%arg14 : memref<128x64xf32, #tpu.memory_space<vmem>>) offsets(%dma_start3A_242 : memref<128xi32, #tpu.memory_space<vmem>>) semaphore(%arg19 : memref<!tpu.dma_semaphore, #tpu.memory_space<semaphore_mem>>)
        %add3A_246 = arith.constant 8 : i32
        %add3A_247 = arith.addi %mul3A_168, %add3A_246 : i32
        %add3A_248 = arith.constant 3 : i32
        %add3A_249 = arith.addi %add3A_247, %add3A_248 : i32
        %dma_start3A_250 = arith.constant 0 : i32
        %dma_start3A_251 = tpu.memref_slice %arg6[%add3A_249, %dma_start3A_250] : memref<80x128xi32, #tpu.memory_space<vmem>> -> memref<1x128xi32, #tpu.memory_space<vmem>>
        %dma_start3A_252 = tpu.memref_squeeze %dma_start3A_251 : memref<1x128xi32, #tpu.memory_space<vmem>> -> memref<128xi32, #tpu.memory_space<vmem>>
        %dma_start3A_253 = arith.constant 0 : i32
        %dma_start3A_254 = arith.constant 0 : i32
        %dma_start3A_255 = tpu.memref_slice %arg2[%dma_start3A_253, %dma_start3A_254] : memref<10112x64xf32, #tpu.memory_space<hbm>> -> memref<10112x64xf32, #tpu.memory_space<hbm>>
        tpu.enqueue_indirect_dma source(%dma_start3A_255 : memref<10112x64xf32, #tpu.memory_space<hbm>>) target(%arg15 : memref<128x64xf32, #tpu.memory_space<vmem>>) offsets(%dma_start3A_252 : memref<128xi32, #tpu.memory_space<vmem>>) semaphore(%arg19 : memref<!tpu.dma_semaphore, #tpu.memory_space<semaphore_mem>>)
      } else {
      }
    }
    %scan3A_110 = arith.constant 10 : i32
    %barrier3A_111 = arith.constant 0 : index
    tpu.barrier barrier_id(%barrier3A_111)
    "tpu.region"() ({
      %run_scoped3A = tpu.sem_alloc : memref<!tpu.dma_semaphore, #tpu.memory_space<semaphore_mem>>
      %dma_start3A_112 = arith.constant 0 : i32
      %dma_start3A_113 = tpu.memref_slice %arg5[%arg0, %mul3A_23, %dma_start3A_112] : memref<2x10112x64xf32, #tpu.memory_space<hbm>> -> memref<1x632x64xf32, #tpu.memory_space<hbm>>
      %dma_start3A_114 = tpu.memref_squeeze %dma_start3A_113 : memref<1x632x64xf32, #tpu.memory_space<hbm>> -> memref<632x64xf32, #tpu.memory_space<hbm>>
      %dma_start3A_115 = arith.constant 0 : i32
      %dma_start3A_116 = tpu.memref_slice %arg16[%mul3A_23, %dma_start3A_115] : memref<10112x64xf32, #tpu.memory_space<vmem_shared>> -> memref<632x64xf32, #tpu.memory_space<vmem_shared>>
      tpu.enqueue_dma source(%dma_start3A_116 : memref<632x64xf32, #tpu.memory_space<vmem_shared>>) target(%dma_start3A_114 : memref<632x64xf32, #tpu.memory_space<hbm>>) target_semaphore(%run_scoped3A : memref<!tpu.dma_semaphore, #tpu.memory_space<semaphore_mem>>)
      %dma_wait3A_117 = arith.constant 0 : i32
      %dma_wait3A_118 = tpu.memref_slice %arg5[%arg0, %mul3A_23, %dma_wait3A_117] : memref<2x10112x64xf32, #tpu.memory_space<hbm>> -> memref<1x632x64xf32, #tpu.memory_space<hbm>>
      %dma_wait3A_119 = tpu.memref_squeeze %dma_wait3A_118 : memref<1x632x64xf32, #tpu.memory_space<hbm>> -> memref<632x64xf32, #tpu.memory_space<hbm>>
      %dma_wait3A_120 = arith.constant 0 : i32
      %dma_wait3A_121 = tpu.memref_slice %arg16[%mul3A_23, %dma_wait3A_120] : memref<10112x64xf32, #tpu.memory_space<vmem_shared>> -> memref<632x64xf32, #tpu.memory_space<vmem_shared>>
      tpu.wait_dma2 semaphore(%run_scoped3A : memref<!tpu.dma_semaphore, #tpu.memory_space<semaphore_mem>>) src(%dma_wait3A_121 : memref<632x64xf32, #tpu.memory_space<vmem_shared>>) dst(%dma_wait3A_119 : memref<632x64xf32, #tpu.memory_space<hbm>>)
      tpu.yield
    }) : () -> ()
    return
  }
}

#map = affine_map<(d0, d1) -> (0, 0, 0)>
#map1 = affine_map<(d0, d1) -> (0, 0)>
module attributes {stable_mosaic.version = 14 : i64} {
  func.func @body(%arg0: i32, %arg1: i32, %arg2: memref<32x80x128xi32, #tpu.memory_space<hbm>>, %arg3: memref<32x10112xf32, #tpu.memory_space<hbm>>, %arg4: memref<80x128xi32, #tpu.memory_space<vmem>>, %arg5: memref<10112xf32, #tpu.memory_space<vmem>>, %arg6: memref<!tpu.dma_semaphore, #tpu.memory_space<semaphore_mem>>) attributes {dimension_semantics = [#tpu.dimension_semantics<core_parallel>, #tpu.dimension_semantics<subcore_parallel>], iteration_bounds = array<i64: 2, 16>, scalar_prefetch = 0 : i64, scratch_operands = 3 : i64, tpu.core_type = #tpu.core_type<sc_vector_subcore>, window_params = [{transform_indices = #map}, {transform_indices = #map1}]} {
    %mul3A = arith.constant 16 : i32
    %mul3A_0 = arith.muli %arg0, %mul3A : i32
    %add3A = arith.addi %mul3A_0, %arg1 : i32
    %dma_start3A = arith.constant 0 : i32
    %dma_start3A_1 = arith.constant 0 : i32
    %dma_start3A_2 = tpu.memref_slice %arg2[%add3A, %dma_start3A, %dma_start3A_1] : memref<32x80x128xi32, #tpu.memory_space<hbm>> -> memref<1x80x128xi32, #tpu.memory_space<hbm>>
    %dma_start3A_3 = tpu.memref_squeeze %dma_start3A_2 : memref<1x80x128xi32, #tpu.memory_space<hbm>> -> memref<80x128xi32, #tpu.memory_space<hbm>>
    %dma_start3A_4 = arith.constant 0 : i32
    %dma_start3A_5 = arith.constant 0 : i32
    %dma_start3A_6 = tpu.memref_slice %arg2[%add3A, %dma_start3A_4, %dma_start3A_5] : memref<32x80x128xi32, #tpu.memory_space<hbm>> -> memref<1x80x128xi32, #tpu.memory_space<hbm>>
    %dma_start3A_7 = tpu.memref_squeeze %dma_start3A_6 : memref<1x80x128xi32, #tpu.memory_space<hbm>> -> memref<80x128xi32, #tpu.memory_space<hbm>>
    tpu.enqueue_dma source(%dma_start3A_7 : memref<80x128xi32, #tpu.memory_space<hbm>>) target(%arg4 : memref<80x128xi32, #tpu.memory_space<vmem>>) target_semaphore(%arg6 : memref<!tpu.dma_semaphore, #tpu.memory_space<semaphore_mem>>)
    %broadcast_in_dim3A = arith.constant 0.000000e+00 : f32
    %broadcast_in_dim3A_8 = vector.broadcast %broadcast_in_dim3A : f32 to vector<16xf32>
    %scan3A = arith.constant 0 : i32
    %scan3A_9 = arith.constant 0 : i32
    %scan3A_10 = arith.constant 632 : i32
    %scan3A_11 = arith.addi %scan3A_9, %scan3A_10 : i32
    %scan3A_12 = arith.constant 1 : i32
    scf.for %scan3A_29 = %scan3A_9 to %scan3A_11 step %scan3A_12  : i32 {
      %mul3A_30 = arith.constant 16 : i32
      %mul3A_31 = arith.muli %scan3A_29, %mul3A_30 : i32
      %swap3A = arith.index_cast %mul3A_31 : i32 to index
      %swap3A_32 = tpu.vector_load %arg5[%swap3A] {strides = array<i32>} : memref<10112xf32, #tpu.memory_space<vmem>>, vector<16xf32>,
      tpu.vector_store %arg5[%swap3A], %broadcast_in_dim3A_8 {strides = array<i32>} : memref<10112xf32, #tpu.memory_space<vmem>>, vector<16xf32>,
    }
    %scan3A_13 = arith.constant 632 : i32
    %dma_wait3A = arith.constant 0 : i32
    %dma_wait3A_14 = arith.constant 0 : i32
    %dma_wait3A_15 = tpu.memref_slice %arg2[%add3A, %dma_wait3A, %dma_wait3A_14] : memref<32x80x128xi32, #tpu.memory_space<hbm>> -> memref<1x80x128xi32, #tpu.memory_space<hbm>>
    %dma_wait3A_16 = tpu.memref_squeeze %dma_wait3A_15 : memref<1x80x128xi32, #tpu.memory_space<hbm>> -> memref<80x128xi32, #tpu.memory_space<hbm>>
    %dma_wait3A_17 = arith.constant 0 : i32
    %dma_wait3A_18 = arith.constant 0 : i32
    %dma_wait3A_19 = tpu.memref_slice %arg2[%add3A, %dma_wait3A_17, %dma_wait3A_18] : memref<32x80x128xi32, #tpu.memory_space<hbm>> -> memref<1x80x128xi32, #tpu.memory_space<hbm>>
    %dma_wait3A_20 = tpu.memref_squeeze %dma_wait3A_19 : memref<1x80x128xi32, #tpu.memory_space<hbm>> -> memref<80x128xi32, #tpu.memory_space<hbm>>
    tpu.wait_dma2 semaphore(%arg6 : memref<!tpu.dma_semaphore, #tpu.memory_space<semaphore_mem>>) src(%dma_wait3A_20 : memref<80x128xi32, #tpu.memory_space<hbm>>) dst(%arg4 : memref<80x128xi32, #tpu.memory_space<vmem>>)
    %broadcast_in_dim3A_21 = arith.constant 1.000000e+00 : f32
    %broadcast_in_dim3A_22 = vector.broadcast %broadcast_in_dim3A_21 : f32 to vector<16xf32>
    %scan3A_23 = arith.constant 0 : i32
    %scan3A_24 = arith.constant 0 : i32
    %scan3A_25 = arith.constant 80 : i32
    %scan3A_26 = arith.addi %scan3A_24, %scan3A_25 : i32
    %scan3A_27 = arith.constant 1 : i32
    scf.for %scan3A_29 = %scan3A_24 to %scan3A_26 step %scan3A_27  : i32 {
      %get3A = arith.index_cast %scan3A_29 : i32 to index
      %get3A_30 = arith.constant 0 : index
      %get3A_31 = tpu.vector_load %arg4[%get3A, %get3A_30] {strides = array<i32>} : memref<80x128xi32, #tpu.memory_space<vmem>>, vector<16xi32>,
      tpu.vector_store_idx %arg5[%get3A_31], %broadcast_in_dim3A_22 {add = true} : memref<10112xf32, #tpu.memory_space<vmem>>[vector<16xi32>], vector<16xf32>,
      %get3A_32 = arith.index_cast %scan3A_29 : i32 to index
      %get3A_33 = arith.constant 16 : index
      %get3A_34 = tpu.vector_load %arg4[%get3A_32, %get3A_33] {strides = array<i32>} : memref<80x128xi32, #tpu.memory_space<vmem>>, vector<16xi32>,
      tpu.vector_store_idx %arg5[%get3A_34], %broadcast_in_dim3A_22 {add = true} : memref<10112xf32, #tpu.memory_space<vmem>>[vector<16xi32>], vector<16xf32>,
      %get3A_35 = arith.index_cast %scan3A_29 : i32 to index
      %get3A_36 = arith.constant 32 : index
      %get3A_37 = tpu.vector_load %arg4[%get3A_35, %get3A_36] {strides = array<i32>} : memref<80x128xi32, #tpu.memory_space<vmem>>, vector<16xi32>,
      tpu.vector_store_idx %arg5[%get3A_37], %broadcast_in_dim3A_22 {add = true} : memref<10112xf32, #tpu.memory_space<vmem>>[vector<16xi32>], vector<16xf32>,
      %get3A_38 = arith.index_cast %scan3A_29 : i32 to index
      %get3A_39 = arith.constant 48 : index
      %get3A_40 = tpu.vector_load %arg4[%get3A_38, %get3A_39] {strides = array<i32>} : memref<80x128xi32, #tpu.memory_space<vmem>>, vector<16xi32>,
      tpu.vector_store_idx %arg5[%get3A_40], %broadcast_in_dim3A_22 {add = true} : memref<10112xf32, #tpu.memory_space<vmem>>[vector<16xi32>], vector<16xf32>,
      %get3A_41 = arith.index_cast %scan3A_29 : i32 to index
      %get3A_42 = arith.constant 64 : index
      %get3A_43 = tpu.vector_load %arg4[%get3A_41, %get3A_42] {strides = array<i32>} : memref<80x128xi32, #tpu.memory_space<vmem>>, vector<16xi32>,
      tpu.vector_store_idx %arg5[%get3A_43], %broadcast_in_dim3A_22 {add = true} : memref<10112xf32, #tpu.memory_space<vmem>>[vector<16xi32>], vector<16xf32>,
      %get3A_44 = arith.index_cast %scan3A_29 : i32 to index
      %get3A_45 = arith.constant 80 : index
      %get3A_46 = tpu.vector_load %arg4[%get3A_44, %get3A_45] {strides = array<i32>} : memref<80x128xi32, #tpu.memory_space<vmem>>, vector<16xi32>,
      tpu.vector_store_idx %arg5[%get3A_46], %broadcast_in_dim3A_22 {add = true} : memref<10112xf32, #tpu.memory_space<vmem>>[vector<16xi32>], vector<16xf32>,
      %get3A_47 = arith.index_cast %scan3A_29 : i32 to index
      %get3A_48 = arith.constant 96 : index
      %get3A_49 = tpu.vector_load %arg4[%get3A_47, %get3A_48] {strides = array<i32>} : memref<80x128xi32, #tpu.memory_space<vmem>>, vector<16xi32>,
      tpu.vector_store_idx %arg5[%get3A_49], %broadcast_in_dim3A_22 {add = true} : memref<10112xf32, #tpu.memory_space<vmem>>[vector<16xi32>], vector<16xf32>,
      %get3A_50 = arith.index_cast %scan3A_29 : i32 to index
      %get3A_51 = arith.constant 112 : index
      %get3A_52 = tpu.vector_load %arg4[%get3A_50, %get3A_51] {strides = array<i32>} : memref<80x128xi32, #tpu.memory_space<vmem>>, vector<16xi32>,
      tpu.vector_store_idx %arg5[%get3A_52], %broadcast_in_dim3A_22 {add = true} : memref<10112xf32, #tpu.memory_space<vmem>>[vector<16xi32>], vector<16xf32>,
    }
    %scan3A_28 = arith.constant 80 : i32
    "tpu.region"() ({
      %run_scoped3A = tpu.sem_alloc : memref<!tpu.dma_semaphore, #tpu.memory_space<semaphore_mem>>
      %dma_start3A_29 = arith.constant 0 : i32
      %dma_start3A_30 = tpu.memref_slice %arg3[%add3A, %dma_start3A_29] : memref<32x10112xf32, #tpu.memory_space<hbm>> -> memref<1x10112xf32, #tpu.memory_space<hbm>>
      %dma_start3A_31 = tpu.memref_squeeze %dma_start3A_30 : memref<1x10112xf32, #tpu.memory_space<hbm>> -> memref<10112xf32, #tpu.memory_space<hbm>>
      %dma_start3A_32 = arith.constant 0 : i32
      %dma_start3A_33 = tpu.memref_slice %arg3[%add3A, %dma_start3A_32] : memref<32x10112xf32, #tpu.memory_space<hbm>> -> memref<1x10112xf32, #tpu.memory_space<hbm>>
      %dma_start3A_34 = tpu.memref_squeeze %dma_start3A_33 : memref<1x10112xf32, #tpu.memory_space<hbm>> -> memref<10112xf32, #tpu.memory_space<hbm>>
      tpu.enqueue_dma source(%arg5 : memref<10112xf32, #tpu.memory_space<vmem>>) target(%dma_start3A_34 : memref<10112xf32, #tpu.memory_space<hbm>>) target_semaphore(%run_scoped3A : memref<!tpu.dma_semaphore, #tpu.memory_space<semaphore_mem>>)
      %dma_wait3A_35 = arith.constant 0 : i32
      %dma_wait3A_36 = tpu.memref_slice %arg3[%add3A, %dma_wait3A_35] : memref<32x10112xf32, #tpu.memory_space<hbm>> -> memref<1x10112xf32, #tpu.memory_space<hbm>>
      %dma_wait3A_37 = tpu.memref_squeeze %dma_wait3A_36 : memref<1x10112xf32, #tpu.memory_space<hbm>> -> memref<10112xf32, #tpu.memory_space<hbm>>
      %dma_wait3A_38 = arith.constant 0 : i32
      %dma_wait3A_39 = tpu.memref_slice %arg3[%add3A, %dma_wait3A_38] : memref<32x10112xf32, #tpu.memory_space<hbm>> -> memref<1x10112xf32, #tpu.memory_space<hbm>>
      %dma_wait3A_40 = tpu.memref_squeeze %dma_wait3A_39 : memref<1x10112xf32, #tpu.memory_space<hbm>> -> memref<10112xf32, #tpu.memory_space<hbm>>
      tpu.wait_dma2 semaphore(%run_scoped3A : memref<!tpu.dma_semaphore, #tpu.memory_space<semaphore_mem>>) src(%arg5 : memref<10112xf32, #tpu.memory_space<vmem>>) dst(%dma_wait3A_40 : memref<10112xf32, #tpu.memory_space<hbm>>)
      tpu.yield
    }) : () -> ()
    return
  }
}

#map = affine_map<(d0, d1) -> (0, 0)>
#map1 = affine_map<(d0, d1) -> (0, 0, 0)>
module attributes {stable_mosaic.version = 14 : i64} {
  func.func @body(%arg0: i32, %arg1: i32, %arg2: memref<10112x64xf32, #tpu.memory_space<hbm>>, %arg3: memref<32x80x128xi32, #tpu.memory_space<hbm>>, %arg4: memref<32x80x128xi32, #tpu.memory_space<hbm>>, %arg5: memref<2x10112x64xf32, #tpu.memory_space<hbm>>, %arg6: memref<80x128xi32, #tpu.memory_space<vmem>>, %arg7: memref<80x128xi32, #tpu.memory_space<vmem>>, %arg8: memref<128x64xf32, #tpu.memory_space<vmem>>, %arg9: memref<128x64xf32, #tpu.memory_space<vmem>>, %arg10: memref<128x64xf32, #tpu.memory_space<vmem>>, %arg11: memref<128x64xf32, #tpu.memory_space<vmem>>, %arg12: memref<128x64xf32, #tpu.memory_space<vmem>>, %arg13: memref<128x64xf32, #tpu.memory_space<vmem>>, %arg14: memref<128x64xf32, #tpu.memory_space<vmem>>, %arg15: memref<128x64xf32, #tpu.memory_space<vmem>>, %arg16: memref<10112x64xf32, #tpu.memory_space<vmem_shared>>, %arg17: memref<!tpu.dma_semaphore, #tpu.memory_space<semaphore_mem>>, %arg18: memref<!tpu.dma_semaphore, #tpu.memory_space<semaphore_mem>>, %arg19: memref<!tpu.dma_semaphore, #tpu.memory_space<semaphore_mem>>) attributes {dimension_semantics = [#tpu.dimension_semantics<core_parallel>, #tpu.dimension_semantics<subcore_parallel>], iteration_bounds = array<i64: 2, 16>, scalar_prefetch = 0 : i64, scratch_operands = 14 : i64, tpu.core_type = #tpu.core_type<sc_vector_subcore>, window_params = [{transform_indices = #map}, {transform_indices = #map1}, {transform_indices = #map1}, {transform_indices = #map1}]} {
    %mul3A = arith.constant 16 : i32
    %mul3A_0 = arith.muli %arg0, %mul3A : i32
    %add3A = arith.addi %mul3A_0, %arg1 : i32
    %dma_start3A = arith.constant 0 : i32
    %dma_start3A_1 = arith.constant 0 : i32
    %dma_start3A_2 = tpu.memref_slice %arg3[%add3A, %dma_start3A, %dma_start3A_1] : memref<32x80x128xi32, #tpu.memory_space<hbm>> -> memref<1x80x128xi32, #tpu.memory_space<hbm>>
    %dma_start3A_3 = tpu.memref_squeeze %dma_start3A_2 : memref<1x80x128xi32, #tpu.memory_space<hbm>> -> memref<80x128xi32, #tpu.memory_space<hbm>>
    %dma_start3A_4 = arith.constant 0 : i32
    %dma_start3A_5 = arith.constant 0 : i32
    %dma_start3A_6 = tpu.memref_slice %arg3[%add3A, %dma_start3A_4, %dma_start3A_5] : memref<32x80x128xi32, #tpu.memory_space<hbm>> -> memref<1x80x128xi32, #tpu.memory_space<hbm>>
    %dma_start3A_7 = tpu.memref_squeeze %dma_start3A_6 : memref<1x80x128xi32, #tpu.memory_space<hbm>> -> memref<80x128xi32, #tpu.memory_space<hbm>>
    tpu.enqueue_dma source(%dma_start3A_7 : memref<80x128xi32, #tpu.memory_space<hbm>>) target(%arg6 : memref<80x128xi32, #tpu.memory_space<vmem>>) target_semaphore(%arg17 : memref<!tpu.dma_semaphore, #tpu.memory_space<semaphore_mem>>)
    %dma_start3A_8 = arith.constant 0 : i32
    %dma_start3A_9 = arith.constant 0 : i32
    %dma_start3A_10 = tpu.memref_slice %arg4[%add3A, %dma_start3A_8, %dma_start3A_9] : memref<32x80x128xi32, #tpu.memory_space<hbm>> -> memref<1x80x128xi32, #tpu.memory_space<hbm>>
    %dma_start3A_11 = tpu.memref_squeeze %dma_start3A_10 : memref<1x80x128xi32, #tpu.memory_space<hbm>> -> memref<80x128xi32, #tpu.memory_space<hbm>>
    %dma_start3A_12 = arith.constant 0 : i32
    %dma_start3A_13 = arith.constant 0 : i32
    %dma_start3A_14 = tpu.memref_slice %arg4[%add3A, %dma_start3A_12, %dma_start3A_13] : memref<32x80x128xi32, #tpu.memory_space<hbm>> -> memref<1x80x128xi32, #tpu.memory_space<hbm>>
    %dma_start3A_15 = tpu.memref_squeeze %dma_start3A_14 : memref<1x80x128xi32, #tpu.memory_space<hbm>> -> memref<80x128xi32, #tpu.memory_space<hbm>>
    tpu.enqueue_dma source(%dma_start3A_15 : memref<80x128xi32, #tpu.memory_space<hbm>>) target(%arg7 : memref<80x128xi32, #tpu.memory_space<vmem>>) target_semaphore(%arg17 : memref<!tpu.dma_semaphore, #tpu.memory_space<semaphore_mem>>)
    %broadcast_in_dim3A = arith.constant 0.000000e+00 : f32
    %broadcast_in_dim3A_16 = vector.broadcast %broadcast_in_dim3A : f32 to vector<16xf32>
    %scan3A = arith.constant 0 : i32
    %scan3A_17 = arith.constant 0 : i32
    %scan3A_18 = arith.constant 128 : i32
    %scan3A_19 = arith.addi %scan3A_17, %scan3A_18 : i32
    %scan3A_20 = arith.constant 1 : i32
    scf.for %scan3A_112 = %scan3A_17 to %scan3A_19 step %scan3A_20  : i32 {
      %swap3A = arith.index_cast %scan3A_112 : i32 to index
      %swap3A_113 = arith.constant 0 : index
      %swap3A_114 = tpu.vector_load %arg8[%swap3A, %swap3A_113] {strides = array<i32>} : memref<128x64xf32, #tpu.memory_space<vmem>>, vector<16xf32>,
      tpu.vector_store %arg8[%swap3A, %swap3A_113], %broadcast_in_dim3A_16 {strides = array<i32>} : memref<128x64xf32, #tpu.memory_space<vmem>>, vector<16xf32>,
      %swap3A_115 = arith.index_cast %scan3A_112 : i32 to index
      %swap3A_116 = arith.constant 16 : index
      %swap3A_117 = tpu.vector_load %arg8[%swap3A_115, %swap3A_116] {strides = array<i32>} : memref<128x64xf32, #tpu.memory_space<vmem>>, vector<16xf32>,
      tpu.vector_store %arg8[%swap3A_115, %swap3A_116], %broadcast_in_dim3A_16 {strides = array<i32>} : memref<128x64xf32, #tpu.memory_space<vmem>>, vector<16xf32>,
      %swap3A_118 = arith.index_cast %scan3A_112 : i32 to index
      %swap3A_119 = arith.constant 32 : index
      %swap3A_120 = tpu.vector_load %arg8[%swap3A_118, %swap3A_119] {strides = array<i32>} : memref<128x64xf32, #tpu.memory_space<vmem>>, vector<16xf32>,
      tpu.vector_store %arg8[%swap3A_118, %swap3A_119], %broadcast_in_dim3A_16 {strides = array<i32>} : memref<128x64xf32, #tpu.memory_space<vmem>>, vector<16xf32>,
      %swap3A_121 = arith.index_cast %scan3A_112 : i32 to index
      %swap3A_122 = arith.constant 48 : index
      %swap3A_123 = tpu.vector_load %arg8[%swap3A_121, %swap3A_122] {strides = array<i32>} : memref<128x64xf32, #tpu.memory_space<vmem>>, vector<16xf32>,
      tpu.vector_store %arg8[%swap3A_121, %swap3A_122], %broadcast_in_dim3A_16 {strides = array<i32>} : memref<128x64xf32, #tpu.memory_space<vmem>>, vector<16xf32>,
    }
    %scan3A_21 = arith.constant 128 : i32
    %mul3A_22 = arith.constant 632 : i32
    %mul3A_23 = arith.muli %arg1, %mul3A_22 : i32
    %add3A_24 = arith.constant 0 : i32
    %add3A_25 = arith.addi %mul3A_23, %add3A_24 : i32
    "tpu.region"() ({
      %run_scoped3A = tpu.sem_alloc : memref<!tpu.dma_semaphore, #tpu.memory_space<semaphore_mem>>
      %dma_start3A_112 = arith.constant 0 : i32
      %dma_start3A_113 = tpu.memref_slice %arg16[%add3A_25, %dma_start3A_112] : memref<10112x64xf32, #tpu.memory_space<vmem_shared>> -> memref<128x64xf32, #tpu.memory_space<vmem_shared>>
      %dma_start3A_114 = arith.constant 0 : i32
      %dma_start3A_115 = tpu.memref_slice %arg16[%add3A_25, %dma_start3A_114] : memref<10112x64xf32, #tpu.memory_space<vmem_shared>> -> memref<128x64xf32, #tpu.memory_space<vmem_shared>>
      tpu.enqueue_dma source(%arg8 : memref<128x64xf32, #tpu.memory_space<vmem>>) target(%dma_start3A_115 : memref<128x64xf32, #tpu.memory_space<vmem_shared>>) target_semaphore(%run_scoped3A : memref<!tpu.dma_semaphore, #tpu.memory_space<semaphore_mem>>)
      %dma_wait3A_116 = arith.constant 0 : i32
      %dma_wait3A_117 = tpu.memref_slice %arg16[%add3A_25, %dma_wait3A_116] : memref<10112x64xf32, #tpu.memory_space<vmem_shared>> -> memref<128x64xf32, #tpu.memory_space<vmem_shared>>
      %dma_wait3A_118 = arith.constant 0 : i32
      %dma_wait3A_119 = tpu.memref_slice %arg16[%add3A_25, %dma_wait3A_118] : memref<10112x64xf32, #tpu.memory_space<vmem_shared>> -> memref<128x64xf32, #tpu.memory_space<vmem_shared>>
      tpu.wait_dma2 semaphore(%run_scoped3A : memref<!tpu.dma_semaphore, #tpu.memory_space<semaphore_mem>>) src(%arg8 : memref<128x64xf32, #tpu.memory_space<vmem>>) dst(%dma_wait3A_119 : memref<128x64xf32, #tpu.memory_space<vmem_shared>>)
      tpu.yield
    }) : () -> ()
    %add3A_26 = arith.constant 128 : i32
    %add3A_27 = arith.addi %mul3A_23, %add3A_26 : i32
    "tpu.region"() ({
      %run_scoped3A = tpu.sem_alloc : memref<!tpu.dma_semaphore, #tpu.memory_space<semaphore_mem>>
      %dma_start3A_112 = arith.constant 0 : i32
      %dma_start3A_113 = tpu.memref_slice %arg16[%add3A_27, %dma_start3A_112] : memref<10112x64xf32, #tpu.memory_space<vmem_shared>> -> memref<128x64xf32, #tpu.memory_space<vmem_shared>>
      %dma_start3A_114 = arith.constant 0 : i32
      %dma_start3A_115 = tpu.memref_slice %arg16[%add3A_27, %dma_start3A_114] : memref<10112x64xf32, #tpu.memory_space<vmem_shared>> -> memref<128x64xf32, #tpu.memory_space<vmem_shared>>
      tpu.enqueue_dma source(%arg8 : memref<128x64xf32, #tpu.memory_space<vmem>>) target(%dma_start3A_115 : memref<128x64xf32, #tpu.memory_space<vmem_shared>>) target_semaphore(%run_scoped3A : memref<!tpu.dma_semaphore, #tpu.memory_space<semaphore_mem>>)
      %dma_wait3A_116 = arith.constant 0 : i32
      %dma_wait3A_117 = tpu.memref_slice %arg16[%add3A_27, %dma_wait3A_116] : memref<10112x64xf32, #tpu.memory_space<vmem_shared>> -> memref<128x64xf32, #tpu.memory_space<vmem_shared>>
      %dma_wait3A_118 = arith.constant 0 : i32
      %dma_wait3A_119 = tpu.memref_slice %arg16[%add3A_27, %dma_wait3A_118] : memref<10112x64xf32, #tpu.memory_space<vmem_shared>> -> memref<128x64xf32, #tpu.memory_space<vmem_shared>>
      tpu.wait_dma2 semaphore(%run_scoped3A : memref<!tpu.dma_semaphore, #tpu.memory_space<semaphore_mem>>) src(%arg8 : memref<128x64xf32, #tpu.memory_space<vmem>>) dst(%dma_wait3A_119 : memref<128x64xf32, #tpu.memory_space<vmem_shared>>)
      tpu.yield
    }) : () -> ()
    %add3A_28 = arith.constant 256 : i32
    %add3A_29 = arith.addi %mul3A_23, %add3A_28 : i32
    "tpu.region"() ({
      %run_scoped3A = tpu.sem_alloc : memref<!tpu.dma_semaphore, #tpu.memory_space<semaphore_mem>>
      %dma_start3A_112 = arith.constant 0 : i32
      %dma_start3A_113 = tpu.memref_slice %arg16[%add3A_29, %dma_start3A_112] : memref<10112x64xf32, #tpu.memory_space<vmem_shared>> -> memref<128x64xf32, #tpu.memory_space<vmem_shared>>
      %dma_start3A_114 = arith.constant 0 : i32
      %dma_start3A_115 = tpu.memref_slice %arg16[%add3A_29, %dma_start3A_114] : memref<10112x64xf32, #tpu.memory_space<vmem_shared>> -> memref<128x64xf32, #tpu.memory_space<vmem_shared>>
      tpu.enqueue_dma source(%arg8 : memref<128x64xf32, #tpu.memory_space<vmem>>) target(%dma_start3A_115 : memref<128x64xf32, #tpu.memory_space<vmem_shared>>) target_semaphore(%run_scoped3A : memref<!tpu.dma_semaphore, #tpu.memory_space<semaphore_mem>>)
      %dma_wait3A_116 = arith.constant 0 : i32
      %dma_wait3A_117 = tpu.memref_slice %arg16[%add3A_29, %dma_wait3A_116] : memref<10112x64xf32, #tpu.memory_space<vmem_shared>> -> memref<128x64xf32, #tpu.memory_space<vmem_shared>>
      %dma_wait3A_118 = arith.constant 0 : i32
      %dma_wait3A_119 = tpu.memref_slice %arg16[%add3A_29, %dma_wait3A_118] : memref<10112x64xf32, #tpu.memory_space<vmem_shared>> -> memref<128x64xf32, #tpu.memory_space<vmem_shared>>
      tpu.wait_dma2 semaphore(%run_scoped3A : memref<!tpu.dma_semaphore, #tpu.memory_space<semaphore_mem>>) src(%arg8 : memref<128x64xf32, #tpu.memory_space<vmem>>) dst(%dma_wait3A_119 : memref<128x64xf32, #tpu.memory_space<vmem_shared>>)
      tpu.yield
    }) : () -> ()
    %add3A_30 = arith.constant 384 : i32
    %add3A_31 = arith.addi %mul3A_23, %add3A_30 : i32
    "tpu.region"() ({
      %run_scoped3A = tpu.sem_alloc : memref<!tpu.dma_semaphore, #tpu.memory_space<semaphore_mem>>
      %dma_start3A_112 = arith.constant 0 : i32
      %dma_start3A_113 = tpu.memref_slice %arg16[%add3A_31, %dma_start3A_112] : memref<10112x64xf32, #tpu.memory_space<vmem_shared>> -> memref<128x64xf32, #tpu.memory_space<vmem_shared>>
      %dma_start3A_114 = arith.constant 0 : i32
      %dma_start3A_115 = tpu.memref_slice %arg16[%add3A_31, %dma_start3A_114] : memref<10112x64xf32, #tpu.memory_space<vmem_shared>> -> memref<128x64xf32, #tpu.memory_space<vmem_shared>>
      tpu.enqueue_dma source(%arg8 : memref<128x64xf32, #tpu.memory_space<vmem>>) target(%dma_start3A_115 : memref<128x64xf32, #tpu.memory_space<vmem_shared>>) target_semaphore(%run_scoped3A : memref<!tpu.dma_semaphore, #tpu.memory_space<semaphore_mem>>)
      %dma_wait3A_116 = arith.constant 0 : i32
      %dma_wait3A_117 = tpu.memref_slice %arg16[%add3A_31, %dma_wait3A_116] : memref<10112x64xf32, #tpu.memory_space<vmem_shared>> -> memref<128x64xf32, #tpu.memory_space<vmem_shared>>
      %dma_wait3A_118 = arith.constant 0 : i32
      %dma_wait3A_119 = tpu.memref_slice %arg16[%add3A_31, %dma_wait3A_118] : memref<10112x64xf32, #tpu.memory_space<vmem_shared>> -> memref<128x64xf32, #tpu.memory_space<vmem_shared>>
      tpu.wait_dma2 semaphore(%run_scoped3A : memref<!tpu.dma_semaphore, #tpu.memory_space<semaphore_mem>>) src(%arg8 : memref<128x64xf32, #tpu.memory_space<vmem>>) dst(%dma_wait3A_119 : memref<128x64xf32, #tpu.memory_space<vmem_shared>>)
      tpu.yield
    }) : () -> ()
    %add3A_32 = arith.constant 512 : i32
    %add3A_33 = arith.addi %mul3A_23, %add3A_32 : i32
    "tpu.region"() ({
      %run_scoped3A = tpu.sem_alloc : memref<!tpu.dma_semaphore, #tpu.memory_space<semaphore_mem>>
      %dma_start3A_112 = arith.constant 0 : i32
      %dma_start3A_113 = arith.constant 0 : i32
      %dma_start3A_114 = tpu.memref_slice %arg8[%dma_start3A_112, %dma_start3A_113] : memref<128x64xf32, #tpu.memory_space<vmem>> -> memref<120x64xf32, #tpu.memory_space<vmem>>
      %dma_start3A_115 = arith.constant 0 : i32
      %dma_start3A_116 = tpu.memref_slice %arg16[%add3A_33, %dma_start3A_115] : memref<10112x64xf32, #tpu.memory_space<vmem_shared>> -> memref<120x64xf32, #tpu.memory_space<vmem_shared>>
      %dma_start3A_117 = arith.constant 0 : i32
      %dma_start3A_118 = tpu.memref_slice %arg16[%add3A_33, %dma_start3A_117] : memref<10112x64xf32, #tpu.memory_space<vmem_shared>> -> memref<120x64xf32, #tpu.memory_space<vmem_shared>>
      %dma_start3A_119 = arith.constant 0 : i32
      %dma_start3A_120 = arith.constant 0 : i32
      %dma_start3A_121 = tpu.memref_slice %arg8[%dma_start3A_119, %dma_start3A_120] : memref<128x64xf32, #tpu.memory_space<vmem>> -> memref<120x64xf32, #tpu.memory_space<vmem>>
      tpu.enqueue_dma source(%dma_start3A_121 : memref<120x64xf32, #tpu.memory_space<vmem>>) target(%dma_start3A_118 : memref<120x64xf32, #tpu.memory_space<vmem_shared>>) target_semaphore(%run_scoped3A : memref<!tpu.dma_semaphore, #tpu.memory_space<semaphore_mem>>)
      %dma_wait3A_122 = arith.constant 0 : i32
      %dma_wait3A_123 = arith.constant 0 : i32
      %dma_wait3A_124 = tpu.memref_slice %arg8[%dma_wait3A_122, %dma_wait3A_123] : memref<128x64xf32, #tpu.memory_space<vmem>> -> memref<120x64xf32, #tpu.memory_space<vmem>>
      %dma_wait3A_125 = arith.constant 0 : i32
      %dma_wait3A_126 = tpu.memref_slice %arg16[%add3A_33, %dma_wait3A_125] : memref<10112x64xf32, #tpu.memory_space<vmem_shared>> -> memref<120x64xf32, #tpu.memory_space<vmem_shared>>
      %dma_wait3A_127 = arith.constant 0 : i32
      %dma_wait3A_128 = tpu.memref_slice %arg16[%add3A_33, %dma_wait3A_127] : memref<10112x64xf32, #tpu.memory_space<vmem_shared>> -> memref<120x64xf32, #tpu.memory_space<vmem_shared>>
      %dma_wait3A_129 = arith.constant 0 : i32
      %dma_wait3A_130 = arith.constant 0 : i32
      %dma_wait3A_131 = tpu.memref_slice %arg8[%dma_wait3A_129, %dma_wait3A_130] : memref<128x64xf32, #tpu.memory_space<vmem>> -> memref<120x64xf32, #tpu.memory_space<vmem>>
      tpu.wait_dma2 semaphore(%run_scoped3A : memref<!tpu.dma_semaphore, #tpu.memory_space<semaphore_mem>>) src(%dma_wait3A_131 : memref<120x64xf32, #tpu.memory_space<vmem>>) dst(%dma_wait3A_128 : memref<120x64xf32, #tpu.memory_space<vmem_shared>>)
      tpu.yield
    }) : () -> ()
    %dma_wait3A = arith.constant 0 : i32
    %dma_wait3A_34 = arith.constant 0 : i32
    %dma_wait3A_35 = tpu.memref_slice %arg3[%add3A, %dma_wait3A, %dma_wait3A_34] : memref<32x80x128xi32, #tpu.memory_space<hbm>> -> memref<1x80x128xi32, #tpu.memory_space<hbm>>
    %dma_wait3A_36 = tpu.memref_squeeze %dma_wait3A_35 : memref<1x80x128xi32, #tpu.memory_space<hbm>> -> memref<80x128xi32, #tpu.memory_space<hbm>>
    %dma_wait3A_37 = arith.constant 0 : i32
    %dma_wait3A_38 = arith.constant 0 : i32
    %dma_wait3A_39 = tpu.memref_slice %arg3[%add3A, %dma_wait3A_37, %dma_wait3A_38] : memref<32x80x128xi32, #tpu.memory_space<hbm>> -> memref<1x80x128xi32, #tpu.memory_space<hbm>>
    %dma_wait3A_40 = tpu.memref_squeeze %dma_wait3A_39 : memref<1x80x128xi32, #tpu.memory_space<hbm>> -> memref<80x128xi32, #tpu.memory_space<hbm>>
    tpu.wait_dma2 semaphore(%arg17 : memref<!tpu.dma_semaphore, #tpu.memory_space<semaphore_mem>>) src(%dma_wait3A_40 : memref<80x128xi32, #tpu.memory_space<hbm>>) dst(%arg6 : memref<80x128xi32, #tpu.memory_space<vmem>>)
    %dma_wait3A_41 = arith.constant 0 : i32
    %dma_wait3A_42 = arith.constant 0 : i32
    %dma_wait3A_43 = tpu.memref_slice %arg4[%add3A, %dma_wait3A_41, %dma_wait3A_42] : memref<32x80x128xi32, #tpu.memory_space<hbm>> -> memref<1x80x128xi32, #tpu.memory_space<hbm>>
    %dma_wait3A_44 = tpu.memref_squeeze %dma_wait3A_43 : memref<1x80x128xi32, #tpu.memory_space<hbm>> -> memref<80x128xi32, #tpu.memory_space<hbm>>
    %dma_wait3A_45 = arith.constant 0 : i32
    %dma_wait3A_46 = arith.constant 0 : i32
    %dma_wait3A_47 = tpu.memref_slice %arg4[%add3A, %dma_wait3A_45, %dma_wait3A_46] : memref<32x80x128xi32, #tpu.memory_space<hbm>> -> memref<1x80x128xi32, #tpu.memory_space<hbm>>
    %dma_wait3A_48 = tpu.memref_squeeze %dma_wait3A_47 : memref<1x80x128xi32, #tpu.memory_space<hbm>> -> memref<80x128xi32, #tpu.memory_space<hbm>>
    tpu.wait_dma2 semaphore(%arg17 : memref<!tpu.dma_semaphore, #tpu.memory_space<semaphore_mem>>) src(%dma_wait3A_48 : memref<80x128xi32, #tpu.memory_space<hbm>>) dst(%arg7 : memref<80x128xi32, #tpu.memory_space<vmem>>)
    %barrier3A = arith.constant 0 : index
    tpu.barrier barrier_id(%barrier3A)
    %dma_start3A_49 = arith.constant 0 : i32
    %dma_start3A_50 = arith.constant 0 : i32
    %dma_start3A_51 = tpu.memref_slice %arg6[%dma_start3A_49, %dma_start3A_50] : memref<80x128xi32, #tpu.memory_space<vmem>> -> memref<1x128xi32, #tpu.memory_space<vmem>>
    %dma_start3A_52 = tpu.memref_squeeze %dma_start3A_51 : memref<1x128xi32, #tpu.memory_space<vmem>> -> memref<128xi32, #tpu.memory_space<vmem>>
    %dma_start3A_53 = arith.constant 0 : i32
    %dma_start3A_54 = arith.constant 0 : i32
    %dma_start3A_55 = tpu.memref_slice %arg2[%dma_start3A_53, %dma_start3A_54] : memref<10112x64xf32, #tpu.memory_space<hbm>> -> memref<10112x64xf32, #tpu.memory_space<hbm>>
    tpu.enqueue_indirect_dma source(%dma_start3A_55 : memref<10112x64xf32, #tpu.memory_space<hbm>>) target(%arg8 : memref<128x64xf32, #tpu.memory_space<vmem>>) offsets(%dma_start3A_52 : memref<128xi32, #tpu.memory_space<vmem>>) semaphore(%arg18 : memref<!tpu.dma_semaphore, #tpu.memory_space<semaphore_mem>>)
    %dma_start3A_56 = arith.constant 1 : i32
    %dma_start3A_57 = arith.constant 0 : i32
    %dma_start3A_58 = tpu.memref_slice %arg6[%dma_start3A_56, %dma_start3A_57] : memref<80x128xi32, #tpu.memory_space<vmem>> -> memref<1x128xi32, #tpu.memory_space<vmem>>
    %dma_start3A_59 = tpu.memref_squeeze %dma_start3A_58 : memref<1x128xi32, #tpu.memory_space<vmem>> -> memref<128xi32, #tpu.memory_space<vmem>>
    %dma_start3A_60 = arith.constant 0 : i32
    %dma_start3A_61 = arith.constant 0 : i32
    %dma_start3A_62 = tpu.memref_slice %arg2[%dma_start3A_60, %dma_start3A_61] : memref<10112x64xf32, #tpu.memory_space<hbm>> -> memref<10112x64xf32, #tpu.memory_space<hbm>>
    tpu.enqueue_indirect_dma source(%dma_start3A_62 : memref<10112x64xf32, #tpu.memory_space<hbm>>) target(%arg9 : memref<128x64xf32, #tpu.memory_space<vmem>>) offsets(%dma_start3A_59 : memref<128xi32, #tpu.memory_space<vmem>>) semaphore(%arg18 : memref<!tpu.dma_semaphore, #tpu.memory_space<semaphore_mem>>)
    %dma_start3A_63 = arith.constant 2 : i32
    %dma_start3A_64 = arith.constant 0 : i32
    %dma_start3A_65 = tpu.memref_slice %arg6[%dma_start3A_63, %dma_start3A_64] : memref<80x128xi32, #tpu.memory_space<vmem>> -> memref<1x128xi32, #tpu.memory_space<vmem>>
    %dma_start3A_66 = tpu.memref_squeeze %dma_start3A_65 : memref<1x128xi32, #tpu.memory_space<vmem>> -> memref<128xi32, #tpu.memory_space<vmem>>
    %dma_start3A_67 = arith.constant 0 : i32
    %dma_start3A_68 = arith.constant 0 : i32
    %dma_start3A_69 = tpu.memref_slice %arg2[%dma_start3A_67, %dma_start3A_68] : memref<10112x64xf32, #tpu.memory_space<hbm>> -> memref<10112x64xf32, #tpu.memory_space<hbm>>
    tpu.enqueue_indirect_dma source(%dma_start3A_69 : memref<10112x64xf32, #tpu.memory_space<hbm>>) target(%arg10 : memref<128x64xf32, #tpu.memory_space<vmem>>) offsets(%dma_start3A_66 : memref<128xi32, #tpu.memory_space<vmem>>) semaphore(%arg18 : memref<!tpu.dma_semaphore, #tpu.memory_space<semaphore_mem>>)
    %dma_start3A_70 = arith.constant 3 : i32
    %dma_start3A_71 = arith.constant 0 : i32
    %dma_start3A_72 = tpu.memref_slice %arg6[%dma_start3A_70, %dma_start3A_71] : memref<80x128xi32, #tpu.memory_space<vmem>> -> memref<1x128xi32, #tpu.memory_space<vmem>>
    %dma_start3A_73 = tpu.memref_squeeze %dma_start3A_72 : memref<1x128xi32, #tpu.memory_space<vmem>> -> memref<128xi32, #tpu.memory_space<vmem>>
    %dma_start3A_74 = arith.constant 0 : i32
    %dma_start3A_75 = arith.constant 0 : i32
    %dma_start3A_76 = tpu.memref_slice %arg2[%dma_start3A_74, %dma_start3A_75] : memref<10112x64xf32, #tpu.memory_space<hbm>> -> memref<10112x64xf32, #tpu.memory_space<hbm>>
    tpu.enqueue_indirect_dma source(%dma_start3A_76 : memref<10112x64xf32, #tpu.memory_space<hbm>>) target(%arg11 : memref<128x64xf32, #tpu.memory_space<vmem>>) offsets(%dma_start3A_73 : memref<128xi32, #tpu.memory_space<vmem>>) semaphore(%arg18 : memref<!tpu.dma_semaphore, #tpu.memory_space<semaphore_mem>>)
    %dma_start3A_77 = arith.constant 4 : i32
    %dma_start3A_78 = arith.constant 0 : i32
    %dma_start3A_79 = tpu.memref_slice %arg6[%dma_start3A_77, %dma_start3A_78] : memref<80x128xi32, #tpu.memory_space<vmem>> -> memref<1x128xi32, #tpu.memory_space<vmem>>
    %dma_start3A_80 = tpu.memref_squeeze %dma_start3A_79 : memref<1x128xi32, #tpu.memory_space<vmem>> -> memref<128xi32, #tpu.memory_space<vmem>>
    %dma_start3A_81 = arith.constant 0 : i32
    %dma_start3A_82 = arith.constant 0 : i32
    %dma_start3A_83 = tpu.memref_slice %arg2[%dma_start3A_81, %dma_start3A_82] : memref<10112x64xf32, #tpu.memory_space<hbm>> -> memref<10112x64xf32, #tpu.memory_space<hbm>>
    tpu.enqueue_indirect_dma source(%dma_start3A_83 : memref<10112x64xf32, #tpu.memory_space<hbm>>) target(%arg12 : memref<128x64xf32, #tpu.memory_space<vmem>>) offsets(%dma_start3A_80 : memref<128xi32, #tpu.memory_space<vmem>>) semaphore(%arg19 : memref<!tpu.dma_semaphore, #tpu.memory_space<semaphore_mem>>)
    %dma_start3A_84 = arith.constant 5 : i32
    %dma_start3A_85 = arith.constant 0 : i32
    %dma_start3A_86 = tpu.memref_slice %arg6[%dma_start3A_84, %dma_start3A_85] : memref<80x128xi32, #tpu.memory_space<vmem>> -> memref<1x128xi32, #tpu.memory_space<vmem>>
    %dma_start3A_87 = tpu.memref_squeeze %dma_start3A_86 : memref<1x128xi32, #tpu.memory_space<vmem>> -> memref<128xi32, #tpu.memory_space<vmem>>
    %dma_start3A_88 = arith.constant 0 : i32
    %dma_start3A_89 = arith.constant 0 : i32
    %dma_start3A_90 = tpu.memref_slice %arg2[%dma_start3A_88, %dma_start3A_89] : memref<10112x64xf32, #tpu.memory_space<hbm>> -> memref<10112x64xf32, #tpu.memory_space<hbm>>
    tpu.enqueue_indirect_dma source(%dma_start3A_90 : memref<10112x64xf32, #tpu.memory_space<hbm>>) target(%arg13 : memref<128x64xf32, #tpu.memory_space<vmem>>) offsets(%dma_start3A_87 : memref<128xi32, #tpu.memory_space<vmem>>) semaphore(%arg19 : memref<!tpu.dma_semaphore, #tpu.memory_space<semaphore_mem>>)
    %dma_start3A_91 = arith.constant 6 : i32
    %dma_start3A_92 = arith.constant 0 : i32
    %dma_start3A_93 = tpu.memref_slice %arg6[%dma_start3A_91, %dma_start3A_92] : memref<80x128xi32, #tpu.memory_space<vmem>> -> memref<1x128xi32, #tpu.memory_space<vmem>>
    %dma_start3A_94 = tpu.memref_squeeze %dma_start3A_93 : memref<1x128xi32, #tpu.memory_space<vmem>> -> memref<128xi32, #tpu.memory_space<vmem>>
    %dma_start3A_95 = arith.constant 0 : i32
    %dma_start3A_96 = arith.constant 0 : i32
    %dma_start3A_97 = tpu.memref_slice %arg2[%dma_start3A_95, %dma_start3A_96] : memref<10112x64xf32, #tpu.memory_space<hbm>> -> memref<10112x64xf32, #tpu.memory_space<hbm>>
    tpu.enqueue_indirect_dma source(%dma_start3A_97 : memref<10112x64xf32, #tpu.memory_space<hbm>>) target(%arg14 : memref<128x64xf32, #tpu.memory_space<vmem>>) offsets(%dma_start3A_94 : memref<128xi32, #tpu.memory_space<vmem>>) semaphore(%arg19 : memref<!tpu.dma_semaphore, #tpu.memory_space<semaphore_mem>>)
    %dma_start3A_98 = arith.constant 7 : i32
    %dma_start3A_99 = arith.constant 0 : i32
    %dma_start3A_100 = tpu.memref_slice %arg6[%dma_start3A_98, %dma_start3A_99] : memref<80x128xi32, #tpu.memory_space<vmem>> -> memref<1x128xi32, #tpu.memory_space<vmem>>
    %dma_start3A_101 = tpu.memref_squeeze %dma_start3A_100 : memref<1x128xi32, #tpu.memory_space<vmem>> -> memref<128xi32, #tpu.memory_space<vmem>>
    %dma_start3A_102 = arith.constant 0 : i32
    %dma_start3A_103 = arith.constant 0 : i32
    %dma_start3A_104 = tpu.memref_slice %arg2[%dma_start3A_102, %dma_start3A_103] : memref<10112x64xf32, #tpu.memory_space<hbm>> -> memref<10112x64xf32, #tpu.memory_space<hbm>>
    tpu.enqueue_indirect_dma source(%dma_start3A_104 : memref<10112x64xf32, #tpu.memory_space<hbm>>) target(%arg15 : memref<128x64xf32, #tpu.memory_space<vmem>>) offsets(%dma_start3A_101 : memref<128xi32, #tpu.memory_space<vmem>>) semaphore(%arg19 : memref<!tpu.dma_semaphore, #tpu.memory_space<semaphore_mem>>)
    %scan3A_105 = arith.constant 0 : i32
    %scan3A_106 = arith.constant 0 : i32
    %scan3A_107 = arith.constant 10 : i32
    %scan3A_108 = arith.addi %scan3A_106, %scan3A_107 : i32
    %scan3A_109 = arith.constant 1 : i32
    scf.for %scan3A_112 = %scan3A_106 to %scan3A_108 step %scan3A_109  : i32 {
      %mul3A_113 = arith.constant 2 : i32
      %mul3A_114 = arith.muli %scan3A_112, %mul3A_113 : i32
      %add3A_115 = arith.constant 0 : i32
      %add3A_116 = arith.addi %mul3A_114, %add3A_115 : i32
      %mul3A_117 = arith.constant 4 : i32
      %mul3A_118 = arith.muli %add3A_116, %mul3A_117 : i32
      %add3A_119 = arith.constant 0 : i32
      %add3A_120 = arith.addi %mul3A_118, %add3A_119 : i32
      %dma_wait3A_121 = arith.constant 0 : i32
      %dma_wait3A_122 = tpu.memref_slice %arg6[%add3A_120, %dma_wait3A_121] : memref<80x128xi32, #tpu.memory_space<vmem>> -> memref<1x128xi32, #tpu.memory_space<vmem>>
      %dma_wait3A_123 = tpu.memref_squeeze %dma_wait3A_122 : memref<1x128xi32, #tpu.memory_space<vmem>> -> memref<128xi32, #tpu.memory_space<vmem>>
      %dma_wait3A_124 = arith.constant 0 : i32
      %dma_wait3A_125 = arith.constant 0 : i32
      %dma_wait3A_126 = tpu.memref_slice %arg2[%dma_wait3A_124, %dma_wait3A_125] : memref<10112x64xf32, #tpu.memory_space<hbm>> -> memref<10112x64xf32, #tpu.memory_space<hbm>>
      tpu.wait_indirect_dma semaphore(%arg18 : memref<!tpu.dma_semaphore, #tpu.memory_space<semaphore_mem>>) src(%dma_wait3A_126 : memref<10112x64xf32, #tpu.memory_space<hbm>>) dst(%arg8 : memref<128x64xf32, #tpu.memory_space<vmem>>)
      %add3A_127 = arith.constant 1 : i32
      %add3A_128 = arith.addi %mul3A_118, %add3A_127 : i32
      %dma_wait3A_129 = arith.constant 0 : i32
      %dma_wait3A_130 = tpu.memref_slice %arg6[%add3A_128, %dma_wait3A_129] : memref<80x128xi32, #tpu.memory_space<vmem>> -> memref<1x128xi32, #tpu.memory_space<vmem>>
      %dma_wait3A_131 = tpu.memref_squeeze %dma_wait3A_130 : memref<1x128xi32, #tpu.memory_space<vmem>> -> memref<128xi32, #tpu.memory_space<vmem>>
      %dma_wait3A_132 = arith.constant 0 : i32
      %dma_wait3A_133 = arith.constant 0 : i32
      %dma_wait3A_134 = tpu.memref_slice %arg2[%dma_wait3A_132, %dma_wait3A_133] : memref<10112x64xf32, #tpu.memory_space<hbm>> -> memref<10112x64xf32, #tpu.memory_space<hbm>>
      tpu.wait_indirect_dma semaphore(%arg18 : memref<!tpu.dma_semaphore, #tpu.memory_space<semaphore_mem>>) src(%dma_wait3A_134 : memref<10112x64xf32, #tpu.memory_space<hbm>>) dst(%arg9 : memref<128x64xf32, #tpu.memory_space<vmem>>)
      %add3A_135 = arith.constant 2 : i32
      %add3A_136 = arith.addi %mul3A_118, %add3A_135 : i32
      %dma_wait3A_137 = arith.constant 0 : i32
      %dma_wait3A_138 = tpu.memref_slice %arg6[%add3A_136, %dma_wait3A_137] : memref<80x128xi32, #tpu.memory_space<vmem>> -> memref<1x128xi32, #tpu.memory_space<vmem>>
      %dma_wait3A_139 = tpu.memref_squeeze %dma_wait3A_138 : memref<1x128xi32, #tpu.memory_space<vmem>> -> memref<128xi32, #tpu.memory_space<vmem>>
      %dma_wait3A_140 = arith.constant 0 : i32
      %dma_wait3A_141 = arith.constant 0 : i32
      %dma_wait3A_142 = tpu.memref_slice %arg2[%dma_wait3A_140, %dma_wait3A_141] : memref<10112x64xf32, #tpu.memory_space<hbm>> -> memref<10112x64xf32, #tpu.memory_space<hbm>>
      tpu.wait_indirect_dma semaphore(%arg18 : memref<!tpu.dma_semaphore, #tpu.memory_space<semaphore_mem>>) src(%dma_wait3A_142 : memref<10112x64xf32, #tpu.memory_space<hbm>>) dst(%arg10 : memref<128x64xf32, #tpu.memory_space<vmem>>)
      %add3A_143 = arith.constant 3 : i32
      %add3A_144 = arith.addi %mul3A_118, %add3A_143 : i32
      %dma_wait3A_145 = arith.constant 0 : i32
      %dma_wait3A_146 = tpu.memref_slice %arg6[%add3A_144, %dma_wait3A_145] : memref<80x128xi32, #tpu.memory_space<vmem>> -> memref<1x128xi32, #tpu.memory_space<vmem>>
      %dma_wait3A_147 = tpu.memref_squeeze %dma_wait3A_146 : memref<1x128xi32, #tpu.memory_space<vmem>> -> memref<128xi32, #tpu.memory_space<vmem>>
      %dma_wait3A_148 = arith.constant 0 : i32
      %dma_wait3A_149 = arith.constant 0 : i32
      %dma_wait3A_150 = tpu.memref_slice %arg2[%dma_wait3A_148, %dma_wait3A_149] : memref<10112x64xf32, #tpu.memory_space<hbm>> -> memref<10112x64xf32, #tpu.memory_space<hbm>>
      tpu.wait_indirect_dma semaphore(%arg18 : memref<!tpu.dma_semaphore, #tpu.memory_space<semaphore_mem>>) src(%dma_wait3A_150 : memref<10112x64xf32, #tpu.memory_space<hbm>>) dst(%arg11 : memref<128x64xf32, #tpu.memory_space<vmem>>)
      %add3A_151 = arith.constant 0 : i32
      %add3A_152 = arith.addi %mul3A_118, %add3A_151 : i32
      "tpu.region"() ({
        %run_scoped3A = tpu.sem_alloc : memref<!tpu.dma_semaphore, #tpu.memory_space<semaphore_mem>>
        %dma_start3A_216 = arith.constant 0 : i32
        %dma_start3A_217 = tpu.memref_slice %arg7[%add3A_152, %dma_start3A_216] : memref<80x128xi32, #tpu.memory_space<vmem>> -> memref<1x128xi32, #tpu.memory_space<vmem>>
        %dma_start3A_218 = tpu.memref_squeeze %dma_start3A_217 : memref<1x128xi32, #tpu.memory_space<vmem>> -> memref<128xi32, #tpu.memory_space<vmem>>
        %dma_start3A_219 = arith.constant 0 : i32
        %dma_start3A_220 = arith.constant 0 : i32
        %dma_start3A_221 = tpu.memref_slice %arg16[%dma_start3A_219, %dma_start3A_220] : memref<10112x64xf32, #tpu.memory_space<vmem_shared>> -> memref<10112x64xf32, #tpu.memory_space<vmem_shared>>
        tpu.enqueue_indirect_dma source(%arg8 : memref<128x64xf32, #tpu.memory_space<vmem>>) target(%dma_start3A_221 : memref<10112x64xf32, #tpu.memory_space<vmem_shared>>) offsets(%dma_start3A_218 : memref<128xi32, #tpu.memory_space<vmem>>) semaphore(%run_scoped3A : memref<!tpu.dma_semaphore, #tpu.memory_space<semaphore_mem>>) {add = true}
        %dma_wait3A_222 = arith.constant 0 : i32
        %dma_wait3A_223 = tpu.memref_slice %arg7[%add3A_152, %dma_wait3A_222] : memref<80x128xi32, #tpu.memory_space<vmem>> -> memref<1x128xi32, #tpu.memory_space<vmem>>
        %dma_wait3A_224 = tpu.memref_squeeze %dma_wait3A_223 : memref<1x128xi32, #tpu.memory_space<vmem>> -> memref<128xi32, #tpu.memory_space<vmem>>
        %dma_wait3A_225 = arith.constant 0 : i32
        %dma_wait3A_226 = arith.constant 0 : i32
        %dma_wait3A_227 = tpu.memref_slice %arg16[%dma_wait3A_225, %dma_wait3A_226] : memref<10112x64xf32, #tpu.memory_space<vmem_shared>> -> memref<10112x64xf32, #tpu.memory_space<vmem_shared>>
        tpu.wait_indirect_dma semaphore(%run_scoped3A : memref<!tpu.dma_semaphore, #tpu.memory_space<semaphore_mem>>) src(%arg8 : memref<128x64xf32, #tpu.memory_space<vmem>>) dst(%dma_wait3A_227 : memref<10112x64xf32, #tpu.memory_space<vmem_shared>>)
        tpu.yield
      }) : () -> ()
      %add3A_153 = arith.constant 1 : i32
      %add3A_154 = arith.addi %mul3A_118, %add3A_153 : i32
      "tpu.region"() ({
        %run_scoped3A = tpu.sem_alloc : memref<!tpu.dma_semaphore, #tpu.memory_space<semaphore_mem>>
        %dma_start3A_216 = arith.constant 0 : i32
        %dma_start3A_217 = tpu.memref_slice %arg7[%add3A_154, %dma_start3A_216] : memref<80x128xi32, #tpu.memory_space<vmem>> -> memref<1x128xi32, #tpu.memory_space<vmem>>
        %dma_start3A_218 = tpu.memref_squeeze %dma_start3A_217 : memref<1x128xi32, #tpu.memory_space<vmem>> -> memref<128xi32, #tpu.memory_space<vmem>>
        %dma_start3A_219 = arith.constant 0 : i32
        %dma_start3A_220 = arith.constant 0 : i32
        %dma_start3A_221 = tpu.memref_slice %arg16[%dma_start3A_219, %dma_start3A_220] : memref<10112x64xf32, #tpu.memory_space<vmem_shared>> -> memref<10112x64xf32, #tpu.memory_space<vmem_shared>>
        tpu.enqueue_indirect_dma source(%arg9 : memref<128x64xf32, #tpu.memory_space<vmem>>) target(%dma_start3A_221 : memref<10112x64xf32, #tpu.memory_space<vmem_shared>>) offsets(%dma_start3A_218 : memref<128xi32, #tpu.memory_space<vmem>>) semaphore(%run_scoped3A : memref<!tpu.dma_semaphore, #tpu.memory_space<semaphore_mem>>) {add = true}
        %dma_wait3A_222 = arith.constant 0 : i32
        %dma_wait3A_223 = tpu.memref_slice %arg7[%add3A_154, %dma_wait3A_222] : memref<80x128xi32, #tpu.memory_space<vmem>> -> memref<1x128xi32, #tpu.memory_space<vmem>>
        %dma_wait3A_224 = tpu.memref_squeeze %dma_wait3A_223 : memref<1x128xi32, #tpu.memory_space<vmem>> -> memref<128xi32, #tpu.memory_space<vmem>>
        %dma_wait3A_225 = arith.constant 0 : i32
        %dma_wait3A_226 = arith.constant 0 : i32
        %dma_wait3A_227 = tpu.memref_slice %arg16[%dma_wait3A_225, %dma_wait3A_226] : memref<10112x64xf32, #tpu.memory_space<vmem_shared>> -> memref<10112x64xf32, #tpu.memory_space<vmem_shared>>
        tpu.wait_indirect_dma semaphore(%run_scoped3A : memref<!tpu.dma_semaphore, #tpu.memory_space<semaphore_mem>>) src(%arg9 : memref<128x64xf32, #tpu.memory_space<vmem>>) dst(%dma_wait3A_227 : memref<10112x64xf32, #tpu.memory_space<vmem_shared>>)
        tpu.yield
      }) : () -> ()
      %add3A_155 = arith.constant 2 : i32
      %add3A_156 = arith.addi %mul3A_118, %add3A_155 : i32
      "tpu.region"() ({
        %run_scoped3A = tpu.sem_alloc : memref<!tpu.dma_semaphore, #tpu.memory_space<semaphore_mem>>
        %dma_start3A_216 = arith.constant 0 : i32
        %dma_start3A_217 = tpu.memref_slice %arg7[%add3A_156, %dma_start3A_216] : memref<80x128xi32, #tpu.memory_space<vmem>> -> memref<1x128xi32, #tpu.memory_space<vmem>>
        %dma_start3A_218 = tpu.memref_squeeze %dma_start3A_217 : memref<1x128xi32, #tpu.memory_space<vmem>> -> memref<128xi32, #tpu.memory_space<vmem>>
        %dma_start3A_219 = arith.constant 0 : i32
        %dma_start3A_220 = arith.constant 0 : i32
        %dma_start3A_221 = tpu.memref_slice %arg16[%dma_start3A_219, %dma_start3A_220] : memref<10112x64xf32, #tpu.memory_space<vmem_shared>> -> memref<10112x64xf32, #tpu.memory_space<vmem_shared>>
        tpu.enqueue_indirect_dma source(%arg10 : memref<128x64xf32, #tpu.memory_space<vmem>>) target(%dma_start3A_221 : memref<10112x64xf32, #tpu.memory_space<vmem_shared>>) offsets(%dma_start3A_218 : memref<128xi32, #tpu.memory_space<vmem>>) semaphore(%run_scoped3A : memref<!tpu.dma_semaphore, #tpu.memory_space<semaphore_mem>>) {add = true}
        %dma_wait3A_222 = arith.constant 0 : i32
        %dma_wait3A_223 = tpu.memref_slice %arg7[%add3A_156, %dma_wait3A_222] : memref<80x128xi32, #tpu.memory_space<vmem>> -> memref<1x128xi32, #tpu.memory_space<vmem>>
        %dma_wait3A_224 = tpu.memref_squeeze %dma_wait3A_223 : memref<1x128xi32, #tpu.memory_space<vmem>> -> memref<128xi32, #tpu.memory_space<vmem>>
        %dma_wait3A_225 = arith.constant 0 : i32
        %dma_wait3A_226 = arith.constant 0 : i32
        %dma_wait3A_227 = tpu.memref_slice %arg16[%dma_wait3A_225, %dma_wait3A_226] : memref<10112x64xf32, #tpu.memory_space<vmem_shared>> -> memref<10112x64xf32, #tpu.memory_space<vmem_shared>>
        tpu.wait_indirect_dma semaphore(%run_scoped3A : memref<!tpu.dma_semaphore, #tpu.memory_space<semaphore_mem>>) src(%arg10 : memref<128x64xf32, #tpu.memory_space<vmem>>) dst(%dma_wait3A_227 : memref<10112x64xf32, #tpu.memory_space<vmem_shared>>)
        tpu.yield
      }) : () -> ()
      %add3A_157 = arith.constant 3 : i32
      %add3A_158 = arith.addi %mul3A_118, %add3A_157 : i32
      "tpu.region"() ({
        %run_scoped3A = tpu.sem_alloc : memref<!tpu.dma_semaphore, #tpu.memory_space<semaphore_mem>>
        %dma_start3A_216 = arith.constant 0 : i32
        %dma_start3A_217 = tpu.memref_slice %arg7[%add3A_158, %dma_start3A_216] : memref<80x128xi32, #tpu.memory_space<vmem>> -> memref<1x128xi32, #tpu.memory_space<vmem>>
        %dma_start3A_218 = tpu.memref_squeeze %dma_start3A_217 : memref<1x128xi32, #tpu.memory_space<vmem>> -> memref<128xi32, #tpu.memory_space<vmem>>
        %dma_start3A_219 = arith.constant 0 : i32
        %dma_start3A_220 = arith.constant 0 : i32
        %dma_start3A_221 = tpu.memref_slice %arg16[%dma_start3A_219, %dma_start3A_220] : memref<10112x64xf32, #tpu.memory_space<vmem_shared>> -> memref<10112x64xf32, #tpu.memory_space<vmem_shared>>
        tpu.enqueue_indirect_dma source(%arg11 : memref<128x64xf32, #tpu.memory_space<vmem>>) target(%dma_start3A_221 : memref<10112x64xf32, #tpu.memory_space<vmem_shared>>) offsets(%dma_start3A_218 : memref<128xi32, #tpu.memory_space<vmem>>) semaphore(%run_scoped3A : memref<!tpu.dma_semaphore, #tpu.memory_space<semaphore_mem>>) {add = true}
        %dma_wait3A_222 = arith.constant 0 : i32
        %dma_wait3A_223 = tpu.memref_slice %arg7[%add3A_158, %dma_wait3A_222] : memref<80x128xi32, #tpu.memory_space<vmem>> -> memref<1x128xi32, #tpu.memory_space<vmem>>
        %dma_wait3A_224 = tpu.memref_squeeze %dma_wait3A_223 : memref<1x128xi32, #tpu.memory_space<vmem>> -> memref<128xi32, #tpu.memory_space<vmem>>
        %dma_wait3A_225 = arith.constant 0 : i32
        %dma_wait3A_226 = arith.constant 0 : i32
        %dma_wait3A_227 = tpu.memref_slice %arg16[%dma_wait3A_225, %dma_wait3A_226] : memref<10112x64xf32, #tpu.memory_space<vmem_shared>> -> memref<10112x64xf32, #tpu.memory_space<vmem_shared>>
        tpu.wait_indirect_dma semaphore(%run_scoped3A : memref<!tpu.dma_semaphore, #tpu.memory_space<semaphore_mem>>) src(%arg11 : memref<128x64xf32, #tpu.memory_space<vmem>>) dst(%dma_wait3A_227 : memref<10112x64xf32, #tpu.memory_space<vmem_shared>>)
        tpu.yield
      }) : () -> ()
      %add3A_159 = arith.constant 2 : i32
      %add3A_160 = arith.addi %add3A_116, %add3A_159 : i32
      %lt3A = arith.constant 20 : i32
      %lt3A_161 = arith.cmpi slt, %add3A_160, %lt3A : i32
      %convert_element_type3A = arith.extui %lt3A_161 : i1 to i32
      %cond3A = arith.constant 0 : i32
      %cond3A_162 = arith.cmpi ne, %convert_element_type3A, %cond3A : i32
      scf.if %cond3A_162 {
        %add3A_216 = arith.constant 8 : i32
        %add3A_217 = arith.addi %mul3A_118, %add3A_216 : i32
        %add3A_218 = arith.constant 0 : i32
        %add3A_219 = arith.addi %add3A_217, %add3A_218 : i32
        %dma_start3A_220 = arith.constant 0 : i32
        %dma_start3A_221 = tpu.memref_slice %arg6[%add3A_219, %dma_start3A_220] : memref<80x128xi32, #tpu.memory_space<vmem>> -> memref<1x128xi32, #tpu.memory_space<vmem>>
        %dma_start3A_222 = tpu.memref_squeeze %dma_start3A_221 : memref<1x128xi32, #tpu.memory_space<vmem>> -> memref<128xi32, #tpu.memory_space<vmem>>
        %dma_start3A_223 = arith.constant 0 : i32
        %dma_start3A_224 = arith.constant 0 : i32
        %dma_start3A_225 = tpu.memref_slice %arg2[%dma_start3A_223, %dma_start3A_224] : memref<10112x64xf32, #tpu.memory_space<hbm>> -> memref<10112x64xf32, #tpu.memory_space<hbm>>
        tpu.enqueue_indirect_dma source(%dma_start3A_225 : memref<10112x64xf32, #tpu.memory_space<hbm>>) target(%arg8 : memref<128x64xf32, #tpu.memory_space<vmem>>) offsets(%dma_start3A_222 : memref<128xi32, #tpu.memory_space<vmem>>) semaphore(%arg18 : memref<!tpu.dma_semaphore, #tpu.memory_space<semaphore_mem>>)
        %add3A_226 = arith.constant 8 : i32
        %add3A_227 = arith.addi %mul3A_118, %add3A_226 : i32
        %add3A_228 = arith.constant 1 : i32
        %add3A_229 = arith.addi %add3A_227, %add3A_228 : i32
        %dma_start3A_230 = arith.constant 0 : i32
        %dma_start3A_231 = tpu.memref_slice %arg6[%add3A_229, %dma_start3A_230] : memref<80x128xi32, #tpu.memory_space<vmem>> -> memref<1x128xi32, #tpu.memory_space<vmem>>
        %dma_start3A_232 = tpu.memref_squeeze %dma_start3A_231 : memref<1x128xi32, #tpu.memory_space<vmem>> -> memref<128xi32, #tpu.memory_space<vmem>>
        %dma_start3A_233 = arith.constant 0 : i32
        %dma_start3A_234 = arith.constant 0 : i32
        %dma_start3A_235 = tpu.memref_slice %arg2[%dma_start3A_233, %dma_start3A_234] : memref<10112x64xf32, #tpu.memory_space<hbm>> -> memref<10112x64xf32, #tpu.memory_space<hbm>>
        tpu.enqueue_indirect_dma source(%dma_start3A_235 : memref<10112x64xf32, #tpu.memory_space<hbm>>) target(%arg9 : memref<128x64xf32, #tpu.memory_space<vmem>>) offsets(%dma_start3A_232 : memref<128xi32, #tpu.memory_space<vmem>>) semaphore(%arg18 : memref<!tpu.dma_semaphore, #tpu.memory_space<semaphore_mem>>)
        %add3A_236 = arith.constant 8 : i32
        %add3A_237 = arith.addi %mul3A_118, %add3A_236 : i32
        %add3A_238 = arith.constant 2 : i32
        %add3A_239 = arith.addi %add3A_237, %add3A_238 : i32
        %dma_start3A_240 = arith.constant 0 : i32
        %dma_start3A_241 = tpu.memref_slice %arg6[%add3A_239, %dma_start3A_240] : memref<80x128xi32, #tpu.memory_space<vmem>> -> memref<1x128xi32, #tpu.memory_space<vmem>>
        %dma_start3A_242 = tpu.memref_squeeze %dma_start3A_241 : memref<1x128xi32, #tpu.memory_space<vmem>> -> memref<128xi32, #tpu.memory_space<vmem>>
        %dma_start3A_243 = arith.constant 0 : i32
        %dma_start3A_244 = arith.constant 0 : i32
        %dma_start3A_245 = tpu.memref_slice %arg2[%dma_start3A_243, %dma_start3A_244] : memref<10112x64xf32, #tpu.memory_space<hbm>> -> memref<10112x64xf32, #tpu.memory_space<hbm>>
        tpu.enqueue_indirect_dma source(%dma_start3A_245 : memref<10112x64xf32, #tpu.memory_space<hbm>>) target(%arg10 : memref<128x64xf32, #tpu.memory_space<vmem>>) offsets(%dma_start3A_242 : memref<128xi32, #tpu.memory_space<vmem>>) semaphore(%arg18 : memref<!tpu.dma_semaphore, #tpu.memory_space<semaphore_mem>>)
        %add3A_246 = arith.constant 8 : i32
        %add3A_247 = arith.addi %mul3A_118, %add3A_246 : i32
        %add3A_248 = arith.constant 3 : i32
        %add3A_249 = arith.addi %add3A_247, %add3A_248 : i32
        %dma_start3A_250 = arith.constant 0 : i32
        %dma_start3A_251 = tpu.memref_slice %arg6[%add3A_249, %dma_start3A_250] : memref<80x128xi32, #tpu.memory_space<vmem>> -> memref<1x128xi32, #tpu.memory_space<vmem>>
        %dma_start3A_252 = tpu.memref_squeeze %dma_start3A_251 : memref<1x128xi32, #tpu.memory_space<vmem>> -> memref<128xi32, #tpu.memory_space<vmem>>
        %dma_start3A_253 = arith.constant 0 : i32
        %dma_start3A_254 = arith.constant 0 : i32
        %dma_start3A_255 = tpu.memref_slice %arg2[%dma_start3A_253, %dma_start3A_254] : memref<10112x64xf32, #tpu.memory_space<hbm>> -> memref<10112x64xf32, #tpu.memory_space<hbm>>
        tpu.enqueue_indirect_dma source(%dma_start3A_255 : memref<10112x64xf32, #tpu.memory_space<hbm>>) target(%arg11 : memref<128x64xf32, #tpu.memory_space<vmem>>) offsets(%dma_start3A_252 : memref<128xi32, #tpu.memory_space<vmem>>) semaphore(%arg18 : memref<!tpu.dma_semaphore, #tpu.memory_space<semaphore_mem>>)
      } else {
      }
      %mul3A_163 = arith.constant 2 : i32
      %mul3A_164 = arith.muli %scan3A_112, %mul3A_163 : i32
      %add3A_165 = arith.constant 1 : i32
      %add3A_166 = arith.addi %mul3A_164, %add3A_165 : i32
      %mul3A_167 = arith.constant 4 : i32
      %mul3A_168 = arith.muli %add3A_166, %mul3A_167 : i32
      %add3A_169 = arith.constant 0 : i32
      %add3A_170 = arith.addi %mul3A_168, %add3A_169 : i32
      %dma_wait3A_171 = arith.constant 0 : i32
      %dma_wait3A_172 = tpu.memref_slice %arg6[%add3A_170, %dma_wait3A_171] : memref<80x128xi32, #tpu.memory_space<vmem>> -> memref<1x128xi32, #tpu.memory_space<vmem>>
      %dma_wait3A_173 = tpu.memref_squeeze %dma_wait3A_172 : memref<1x128xi32, #tpu.memory_space<vmem>> -> memref<128xi32, #tpu.memory_space<vmem>>
      %dma_wait3A_174 = arith.constant 0 : i32
      %dma_wait3A_175 = arith.constant 0 : i32
      %dma_wait3A_176 = tpu.memref_slice %arg2[%dma_wait3A_174, %dma_wait3A_175] : memref<10112x64xf32, #tpu.memory_space<hbm>> -> memref<10112x64xf32, #tpu.memory_space<hbm>>
      tpu.wait_indirect_dma semaphore(%arg19 : memref<!tpu.dma_semaphore, #tpu.memory_space<semaphore_mem>>) src(%dma_wait3A_176 : memref<10112x64xf32, #tpu.memory_space<hbm>>) dst(%arg12 : memref<128x64xf32, #tpu.memory_space<vmem>>)
      %add3A_177 = arith.constant 1 : i32
      %add3A_178 = arith.addi %mul3A_168, %add3A_177 : i32
      %dma_wait3A_179 = arith.constant 0 : i32
      %dma_wait3A_180 = tpu.memref_slice %arg6[%add3A_178, %dma_wait3A_179] : memref<80x128xi32, #tpu.memory_space<vmem>> -> memref<1x128xi32, #tpu.memory_space<vmem>>
      %dma_wait3A_181 = tpu.memref_squeeze %dma_wait3A_180 : memref<1x128xi32, #tpu.memory_space<vmem>> -> memref<128xi32, #tpu.memory_space<vmem>>
      %dma_wait3A_182 = arith.constant 0 : i32
      %dma_wait3A_183 = arith.constant 0 : i32
      %dma_wait3A_184 = tpu.memref_slice %arg2[%dma_wait3A_182, %dma_wait3A_183] : memref<10112x64xf32, #tpu.memory_space<hbm>> -> memref<10112x64xf32, #tpu.memory_space<hbm>>
      tpu.wait_indirect_dma semaphore(%arg19 : memref<!tpu.dma_semaphore, #tpu.memory_space<semaphore_mem>>) src(%dma_wait3A_184 : memref<10112x64xf32, #tpu.memory_space<hbm>>) dst(%arg13 : memref<128x64xf32, #tpu.memory_space<vmem>>)
      %add3A_185 = arith.constant 2 : i32
      %add3A_186 = arith.addi %mul3A_168, %add3A_185 : i32
      %dma_wait3A_187 = arith.constant 0 : i32
      %dma_wait3A_188 = tpu.memref_slice %arg6[%add3A_186, %dma_wait3A_187] : memref<80x128xi32, #tpu.memory_space<vmem>> -> memref<1x128xi32, #tpu.memory_space<vmem>>
      %dma_wait3A_189 = tpu.memref_squeeze %dma_wait3A_188 : memref<1x128xi32, #tpu.memory_space<vmem>> -> memref<128xi32, #tpu.memory_space<vmem>>
      %dma_wait3A_190 = arith.constant 0 : i32
      %dma_wait3A_191 = arith.constant 0 : i32
      %dma_wait3A_192 = tpu.memref_slice %arg2[%dma_wait3A_190, %dma_wait3A_191] : memref<10112x64xf32, #tpu.memory_space<hbm>> -> memref<10112x64xf32, #tpu.memory_space<hbm>>
      tpu.wait_indirect_dma semaphore(%arg19 : memref<!tpu.dma_semaphore, #tpu.memory_space<semaphore_mem>>) src(%dma_wait3A_192 : memref<10112x64xf32, #tpu.memory_space<hbm>>) dst(%arg14 : memref<128x64xf32, #tpu.memory_space<vmem>>)
      %add3A_193 = arith.constant 3 : i32
      %add3A_194 = arith.addi %mul3A_168, %add3A_193 : i32
      %dma_wait3A_195 = arith.constant 0 : i32
      %dma_wait3A_196 = tpu.memref_slice %arg6[%add3A_194, %dma_wait3A_195] : memref<80x128xi32, #tpu.memory_space<vmem>> -> memref<1x128xi32, #tpu.memory_space<vmem>>
      %dma_wait3A_197 = tpu.memref_squeeze %dma_wait3A_196 : memref<1x128xi32, #tpu.memory_space<vmem>> -> memref<128xi32, #tpu.memory_space<vmem>>
      %dma_wait3A_198 = arith.constant 0 : i32
      %dma_wait3A_199 = arith.constant 0 : i32
      %dma_wait3A_200 = tpu.memref_slice %arg2[%dma_wait3A_198, %dma_wait3A_199] : memref<10112x64xf32, #tpu.memory_space<hbm>> -> memref<10112x64xf32, #tpu.memory_space<hbm>>
      tpu.wait_indirect_dma semaphore(%arg19 : memref<!tpu.dma_semaphore, #tpu.memory_space<semaphore_mem>>) src(%dma_wait3A_200 : memref<10112x64xf32, #tpu.memory_space<hbm>>) dst(%arg15 : memref<128x64xf32, #tpu.memory_space<vmem>>)
      %add3A_201 = arith.constant 0 : i32
      %add3A_202 = arith.addi %mul3A_168, %add3A_201 : i32
      "tpu.region"() ({
        %run_scoped3A = tpu.sem_alloc : memref<!tpu.dma_semaphore, #tpu.memory_space<semaphore_mem>>
        %dma_start3A_216 = arith.constant 0 : i32
        %dma_start3A_217 = tpu.memref_slice %arg7[%add3A_202, %dma_start3A_216] : memref<80x128xi32, #tpu.memory_space<vmem>> -> memref<1x128xi32, #tpu.memory_space<vmem>>
        %dma_start3A_218 = tpu.memref_squeeze %dma_start3A_217 : memref<1x128xi32, #tpu.memory_space<vmem>> -> memref<128xi32, #tpu.memory_space<vmem>>
        %dma_start3A_219 = arith.constant 0 : i32
        %dma_start3A_220 = arith.constant 0 : i32
        %dma_start3A_221 = tpu.memref_slice %arg16[%dma_start3A_219, %dma_start3A_220] : memref<10112x64xf32, #tpu.memory_space<vmem_shared>> -> memref<10112x64xf32, #tpu.memory_space<vmem_shared>>
        tpu.enqueue_indirect_dma source(%arg12 : memref<128x64xf32, #tpu.memory_space<vmem>>) target(%dma_start3A_221 : memref<10112x64xf32, #tpu.memory_space<vmem_shared>>) offsets(%dma_start3A_218 : memref<128xi32, #tpu.memory_space<vmem>>) semaphore(%run_scoped3A : memref<!tpu.dma_semaphore, #tpu.memory_space<semaphore_mem>>) {add = true}
        %dma_wait3A_222 = arith.constant 0 : i32
        %dma_wait3A_223 = tpu.memref_slice %arg7[%add3A_202, %dma_wait3A_222] : memref<80x128xi32, #tpu.memory_space<vmem>> -> memref<1x128xi32, #tpu.memory_space<vmem>>
        %dma_wait3A_224 = tpu.memref_squeeze %dma_wait3A_223 : memref<1x128xi32, #tpu.memory_space<vmem>> -> memref<128xi32, #tpu.memory_space<vmem>>
        %dma_wait3A_225 = arith.constant 0 : i32
        %dma_wait3A_226 = arith.constant 0 : i32
        %dma_wait3A_227 = tpu.memref_slice %arg16[%dma_wait3A_225, %dma_wait3A_226] : memref<10112x64xf32, #tpu.memory_space<vmem_shared>> -> memref<10112x64xf32, #tpu.memory_space<vmem_shared>>
        tpu.wait_indirect_dma semaphore(%run_scoped3A : memref<!tpu.dma_semaphore, #tpu.memory_space<semaphore_mem>>) src(%arg12 : memref<128x64xf32, #tpu.memory_space<vmem>>) dst(%dma_wait3A_227 : memref<10112x64xf32, #tpu.memory_space<vmem_shared>>)
        tpu.yield
      }) : () -> ()
      %add3A_203 = arith.constant 1 : i32
      %add3A_204 = arith.addi %mul3A_168, %add3A_203 : i32
      "tpu.region"() ({
        %run_scoped3A = tpu.sem_alloc : memref<!tpu.dma_semaphore, #tpu.memory_space<semaphore_mem>>
        %dma_start3A_216 = arith.constant 0 : i32
        %dma_start3A_217 = tpu.memref_slice %arg7[%add3A_204, %dma_start3A_216] : memref<80x128xi32, #tpu.memory_space<vmem>> -> memref<1x128xi32, #tpu.memory_space<vmem>>
        %dma_start3A_218 = tpu.memref_squeeze %dma_start3A_217 : memref<1x128xi32, #tpu.memory_space<vmem>> -> memref<128xi32, #tpu.memory_space<vmem>>
        %dma_start3A_219 = arith.constant 0 : i32
        %dma_start3A_220 = arith.constant 0 : i32
        %dma_start3A_221 = tpu.memref_slice %arg16[%dma_start3A_219, %dma_start3A_220] : memref<10112x64xf32, #tpu.memory_space<vmem_shared>> -> memref<10112x64xf32, #tpu.memory_space<vmem_shared>>
        tpu.enqueue_indirect_dma source(%arg13 : memref<128x64xf32, #tpu.memory_space<vmem>>) target(%dma_start3A_221 : memref<10112x64xf32, #tpu.memory_space<vmem_shared>>) offsets(%dma_start3A_218 : memref<128xi32, #tpu.memory_space<vmem>>) semaphore(%run_scoped3A : memref<!tpu.dma_semaphore, #tpu.memory_space<semaphore_mem>>) {add = true}
        %dma_wait3A_222 = arith.constant 0 : i32
        %dma_wait3A_223 = tpu.memref_slice %arg7[%add3A_204, %dma_wait3A_222] : memref<80x128xi32, #tpu.memory_space<vmem>> -> memref<1x128xi32, #tpu.memory_space<vmem>>
        %dma_wait3A_224 = tpu.memref_squeeze %dma_wait3A_223 : memref<1x128xi32, #tpu.memory_space<vmem>> -> memref<128xi32, #tpu.memory_space<vmem>>
        %dma_wait3A_225 = arith.constant 0 : i32
        %dma_wait3A_226 = arith.constant 0 : i32
        %dma_wait3A_227 = tpu.memref_slice %arg16[%dma_wait3A_225, %dma_wait3A_226] : memref<10112x64xf32, #tpu.memory_space<vmem_shared>> -> memref<10112x64xf32, #tpu.memory_space<vmem_shared>>
        tpu.wait_indirect_dma semaphore(%run_scoped3A : memref<!tpu.dma_semaphore, #tpu.memory_space<semaphore_mem>>) src(%arg13 : memref<128x64xf32, #tpu.memory_space<vmem>>) dst(%dma_wait3A_227 : memref<10112x64xf32, #tpu.memory_space<vmem_shared>>)
        tpu.yield
      }) : () -> ()
      %add3A_205 = arith.constant 2 : i32
      %add3A_206 = arith.addi %mul3A_168, %add3A_205 : i32
      "tpu.region"() ({
        %run_scoped3A = tpu.sem_alloc : memref<!tpu.dma_semaphore, #tpu.memory_space<semaphore_mem>>
        %dma_start3A_216 = arith.constant 0 : i32
        %dma_start3A_217 = tpu.memref_slice %arg7[%add3A_206, %dma_start3A_216] : memref<80x128xi32, #tpu.memory_space<vmem>> -> memref<1x128xi32, #tpu.memory_space<vmem>>
        %dma_start3A_218 = tpu.memref_squeeze %dma_start3A_217 : memref<1x128xi32, #tpu.memory_space<vmem>> -> memref<128xi32, #tpu.memory_space<vmem>>
        %dma_start3A_219 = arith.constant 0 : i32
        %dma_start3A_220 = arith.constant 0 : i32
        %dma_start3A_221 = tpu.memref_slice %arg16[%dma_start3A_219, %dma_start3A_220] : memref<10112x64xf32, #tpu.memory_space<vmem_shared>> -> memref<10112x64xf32, #tpu.memory_space<vmem_shared>>
        tpu.enqueue_indirect_dma source(%arg14 : memref<128x64xf32, #tpu.memory_space<vmem>>) target(%dma_start3A_221 : memref<10112x64xf32, #tpu.memory_space<vmem_shared>>) offsets(%dma_start3A_218 : memref<128xi32, #tpu.memory_space<vmem>>) semaphore(%run_scoped3A : memref<!tpu.dma_semaphore, #tpu.memory_space<semaphore_mem>>) {add = true}
        %dma_wait3A_222 = arith.constant 0 : i32
        %dma_wait3A_223 = tpu.memref_slice %arg7[%add3A_206, %dma_wait3A_222] : memref<80x128xi32, #tpu.memory_space<vmem>> -> memref<1x128xi32, #tpu.memory_space<vmem>>
        %dma_wait3A_224 = tpu.memref_squeeze %dma_wait3A_223 : memref<1x128xi32, #tpu.memory_space<vmem>> -> memref<128xi32, #tpu.memory_space<vmem>>
        %dma_wait3A_225 = arith.constant 0 : i32
        %dma_wait3A_226 = arith.constant 0 : i32
        %dma_wait3A_227 = tpu.memref_slice %arg16[%dma_wait3A_225, %dma_wait3A_226] : memref<10112x64xf32, #tpu.memory_space<vmem_shared>> -> memref<10112x64xf32, #tpu.memory_space<vmem_shared>>
        tpu.wait_indirect_dma semaphore(%run_scoped3A : memref<!tpu.dma_semaphore, #tpu.memory_space<semaphore_mem>>) src(%arg14 : memref<128x64xf32, #tpu.memory_space<vmem>>) dst(%dma_wait3A_227 : memref<10112x64xf32, #tpu.memory_space<vmem_shared>>)
        tpu.yield
      }) : () -> ()
      %add3A_207 = arith.constant 3 : i32
      %add3A_208 = arith.addi %mul3A_168, %add3A_207 : i32
      "tpu.region"() ({
        %run_scoped3A = tpu.sem_alloc : memref<!tpu.dma_semaphore, #tpu.memory_space<semaphore_mem>>
        %dma_start3A_216 = arith.constant 0 : i32
        %dma_start3A_217 = tpu.memref_slice %arg7[%add3A_208, %dma_start3A_216] : memref<80x128xi32, #tpu.memory_space<vmem>> -> memref<1x128xi32, #tpu.memory_space<vmem>>
        %dma_start3A_218 = tpu.memref_squeeze %dma_start3A_217 : memref<1x128xi32, #tpu.memory_space<vmem>> -> memref<128xi32, #tpu.memory_space<vmem>>
        %dma_start3A_219 = arith.constant 0 : i32
        %dma_start3A_220 = arith.constant 0 : i32
        %dma_start3A_221 = tpu.memref_slice %arg16[%dma_start3A_219, %dma_start3A_220] : memref<10112x64xf32, #tpu.memory_space<vmem_shared>> -> memref<10112x64xf32, #tpu.memory_space<vmem_shared>>
        tpu.enqueue_indirect_dma source(%arg15 : memref<128x64xf32, #tpu.memory_space<vmem>>) target(%dma_start3A_221 : memref<10112x64xf32, #tpu.memory_space<vmem_shared>>) offsets(%dma_start3A_218 : memref<128xi32, #tpu.memory_space<vmem>>) semaphore(%run_scoped3A : memref<!tpu.dma_semaphore, #tpu.memory_space<semaphore_mem>>) {add = true}
        %dma_wait3A_222 = arith.constant 0 : i32
        %dma_wait3A_223 = tpu.memref_slice %arg7[%add3A_208, %dma_wait3A_222] : memref<80x128xi32, #tpu.memory_space<vmem>> -> memref<1x128xi32, #tpu.memory_space<vmem>>
        %dma_wait3A_224 = tpu.memref_squeeze %dma_wait3A_223 : memref<1x128xi32, #tpu.memory_space<vmem>> -> memref<128xi32, #tpu.memory_space<vmem>>
        %dma_wait3A_225 = arith.constant 0 : i32
        %dma_wait3A_226 = arith.constant 0 : i32
        %dma_wait3A_227 = tpu.memref_slice %arg16[%dma_wait3A_225, %dma_wait3A_226] : memref<10112x64xf32, #tpu.memory_space<vmem_shared>> -> memref<10112x64xf32, #tpu.memory_space<vmem_shared>>
        tpu.wait_indirect_dma semaphore(%run_scoped3A : memref<!tpu.dma_semaphore, #tpu.memory_space<semaphore_mem>>) src(%arg15 : memref<128x64xf32, #tpu.memory_space<vmem>>) dst(%dma_wait3A_227 : memref<10112x64xf32, #tpu.memory_space<vmem_shared>>)
        tpu.yield
      }) : () -> ()
      %add3A_209 = arith.constant 2 : i32
      %add3A_210 = arith.addi %add3A_166, %add3A_209 : i32
      %lt3A_211 = arith.constant 20 : i32
      %lt3A_212 = arith.cmpi slt, %add3A_210, %lt3A_211 : i32
      %convert_element_type3A_213 = arith.extui %lt3A_212 : i1 to i32
      %cond3A_214 = arith.constant 0 : i32
      %cond3A_215 = arith.cmpi ne, %convert_element_type3A_213, %cond3A_214 : i32
      scf.if %cond3A_215 {
        %add3A_216 = arith.constant 8 : i32
        %add3A_217 = arith.addi %mul3A_168, %add3A_216 : i32
        %add3A_218 = arith.constant 0 : i32
        %add3A_219 = arith.addi %add3A_217, %add3A_218 : i32
        %dma_start3A_220 = arith.constant 0 : i32
        %dma_start3A_221 = tpu.memref_slice %arg6[%add3A_219, %dma_start3A_220] : memref<80x128xi32, #tpu.memory_space<vmem>> -> memref<1x128xi32, #tpu.memory_space<vmem>>
        %dma_start3A_222 = tpu.memref_squeeze %dma_start3A_221 : memref<1x128xi32, #tpu.memory_space<vmem>> -> memref<128xi32, #tpu.memory_space<vmem>>
        %dma_start3A_223 = arith.constant 0 : i32
        %dma_start3A_224 = arith.constant 0 : i32
        %dma_start3A_225 = tpu.memref_slice %arg2[%dma_start3A_223, %dma_start3A_224] : memref<10112x64xf32, #tpu.memory_space<hbm>> -> memref<10112x64xf32, #tpu.memory_space<hbm>>
        tpu.enqueue_indirect_dma source(%dma_start3A_225 : memref<10112x64xf32, #tpu.memory_space<hbm>>) target(%arg12 : memref<128x64xf32, #tpu.memory_space<vmem>>) offsets(%dma_start3A_222 : memref<128xi32, #tpu.memory_space<vmem>>) semaphore(%arg19 : memref<!tpu.dma_semaphore, #tpu.memory_space<semaphore_mem>>)
        %add3A_226 = arith.constant 8 : i32
        %add3A_227 = arith.addi %mul3A_168, %add3A_226 : i32
        %add3A_228 = arith.constant 1 : i32
        %add3A_229 = arith.addi %add3A_227, %add3A_228 : i32
        %dma_start3A_230 = arith.constant 0 : i32
        %dma_start3A_231 = tpu.memref_slice %arg6[%add3A_229, %dma_start3A_230] : memref<80x128xi32, #tpu.memory_space<vmem>> -> memref<1x128xi32, #tpu.memory_space<vmem>>
        %dma_start3A_232 = tpu.memref_squeeze %dma_start3A_231 : memref<1x128xi32, #tpu.memory_space<vmem>> -> memref<128xi32, #tpu.memory_space<vmem>>
        %dma_start3A_233 = arith.constant 0 : i32
        %dma_start3A_234 = arith.constant 0 : i32
        %dma_start3A_235 = tpu.memref_slice %arg2[%dma_start3A_233, %dma_start3A_234] : memref<10112x64xf32, #tpu.memory_space<hbm>> -> memref<10112x64xf32, #tpu.memory_space<hbm>>
        tpu.enqueue_indirect_dma source(%dma_start3A_235 : memref<10112x64xf32, #tpu.memory_space<hbm>>) target(%arg13 : memref<128x64xf32, #tpu.memory_space<vmem>>) offsets(%dma_start3A_232 : memref<128xi32, #tpu.memory_space<vmem>>) semaphore(%arg19 : memref<!tpu.dma_semaphore, #tpu.memory_space<semaphore_mem>>)
        %add3A_236 = arith.constant 8 : i32
        %add3A_237 = arith.addi %mul3A_168, %add3A_236 : i32
        %add3A_238 = arith.constant 2 : i32
        %add3A_239 = arith.addi %add3A_237, %add3A_238 : i32
        %dma_start3A_240 = arith.constant 0 : i32
        %dma_start3A_241 = tpu.memref_slice %arg6[%add3A_239, %dma_start3A_240] : memref<80x128xi32, #tpu.memory_space<vmem>> -> memref<1x128xi32, #tpu.memory_space<vmem>>
        %dma_start3A_242 = tpu.memref_squeeze %dma_start3A_241 : memref<1x128xi32, #tpu.memory_space<vmem>> -> memref<128xi32, #tpu.memory_space<vmem>>
        %dma_start3A_243 = arith.constant 0 : i32
        %dma_start3A_244 = arith.constant 0 : i32
        %dma_start3A_245 = tpu.memref_slice %arg2[%dma_start3A_243, %dma_start3A_244] : memref<10112x64xf32, #tpu.memory_space<hbm>> -> memref<10112x64xf32, #tpu.memory_space<hbm>>
        tpu.enqueue_indirect_dma source(%dma_start3A_245 : memref<10112x64xf32, #tpu.memory_space<hbm>>) target(%arg14 : memref<128x64xf32, #tpu.memory_space<vmem>>) offsets(%dma_start3A_242 : memref<128xi32, #tpu.memory_space<vmem>>) semaphore(%arg19 : memref<!tpu.dma_semaphore, #tpu.memory_space<semaphore_mem>>)
        %add3A_246 = arith.constant 8 : i32
        %add3A_247 = arith.addi %mul3A_168, %add3A_246 : i32
        %add3A_248 = arith.constant 3 : i32
        %add3A_249 = arith.addi %add3A_247, %add3A_248 : i32
        %dma_start3A_250 = arith.constant 0 : i32
        %dma_start3A_251 = tpu.memref_slice %arg6[%add3A_249, %dma_start3A_250] : memref<80x128xi32, #tpu.memory_space<vmem>> -> memref<1x128xi32, #tpu.memory_space<vmem>>
        %dma_start3A_252 = tpu.memref_squeeze %dma_start3A_251 : memref<1x128xi32, #tpu.memory_space<vmem>> -> memref<128xi32, #tpu.memory_space<vmem>>
        %dma_start3A_253 = arith.constant 0 : i32
        %dma_start3A_254 = arith.constant 0 : i32
        %dma_start3A_255 = tpu.memref_slice %arg2[%dma_start3A_253, %dma_start3A_254] : memref<10112x64xf32, #tpu.memory_space<hbm>> -> memref<10112x64xf32, #tpu.memory_space<hbm>>
        tpu.enqueue_indirect_dma source(%dma_start3A_255 : memref<10112x64xf32, #tpu.memory_space<hbm>>) target(%arg15 : memref<128x64xf32, #tpu.memory_space<vmem>>) offsets(%dma_start3A_252 : memref<128xi32, #tpu.memory_space<vmem>>) semaphore(%arg19 : memref<!tpu.dma_semaphore, #tpu.memory_space<semaphore_mem>>)
      } else {
      }
    }
    %scan3A_110 = arith.constant 10 : i32
    %barrier3A_111 = arith.constant 0 : index
    tpu.barrier barrier_id(%barrier3A_111)
    "tpu.region"() ({
      %run_scoped3A = tpu.sem_alloc : memref<!tpu.dma_semaphore, #tpu.memory_space<semaphore_mem>>
      %dma_start3A_112 = arith.constant 0 : i32
      %dma_start3A_113 = tpu.memref_slice %arg5[%arg0, %mul3A_23, %dma_start3A_112] : memref<2x10112x64xf32, #tpu.memory_space<hbm>> -> memref<1x632x64xf32, #tpu.memory_space<hbm>>
      %dma_start3A_114 = tpu.memref_squeeze %dma_start3A_113 : memref<1x632x64xf32, #tpu.memory_space<hbm>> -> memref<632x64xf32, #tpu.memory_space<hbm>>
      %dma_start3A_115 = arith.constant 0 : i32
      %dma_start3A_116 = tpu.memref_slice %arg16[%mul3A_23, %dma_start3A_115] : memref<10112x64xf32, #tpu.memory_space<vmem_shared>> -> memref<632x64xf32, #tpu.memory_space<vmem_shared>>
      tpu.enqueue_dma source(%dma_start3A_116 : memref<632x64xf32, #tpu.memory_space<vmem_shared>>) target(%dma_start3A_114 : memref<632x64xf32, #tpu.memory_space<hbm>>) target_semaphore(%run_scoped3A : memref<!tpu.dma_semaphore, #tpu.memory_space<semaphore_mem>>)
      %dma_wait3A_117 = arith.constant 0 : i32
      %dma_wait3A_118 = tpu.memref_slice %arg5[%arg0, %mul3A_23, %dma_wait3A_117] : memref<2x10112x64xf32, #tpu.memory_space<hbm>> -> memref<1x632x64xf32, #tpu.memory_space<hbm>>
      %dma_wait3A_119 = tpu.memref_squeeze %dma_wait3A_118 : memref<1x632x64xf32, #tpu.memory_space<hbm>> -> memref<632x64xf32, #tpu.memory_space<hbm>>
      %dma_wait3A_120 = arith.constant 0 : i32
      %dma_wait3A_121 = tpu.memref_slice %arg16[%mul3A_23, %dma_wait3A_120] : memref<10112x64xf32, #tpu.memory_space<vmem_shared>> -> memref<632x64xf32, #tpu.memory_space<vmem_shared>>
      tpu.wait_dma2 semaphore(%run_scoped3A : memref<!tpu.dma_semaphore, #tpu.memory_space<semaphore_mem>>) src(%dma_wait3A_121 : memref<632x64xf32, #tpu.memory_space<vmem_shared>>) dst(%dma_wait3A_119 : memref<632x64xf32, #tpu.memory_space<hbm>>)
      tpu.yield
    }) : () -> ()
    return
  }
}

module attributes {stable_mosaic.version = 14 : i64} {
  func.func @_scale_body(%arg0: memref<10112x128xf32, #tpu.memory_space<vmem>>, %arg1: memref<128x64xf32, #tpu.memory_space<vmem>>, %arg2: memref<10112x32xf32, #tpu.memory_space<vmem>>, %arg3: memref<10112x64xf32, #tpu.memory_space<vmem>>, %arg4: memref<10112x1xf32, #tpu.memory_space<vmem>>) attributes {dimension_semantics = [], scalar_prefetch = 0 : i64, scratch_operands = 0 : i64, tpu.core_type = #tpu.core_type<tc>} {
    %get3A = arith.constant 0 : index
    %get3A_0 = arith.constant 0 : index
    %get3A_1 = vector.load %arg2[%get3A, %get3A_0] : memref<10112x32xf32, #tpu.memory_space<vmem>>, vector<10112x32xf32>
    %reduce_sum3A = arith.constant dense<0.000000e+00> : vector<10112xf32>
    %reduce_sum3A_2 = vector.multi_reduction <add>, %get3A_1, %reduce_sum3A [1] : vector<10112x32xf32> to vector<10112xf32>
    %broadcast_in_dim3A = vector.shape_cast %reduce_sum3A_2 : vector<10112xf32> to vector<10112x1xf32>
    %add3A = arith.constant 1.000000e+00 : f32
    %add3A_3 = vector.broadcast %add3A : f32 to vector<10112x1xf32>
    %add3A_4 = arith.addf %broadcast_in_dim3A, %add3A_3 : vector<10112x1xf32>
    %rsqrt3A = math.rsqrt %add3A_4 : vector<10112x1xf32>
    %swap3A = arith.constant 0 : index
    %swap3A_5 = arith.constant 0 : index
    %swap3A_6 = vector.load %arg4[%swap3A, %swap3A_5] : memref<10112x1xf32, #tpu.memory_space<vmem>>, vector<10112x1xf32>
    tpu.vector_store %arg4[%swap3A, %swap3A_5], %rsqrt3A {strides = array<i32>} : memref<10112x1xf32, #tpu.memory_space<vmem>>, vector<10112x1xf32>,
    %get3A_7 = arith.constant 0 : index
    %get3A_8 = arith.constant 0 : index
    %get3A_9 = vector.load %arg0[%get3A_7, %get3A_8] : memref<10112x128xf32, #tpu.memory_space<vmem>>, vector<10112x128xf32>
    %get3A_10 = arith.constant 0 : index
    %get3A_11 = arith.constant 0 : index
    %get3A_12 = vector.load %arg1[%get3A_10, %get3A_11] : memref<128x64xf32, #tpu.memory_space<vmem>>, vector<128x64xf32>
    %dot_general3A = arith.constant dense<0.000000e+00> : vector<10112x64xf32>
    %dot_general3A_13 = tpu.matmul %get3A_9, %get3A_12, %dot_general3A {dimension_numbers = #tpu.dot_dimension_numbers<[1], [0], [0], [1], [0, 0, 1, 1], [], []>, transpose_lhs_hint = false} : vector<10112x128xf32>, vector<128x64xf32>, vector<10112x64xf32> -> vector<10112x64xf32>
    %mul3A = vector.broadcast %rsqrt3A : vector<10112x1xf32> to vector<10112x64xf32>
    %mul3A_14 = arith.mulf %dot_general3A_13, %mul3A : vector<10112x64xf32>
    %swap3A_15 = arith.constant 0 : index
    %swap3A_16 = arith.constant 0 : index
    %swap3A_17 = vector.load %arg3[%swap3A_15, %swap3A_16] : memref<10112x64xf32, #tpu.memory_space<vmem>>, vector<10112x64xf32>
    tpu.vector_store %arg3[%swap3A_15, %swap3A_16], %mul3A_14 {strides = array<i32>} : memref<10112x64xf32, #tpu.memory_space<vmem>>, vector<10112x64xf32>,
    return
  }
}

module attributes {stable_mosaic.version = 14 : i64} {
  func.func @_mid_body(%arg0: memref<10112x64xf32, #tpu.memory_space<vmem>>, %arg1: memref<10112x64xf32, #tpu.memory_space<vmem>>, %arg2: memref<10112x64xf32, #tpu.memory_space<vmem>>, %arg3: memref<10112x1xf32, #tpu.memory_space<vmem>>, %arg4: memref<1x64xf32, #tpu.memory_space<vmem>>, %arg5: memref<64x64xf32, #tpu.memory_space<vmem>>, %arg6: memref<10112x64xf32, #tpu.memory_space<vmem>>) attributes {dimension_semantics = [], scalar_prefetch = 0 : i64, scratch_operands = 0 : i64, tpu.core_type = #tpu.core_type<tc>} {
    %get3A = arith.constant 0 : index
    %get3A_0 = arith.constant 0 : index
    %get3A_1 = vector.load %arg3[%get3A, %get3A_0] : memref<10112x1xf32, #tpu.memory_space<vmem>>, vector<10112x1xf32>
    %get3A_2 = arith.constant 0 : index
    %get3A_3 = arith.constant 0 : index
    %get3A_4 = vector.load %arg0[%get3A_2, %get3A_3] : memref<10112x64xf32, #tpu.memory_space<vmem>>, vector<10112x64xf32>
    %get3A_5 = arith.constant 0 : index
    %get3A_6 = arith.constant 0 : index
    %get3A_7 = vector.load %arg1[%get3A_5, %get3A_6] : memref<10112x64xf32, #tpu.memory_space<vmem>>, vector<10112x64xf32>
    %add3A = arith.addf %get3A_4, %get3A_7 : vector<10112x64xf32>
    %get3A_8 = arith.constant 0 : index
    %get3A_9 = arith.constant 0 : index
    %get3A_10 = vector.load %arg2[%get3A_8, %get3A_9] : memref<10112x64xf32, #tpu.memory_space<vmem>>, vector<10112x64xf32>
    %add3A_11 = arith.addf %add3A, %get3A_10 : vector<10112x64xf32>
    %mul3A = vector.broadcast %get3A_1 : vector<10112x1xf32> to vector<10112x64xf32>
    %mul3A_12 = arith.mulf %add3A_11, %mul3A : vector<10112x64xf32>
    %get3A_13 = arith.constant 0 : index
    %get3A_14 = arith.constant 0 : index
    %get3A_15 = vector.load %arg4[%get3A_13, %get3A_14] : memref<1x64xf32, #tpu.memory_space<vmem>>, vector<1x64xf32>
    %add3A_16 = vector.broadcast %get3A_15 : vector<1x64xf32> to vector<10112x64xf32>
    %add3A_17 = arith.addf %mul3A_12, %add3A_16 : vector<10112x64xf32>
    %max3A = arith.constant 0.000000e+00 : f32
    %max3A_18 = vector.broadcast %max3A : f32 to vector<10112x64xf32>
    %max3A_19 = arith.maximumf %add3A_17, %max3A_18 : vector<10112x64xf32>
    %get3A_20 = arith.constant 0 : index
    %get3A_21 = arith.constant 0 : index
    %get3A_22 = vector.load %arg5[%get3A_20, %get3A_21] : memref<64x64xf32, #tpu.memory_space<vmem>>, vector<64x64xf32>
    %dot_general3A = arith.constant dense<0.000000e+00> : vector<10112x64xf32>
    %dot_general3A_23 = tpu.matmul %max3A_19, %get3A_22, %dot_general3A {dimension_numbers = #tpu.dot_dimension_numbers<[1], [0], [0], [1], [0, 0, 1, 1], [], []>, transpose_lhs_hint = false} : vector<10112x64xf32>, vector<64x64xf32>, vector<10112x64xf32> -> vector<10112x64xf32>
    %mul3A_24 = vector.broadcast %get3A_1 : vector<10112x1xf32> to vector<10112x64xf32>
    %mul3A_25 = arith.mulf %dot_general3A_23, %mul3A_24 : vector<10112x64xf32>
    %swap3A = arith.constant 0 : index
    %swap3A_26 = arith.constant 0 : index
    %swap3A_27 = vector.load %arg6[%swap3A, %swap3A_26] : memref<10112x64xf32, #tpu.memory_space<vmem>>, vector<10112x64xf32>
    tpu.vector_store %arg6[%swap3A, %swap3A_26], %mul3A_25 {strides = array<i32>} : memref<10112x64xf32, #tpu.memory_space<vmem>>, vector<10112x64xf32>,
    return
  }
}

module attributes {stable_mosaic.version = 14 : i64} {
  func.func @_final_body(%arg0: memref<10112x64xf32, #tpu.memory_space<vmem>>, %arg1: memref<10112x64xf32, #tpu.memory_space<vmem>>, %arg2: memref<10112x64xf32, #tpu.memory_space<vmem>>, %arg3: memref<10112x1xf32, #tpu.memory_space<vmem>>, %arg4: memref<1x64xf32, #tpu.memory_space<vmem>>, %arg5: memref<64x1xf32, #tpu.memory_space<vmem>>, %arg6: memref<1x1xf32, #tpu.memory_space<vmem>>, %arg7: memref<10112x1xi32, #tpu.memory_space<vmem>>, %arg8: memref<64x1xf32, #tpu.memory_space<vmem>>) attributes {dimension_semantics = [], scalar_prefetch = 0 : i64, scratch_operands = 0 : i64, tpu.core_type = #tpu.core_type<tc>} {
    %get3A = arith.constant 0 : index
    %get3A_0 = arith.constant 0 : index
    %get3A_1 = vector.load %arg0[%get3A, %get3A_0] : memref<10112x64xf32, #tpu.memory_space<vmem>>, vector<10112x64xf32>
    %get3A_2 = arith.constant 0 : index
    %get3A_3 = arith.constant 0 : index
    %get3A_4 = vector.load %arg1[%get3A_2, %get3A_3] : memref<10112x64xf32, #tpu.memory_space<vmem>>, vector<10112x64xf32>
    %add3A = arith.addf %get3A_1, %get3A_4 : vector<10112x64xf32>
    %get3A_5 = arith.constant 0 : index
    %get3A_6 = arith.constant 0 : index
    %get3A_7 = vector.load %arg2[%get3A_5, %get3A_6] : memref<10112x64xf32, #tpu.memory_space<vmem>>, vector<10112x64xf32>
    %add3A_8 = arith.addf %add3A, %get3A_7 : vector<10112x64xf32>
    %get3A_9 = arith.constant 0 : index
    %get3A_10 = arith.constant 0 : index
    %get3A_11 = vector.load %arg3[%get3A_9, %get3A_10] : memref<10112x1xf32, #tpu.memory_space<vmem>>, vector<10112x1xf32>
    %mul3A = vector.broadcast %get3A_11 : vector<10112x1xf32> to vector<10112x64xf32>
    %mul3A_12 = arith.mulf %add3A_8, %mul3A : vector<10112x64xf32>
    %get3A_13 = arith.constant 0 : index
    %get3A_14 = arith.constant 0 : index
    %get3A_15 = vector.load %arg4[%get3A_13, %get3A_14] : memref<1x64xf32, #tpu.memory_space<vmem>>, vector<1x64xf32>
    %add3A_16 = vector.broadcast %get3A_15 : vector<1x64xf32> to vector<10112x64xf32>
    %add3A_17 = arith.addf %mul3A_12, %add3A_16 : vector<10112x64xf32>
    %max3A = arith.constant 0.000000e+00 : f32
    %max3A_18 = vector.broadcast %max3A : f32 to vector<10112x64xf32>
    %max3A_19 = arith.maximumf %add3A_17, %max3A_18 : vector<10112x64xf32>
    %iota3A = tpu.iota {dimensions = array<i32: 1>} : vector<10112x64xi32>
    %get3A_20 = arith.constant 0 : index
    %get3A_21 = arith.constant 0 : index
    %get3A_22 = vector.load %arg7[%get3A_20, %get3A_21] : memref<10112x1xi32, #tpu.memory_space<vmem>>, vector<10112x1xi32>
    %eq3A = vector.broadcast %get3A_22 : vector<10112x1xi32> to vector<10112x64xi32>
    %eq3A_23 = arith.cmpi eq, %eq3A, %iota3A : vector<10112x64xi32>
    %convert_element_type3A = arith.extui %eq3A_23 : vector<10112x64xi1> to vector<10112x64xi32>
    %convert_element_type3A_24 = arith.sitofp %convert_element_type3A : vector<10112x64xi32> to vector<10112x64xf32>
    %dot_general3A = arith.constant dense<0.000000e+00> : vector<64x64xf32>
    %dot_general3A_25 = tpu.matmul %convert_element_type3A_24, %max3A_19, %dot_general3A {dimension_numbers = #tpu.dot_dimension_numbers<[0], [0], [1], [1], [0, 1, 1, 1], [], []>, precision = #tpu.contract_precision<fp32>, transpose_lhs_hint = false} : vector<10112x64xf32>, vector<10112x64xf32>, vector<64x64xf32> -> vector<64x64xf32>
    %broadcast_in_dim3A = arith.constant 1.000000e+00 : f32
    %broadcast_in_dim3A_26 = vector.broadcast %broadcast_in_dim3A : f32 to vector<10112x1xf32>
    %dot_general3A_27 = arith.constant dense<0.000000e+00> : vector<64x1xf32>
    %dot_general3A_28 = tpu.matmul %convert_element_type3A_24, %broadcast_in_dim3A_26, %dot_general3A_27 {dimension_numbers = #tpu.dot_dimension_numbers<[0], [0], [1], [1], [0, 1, 1, 1], [], []>, precision = #tpu.contract_precision<fp32>, transpose_lhs_hint = false} : vector<10112x64xf32>, vector<10112x1xf32>, vector<64x1xf32> -> vector<64x1xf32>
    %max3A_29 = arith.constant 1.000000e+00 : f32
    %max3A_30 = vector.broadcast %max3A_29 : f32 to vector<64x1xf32>
    %max3A_31 = arith.maximumf %dot_general3A_28, %max3A_30 : vector<64x1xf32>
    %div3A = vector.broadcast %max3A_31 : vector<64x1xf32> to vector<64x64xf32>
    %div3A_32 = arith.divf %dot_general3A_25, %div3A : vector<64x64xf32>
    %get3A_33 = arith.constant 0 : index
    %get3A_34 = arith.constant 0 : index
    %get3A_35 = vector.load %arg5[%get3A_33, %get3A_34] : memref<64x1xf32, #tpu.memory_space<vmem>>, vector<64x1xf32>
    %dot_general3A_36 = arith.constant dense<0.000000e+00> : vector<64x1xf32>
    %dot_general3A_37 = tpu.matmul %div3A_32, %get3A_35, %dot_general3A_36 {dimension_numbers = #tpu.dot_dimension_numbers<[1], [0], [0], [1], [0, 0, 1, 1], [], []>, transpose_lhs_hint = false} : vector<64x64xf32>, vector<64x1xf32>, vector<64x1xf32> -> vector<64x1xf32>
    %get3A_38 = arith.constant 0 : index
    %get3A_39 = arith.constant 0 : index
    %get3A_40 = vector.load %arg6[%get3A_38, %get3A_39] : memref<1x1xf32, #tpu.memory_space<vmem>>, vector<1x1xf32>
    %add3A_41 = vector.broadcast %get3A_40 : vector<1x1xf32> to vector<64x1xf32>
    %add3A_42 = arith.addf %dot_general3A_37, %add3A_41 : vector<64x1xf32>
    %swap3A = arith.constant 0 : index
    %swap3A_43 = arith.constant 0 : index
    %swap3A_44 = vector.load %arg8[%swap3A, %swap3A_43] : memref<64x1xf32, #tpu.memory_space<vmem>>, vector<64x1xf32>
    tpu.vector_store %arg8[%swap3A, %swap3A_43], %add3A_42 {strides = array<i32>} : memref<64x1xf32, #tpu.memory_space<vmem>>, vector<64x1xf32>,
    return
  }
}

</mosaic_0001>

<sc_bundles>
// kernel: kernel.11.cloned.1.call-start
scs
__scs_entry_jumppad:
0x0: {  	(pc) =	sbr.rel $0x88, $3  }
0x1: {  	(tag) =	ssettag $0x0;
	lr =	simm.s32 $0x1  }
0x2: {  	[smem:$0x3F98] =	sst lr;
	_ =	strace $0xD0000000  }
0x3: {  	_ = 	snop  }
0x4: {  	_ = 	snop  }
0x5: {  	_ = 	snop  }
0x6: {  	_ = 	snop  }
0x7: {  	_ = 	snop  }
__scs_overlays_trampoline_lowered:
0x8: {  	[smem:$0x3FA7] =	sst s0  }
0x9: {  	[smem:$0x3FA8] =	sst s1  }
0xa: {  	[smem:$0x3FA9] =	sst s2  }
0xb: {  	[smem:$0x3FAA] =	sst s3  }
0xc: {  	[smem:$0x3FAB] =	sst s4  }
0xd: {  	[smem:$0x3FAC] =	sst s5  }
0xe: {  	[smem:$0x3FAD] =	sst s6  }
0xf: {  	[smem:$0x3FAE] =	sst s7  }
0x10: {  	[smem:$0x3FAF] =	sst s8  }
0x11: {  	[smem:$0x3FB0] =	sst s9;
	s0 =	simm.s32 @!p0 $0x0  }
0x12: {  	s1 =	sld [smem:$0x3F96];
	s0 =	simm.s32 @p0 $0x1  }
0x13: {  	[smem:$0x3FB1] =	sst s0;
	s0 =	simm.s32 @!p1 $0x0  }
0x14: {  	s2 =	sld [smem:$0x3F95];
	s0 =	simm.s32 @p1 $0x1  }
0x15: {  	[smem:$0x3FB2] =	sst s0;
	s0 =	simm.s32 @!p2 $0x0  }
0x16: {  	s3 =	sld [smem:$0x3FDB];
	s0 =	simm.s32 @p2 $0x1  }
0x17: {  	s4 =	simm.s32 $0x1BF5;
	[smem:$0x3FB4] =	sst s0  }
0x18: {  	s0 =	sld [smem:$0x3F97];
	_ =	swait.ge [sflag:s4], $0x0  }
0x19: {  	s7 =	sld [smem:$0x3F98]  }
0x1a: {  	s8 =	sadd.s32 $0xFFFFE003, lr  }
0x1b: {  	s9 =	sadd.s32 $0xFFFFFEF7, lr;
	s5 =	simm.s32 $0xFFFFFFFF;
	p2 =	slt.u32 s8, $0xFFFFF086  }
0x1c: {  	p1 =	slt.u32 s9, $0xF7A;
	s5 =	simm.s32 @!p2 $0x0  }
0x1d: {  	s5 =	simm.s32 @p1 $0x1;
	p0 =	seq.s32 s7, s2  }
0x1e: {  	s7 =	smul.u32 @!p0 $0xF7A, s2;
	p2 =	seq.s32 @!p0 s5, $0x0  }
0x1f: {  	s9 =	smul.u32 $0xF7A, s1;
	s8 =	simm.s32 @!p0 $0x1BF5;
	p2 =	por !p2, p0  }
0x20: {  	[sflag:s8] =	ssyncset.s32 @!p0 $0xFFFFF086;
	s6 =	sadd.s32 @!p0 s3, s7;
	s7 =	simm.s32 @!p0 $0x108  }
0x21: {  	s3 =	sadd.s32 s3, s9;
	s6 =	sadd.s32 @!p0 $0x88, s6;
	s7 =	simm.s32 @p2 $0x1082  }
0x22: {  	[simem:s7], [sflag:s8] =	dma.local @!p0 [hbm:s6], $0xF7A  }
0x23: {  	s9 =	sor.u32 $0xD0000000, s2;
	s6 =	simm.s32 $0x108;
	_ =	swait.ge @!p0 [sflag:s8], $0x0  }
0x24: {  	s3 =	sadd.s32 $0x88, s3;
	s6 =	simm.s32 @!p1 $0x1082;
	[sflag:s4] =	ssyncset.s32 $0xFFFFF086  }
0x25: {  	[simem:s6], [sflag:s4] =	dma.local [hbm:s3], $0xF7A  }
0x26: {  	[smem:$0x3F98] =	sst s1;
	(tag) =	ssettag s2;
	_ =	strace s9  }
0x27: {  	s1 =	sld [smem:$0x3FA8]  }
0x28: {  	s2 =	sld [smem:$0x3FA9]  }
0x29: {  	s4 =	sld [smem:$0x3FAB]  }
0x2a: {  	p0 =	seq.s32 s5, $0x0;
	s5 =	sld [smem:$0x3FAC]  }
0x2b: {  	s6 =	sld [smem:$0x3FAD]  }
0x2c: {  	s7 =	sld [smem:$0x3FAE]  }
0x2d: {  	s3 =	simm.s32 $0x108;
	s8 =	sld [smem:$0x3FAF]  }
0x2e: {  	s3 =	simm.s32 @!p0 $0x1082;
	s9 =	sld [smem:$0x3FB0]  }
0x2f: {  	lr =	sadd.s32 s0, s3;
	s0 =	sld [smem:$0x3FA7]  }
0x30: {  	s3 =	sld [smem:$0x3FAA]  }
0x31: {  	[smem:$0x3FB3] =	sst s10  }
0x32: {  	s10 =	sld [smem:$0x3FB1];
	_ =	sdelay $0x3  }
0x33: {  	p0 =	seq.s32 s10, $0x1;
	s10 =	sld [smem:$0x3FB3];
	_ =	sdelay $0x3  }
0x34: {  	[smem:$0x3FB3] =	sst s10  }
0x35: {  	s10 =	sld [smem:$0x3FB2];
	_ =	sdelay $0x3  }
0x36: {  	p1 =	seq.s32 s10, $0x1;
	s10 =	sld [smem:$0x3FB3];
	_ =	sdelay $0x3  }
0x37: {  	[smem:$0x3FB3] =	sst s10  }
0x38: {  	s10 =	sld [smem:$0x3FB4]  }
0x39: {  	_ = 	snop;
	(pc) =	sbr.ind lr, $3  }
0x3a: {  	_ = 	snop  }
0x3b: {  	_ = 	snop  }
0x3c: {  	p2 =	seq.s32 s10, $0x1;
	s10 =	sld [smem:$0x3FB3]  }
0x3d: {  	_ =	shalt  }
0x3e: {  	_ =	shalt  }
0x3f: {  	_ =	shalt  }
0x40: {  	_ =	shalt  }
0x41: {  	_ =	shalt  }
0x42: {  	_ =	shalt  }
0x43: {  	_ =	shalt  }
0x44: {  	_ =	shalt  }
0x45: {  	_ =	shalt  }
0x46: {  	_ =	shalt  }
0x47: {  	_ =	shalt  }
0x48: {  	_ =	shalt  }
0x49: {  	_ =	shalt  }
0x4a: {  	_ =	shalt  }
0x4b: {  	_ =	shalt  }
0x4c: {  	_ =	shalt  }
0x4d: {  	_ =	shalt  }
0x4e: {  	_ =	shalt  }
0x4f: {  	_ =	shalt  }
0x50: {  	_ =	shalt  }
0x51: {  	_ =	shalt  }
0x52: {  	_ =	shalt  }
0x53: {  	_ =	shalt  }
0x54: {  	_ =	shalt  }
0x55: {  	_ =	shalt  }
0x56: {  	_ =	shalt  }
0x57: {  	_ =	shalt  }
0x58: {  	_ =	shalt  }
0x59: {  	_ =	shalt  }
0x5a: {  	_ =	shalt  }
0x5b: {  	_ =	shalt  }
0x5c: {  	_ =	shalt  }
0x5d: {  	_ =	shalt  }
0x5e: {  	_ =	shalt  }
0x5f: {  	_ =	shalt  }
0x60: {  	_ =	shalt  }
0x61: {  	_ =	shalt  }
0x62: {  	_ =	shalt  }
0x63: {  	_ =	shalt  }
0x64: {  	_ =	shalt  }
0x65: {  	_ =	shalt  }
0x66: {  	_ =	shalt  }
0x67: {  	_ =	shalt  }
0x68: {  	_ =	shalt  }
0x69: {  	_ =	shalt  }
0x6a: {  	_ =	shalt  }
0x6b: {  	_ =	shalt  }
0x6c: {  	_ =	shalt  }
0x6d: {  	_ =	shalt  }
0x6e: {  	_ =	shalt  }
0x6f: {  	_ =	shalt  }
0x70: {  	_ =	shalt  }
0x71: {  	_ =	shalt  }
0x72: {  	_ =	shalt  }
0x73: {  	_ =	shalt  }
0x74: {  	_ =	shalt  }
0x75: {  	_ =	shalt  }
0x76: {  	_ =	shalt  }
0x77: {  	_ =	shalt  }
0x78: {  	_ =	shalt  }
0x79: {  	_ =	shalt  }
0x7a: {  	_ =	shalt  }
0x7b: {  	_ =	shalt  }
0x7c: {  	_ =	shalt  }
0x7d: {  	_ =	shalt  }
0x7e: {  	_ =	shalt  }
0x7f: {  	_ =	shalt  }
0x80: {  	_ =	shalt  }
0x81: {  	_ =	shalt  }
0x82: {  	_ =	shalt  }
0x83: {  	_ =	shalt  }
0x84: {  	_ =	shalt  }
0x85: {  	_ =	shalt  }
0x86: {  	_ =	shalt  }
0x87: {  	_ =	shalt  }
.Lfunc_end0:
.L_simem_size_0:
called_computation.1_lowered:
.L_overlay_start_0:
0x88: {  	s2 =	sld [smem:$0x3FD9]  }
0x89: {  	s3 =	sld [smem:$0x3FFE];
	_ =	sdelay $0x1  }
0x8a: {  	s1 =	srdreg.scid  }
0x8b: {  	s0 =	sand.u32 $0x1, s1  }
0x8c: {  	s16 =	sshll.u32 s0, $0xA;
	s2 =	sadd.s32 s3, s2  }
0x8d: {  	s2 =	sadd.s32 s2, s16  }
0x8e: {  	[smem:$0x3FBF] =	sst s2  }
0x8f: {  	_ = 	snop  }
0x90: {  	(tm) =	ssettm $0x1  }
0x91: {  	s17 =	sld [smem:$0x3FFB];
	_ =	sdelay $0x3  }
0x92: {  	_ =	strace s17  }
0x93: {  	s2 =	sld [smem:$0x3FFC];
	_ =	sdelay $0x3  }
0x94: {  	_ =	strace s2  }
0x95: {  	s2 =	sld [smem:$0x3FFD];
	_ =	sdelay $0x3  }
0x96: {  	_ =	strace s2  }
0x97: {  	_ =	strace $0x8FFFFFFF  }
0x98: {  	s18 =	sld [smem:$0x3FDB];
	_ =	sdelay $0x1  }
0x99: {  	s19 =	simm.s32 $_scs_section_size  }
0x9a: {  	s4 =	simm.s32 $_size__tile_overlayer_lowered;
	s5 =	simm.s32 $_tile_overlayer_lowered  }
0x9b: {  	s22 =	simm.s32 $0x1BFF;
	s21 =	sshll.u32 s5, $0x1;
	s2 =	sadd.s32 s19, s18  }
0x9c: {  	s6 =	simm.s32 $0x0;
	s20 =	sshll.u32 s4, $0x1;
	s4 =	sadd.s32 s21, s2  }
0x9d: {  	[timem:s6], [sflag:s22] =	dma.local [hbm:s4], s20  }
0x9e: {  	_ =	swait.ge [sflag:s22], s20  }
0x9f: {  	s3 =	ssub.s32 $0x0, s20;
	[sflag:s22] =	ssyncset.done $0x0  }
0xa0: {  	[sflag:s22] =	ssyncadd.s32 s3;
	_ =	sdelay $0x1  }
0xa1: {  	s23 =	simm.s32 $0x1B8B  }
0xa2: {  	_ =	swait.ge [sflag:s23], $0x1  }
0xa3: {  	[sflag:s23] =	ssyncset.done $0x0  }
0xa4: {  	s25 =	simm.s32 $0x1B8E;
	s24 =	sld [smem:$0x3FFE];
	[sflag:s23] =	ssyncadd.s32 $0xFFFFFFFF  }
0xa5: {  	s26 =	simm.s32 $execute0_lowered;
	[smem:$0x3FD2] =	sst s25  }
0xa6: {  	s4 =	sshll.u32 s26, $0x1;
	_ =	strace $0x80000049;
	[dreg:$0x1] =	wrdreg $0xFFFFFFFF  }
0xa7: {  	s28 =	simm.s32 $_size_execute0_lowered;
	s2 =	sadd.s32 s2, s4;
	[dreg:$0x0] =	wrdreg $0x0  }
0xa8: {  	s4 =	sshll.u32 s28, $0x1;
	[dreg:$0x2] =	wrdreg s2  }
0xa9: {  	[dreg:$0x3] =	wrdreg s4  }
0xaa: {  	[dreg:$0x4] =	wrdreg $0xC0  }
0xab: {  	_ =	task [dreg:s6], $0x5FFFF  }
0xac: {  	[dreg:$0x1] =	wrdreg $0xFFFFFFFF  }
0xad: {  	[dreg:$0x0] =	wrdreg $0x60  }
0xae: {  	[dreg:$0x2] =	wrdreg s24  }
0xaf: {  	[dreg:$0x3] =	wrdreg $0x150000  }
0xb0: {  	[dreg:$0x4] =	wrdreg $0x9  }
0xb1: {  	_ =	task.clear_ibuf [dreg:s6], $0x5FFFF;
	_ =	strace $0x90000049  }
0xb2: {  	s29 =	simm.s32 $0x9;
	_ =	strace $0x8000004B  }
0xb3: {  	_ =	swait.ge [sflag:s29], $0x1  }
0xb4: {  	[sflag:s29] =	ssyncadd.s32 $0xFFFFFFFF  }
0xb5: {  	_ =	strace $0x9000004B  }
0xb6: {  	_ =	sfence  }
0xb7: {  	s30 =	sld [smem:$0x0];
	_ =	sdelay $0x2  }
0xb8: {  	s31 =	sshll.u32 s1, $0xD;
	s1 =	sshrl.u32 s1, $0x2  }
0xb9: {  	s3 =	sand.u32 $0x4000, s31;
	s1 =	sadd.s32 s1, s30  }
0xba: {  	s0 =	sor.u32 s3, s0;
	s1 =	sshll.u32 s1, $0x11  }
0xbb: {  	s0 =	sor.u32 s1, s0  }
0xbc: {  	s0 =	sadd.s32 $0x8F2B, s0  }
0xbd: {  	[sflag:s0] =	ssyncadd.remote.s32 $0x1  }
0xbe: {  	_ =	sfence.sel $0xFFFF  }
0xbf: {  	[dreg:$0x0] =	wrdreg $0xFFFFFFFF;
	(pc) =	sbr.abs _section_cstart, $3  }
0xc0: {  	[dreg:$0x1] =	wrdreg $0xFFFFFFFF  }
0xc1: {  	_ =	task.clear_ibuf [dreg:s6], $0x2FFFF;
	_ =	strace $0x9FFFFFFF  }
0xc2: {  	(tm) =	ssettm $0x7FFFFFFF  }
0xc3: {  	_ =	shalt  }
tec
execute0_lowered:
.L_overlay_start_1:
0x0: {  	(tag) =	ssettag $0x1  }
0x1: {  	s0 =	rddreg [dreg:$0x0]  }
0x2: {  	s2 =	rddreg [dreg:$0x1]  }
0x3: {  	s1 =	srdreg.scid;
	s8 =	stileid.u32  }
0x4: {  	s3 =	simm.s32 $0x0;
	s15 =	simm.s32 $0x5000;
	s16 =	simm.s32 $0x4  }
0x5: {  	s17 =	simm.s32 $0x1;
	s18 =	simm.s32 $0x80;
	s19 =	simm.s32 $0x7000  }
0x6: {  	s21 =	simm.s32 $0x9000;
	s23 =	simm.s32 $0xB000;
	s25 =	simm.s32 $0xD000  }
0x7: {  	s28 =	simm.s32 $0xF000;
	s30 =	simm.s32 $0x11000;
	s14 =	simm.s32 $0x2  }
0x8: {  	s20 =	simm.s32 $0x3;
	s22 =	simm.s32 $0x4F00;
	s24 =	simm.s32 $0x4F80  }
0x9: {  	s26 =	simm.s32 $0x0;
	s1 =	sand.u32 $0x1, s1;
	s7 =	smul.u32 $0x9E00, s8  }
0xa: {  	[smem:$0x7FF] =	sst s3;
	s4 =	sshll.u32 s1, $0x4;
	s6 =	smul.u32 $0x9E000, s1  }
0xb: {  	_ =	strace $0x8000004A;
	s1 =	ssub.s32 $0x2, s1;
	s5 =	sor.u32 s8, s4  }
0xc: {  	s4 =	sadd.s32 $0x47800, s0;
	s8 =	smul.u32 $0x27800, s8;
	s31 =	sshrl.u32 s1, $0x1  }
0xd: {  	s5 =	smul.u32 $0x500, s5;
	s6 =	sadd.s32 s7, s6;
	s1 =	ssub.s32 s1, s31  }
0xe: {  	s7 =	sadd.s32 s7, s2;
	s29 =	sshrl.u32 s6, $0x3;
	s8 =	sshrl.u32 s8, $0x2  }
0xf: {  	s13 =	smax.u32 s1, $0x1;
	s9 =	sadd.s32 s5, s0;
	s0 =	sadd.s32 s29, s0  }
0x10: {  	s11 =	sadd.s32 s8, s2;
	s5 =	sadd.s32 $0x16000, s9;
	s6 =	sadd.s32 $0x2200, s9  }
0x11: {  	s8 =	sadd.s32 $0x2000, s11;
	s9 =	sadd.s32 $0x4000, s11;
	s10 =	sadd.s32 $0x6000, s11  }
0x12: {  	v0 =	vimm.f32 $0.0e+00;
	s11 =	sadd.s32 $0x8000, s11;
	s12 =	sadd.s32 $0x5B400, s0;
	s0 =	simm.s32 $0x13000  }
.LBB2_1:
0x13: {  	[tilespmem:s3], [sflag:$0x1] =	stream.linear.gather [hbm4b:s5+s3], $0x2800, $0x38;
	[tilespmem:$0x1EE00] =	vst v63  }
0x14: {  	s1 =	simm.s32 $0x2800  }
0x15: {  	[tilespmem:s1], [sflag:$0x1] =	stream.linear.gather [hbm4b:s6+s3], $0x2800, $0x38;
	[tilespmem:$0x1EE00] =	vst v63  }
0x16: {  	s29 =	simm.s32 $0x100;
	s1 =	simm.s32 $0x0  }
.LBB2_2:
0x17: {  	p0 =	sne.s32 s29, $0x7F00;
	[tilespmem:s1+$0x5030] =	vst v0;
	s31 =	smov.u32 s29;
	s29 =	sadd.s32 $0x100, s29  }
.Ltmp0:
0x18: {  	[tilespmem:s1+$0x5020] =	vst v0;
	(pc) =	sbr.rel @p0 .LBB2_2-.Ltmp0, $3  }
0x19: {  	[tilespmem:s1+$0x5000] =	vst v0  }
0x1a: {  	[tilespmem:s1+$0x5010] =	vst v0;
	_ =	sdelay $0x1  }
0x1b: {  	s1 =	sshra.s32 s31, $0x2  }
0x1c: {  	[tilespmem:s1+$0x5030] =	vst v0  }
0x1d: {  	[tilespmem:s1+$0x5020] =	vst v0  }
0x1e: {  	[tilespmem:s1+$0x5000] =	vst v0  }
0x1f: {  	[tilespmem:s1+$0x5010] =	vst v0  }
0x20: {  	[spmem:s7] =	stream.linear.scatter [tilespmem:s15], [sflag:$0x4], $0x2000, $0x38;
	[tilespmem:$0x1EE00] =	vst v63  }
0x21: {  	_ =	swait.ge [sflag:s16], $0x2000  }
0x22: {  	[sflag:s16] =	ssyncset.done $0x0  }
0x23: {  	[sflag:s16] =	ssyncadd.s32 $0xFFFFE000  }
0x24: {  	[spmem:s8] =	stream.linear.scatter [tilespmem:s15], [sflag:$0x4], $0x2000, $0x38;
	[tilespmem:$0x1EE00] =	vst v63  }
0x25: {  	_ =	swait.ge [sflag:s16], $0x2000  }
0x26: {  	[sflag:s16] =	ssyncset.done $0x0  }
0x27: {  	[sflag:s16] =	ssyncadd.s32 $0xFFFFE000  }
0x28: {  	[spmem:s9] =	stream.linear.scatter [tilespmem:s15], [sflag:$0x4], $0x2000, $0x38;
	[tilespmem:$0x1EE00] =	vst v63  }
0x29: {  	_ =	swait.ge [sflag:s16], $0x2000  }
0x2a: {  	[sflag:s16] =	ssyncset.done $0x0  }
0x2b: {  	[sflag:s16] =	ssyncadd.s32 $0xFFFFE000  }
0x2c: {  	[spmem:s10] =	stream.linear.scatter [tilespmem:s15], [sflag:$0x4], $0x2000, $0x38;
	[tilespmem:$0x1EE00] =	vst v63  }
0x2d: {  	_ =	swait.ge [sflag:s16], $0x2000  }
0x2e: {  	[sflag:s16] =	ssyncset.done $0x0  }
0x2f: {  	[sflag:s16] =	ssyncadd.s32 $0xFFFFE000  }
0x30: {  	[spmem:s11] =	stream.linear.scatter [tilespmem:s15], [sflag:$0x4], $0x1E00, $0x38;
	[tilespmem:$0x1EE00] =	vst v63  }
0x31: {  	_ =	swait.ge [sflag:s16], $0x1E00  }
0x32: {  	[sflag:s16] =	ssyncset.done $0x0  }
0x33: {  	[sflag:s16] =	ssyncadd.s32 $0xFFFFE200  }
0x34: {  	_ =	swait.ge [sflag:s17], $0x2800  }
0x35: {  	[sflag:s17] =	ssyncset.done $0x0  }
0x36: {  	[sflag:s17] =	ssyncadd.s32 $0xFFFFD800  }
0x37: {  	_ =	swait.ge [sflag:s17], $0x2800  }
0x38: {  	[sflag:s17] =	ssyncset.done $0x0  }
0x39: {  	[sflag:s17] =	ssyncadd.s32 $0xFFFFD800  }
0x3a: {  	s31 =	simm.s32 $0x0;
	[bflag:$0x0] =	sbarrier.arrive $0xFFFF  }
0x3b: {  	[tilespmem:s15], [sflag:$0x2] =	stream.indirect.gather [hbm4b:s4+s18], $0x40, s31, s18, $0xb8;
	[tilespmem:$0x1EE00] =	vst v63  }
0x3c: {  	_ = 	snop  }
0x3d: {  	[tilespmem:s19], [sflag:$0x2] =	stream.indirect.gather [hbm4b:s4+s18], $0x40, s18, s18, $0xb8;
	[tilespmem:$0x1EE00] =	vst v63  }
0x3e: {  	s31 =	simm.s32 $0x100  }
0x3f: {  	[tilespmem:s21], [sflag:$0x2] =	stream.indirect.gather [hbm4b:s4+s18], $0x40, s31, s18, $0xb8;
	[tilespmem:$0x1EE00] =	vst v63  }
0x40: {  	s31 =	simm.s32 $0x180  }
0x41: {  	[tilespmem:s23], [sflag:$0x2] =	stream.indirect.gather [hbm4b:s4+s18], $0x40, s31, s18, $0xb8;
	[tilespmem:$0x1EE00] =	vst v63  }
0x42: {  	s31 =	simm.s32 $0x200  }
0x43: {  	[tilespmem:s25], [sflag:$0x3] =	stream.indirect.gather [hbm4b:s4+s18], $0x40, s31, s18, $0xb8;
	[tilespmem:$0x1EE00] =	vst v63  }
0x44: {  	s31 =	simm.s32 $0x280  }
0x45: {  	[tilespmem:s28], [sflag:$0x3] =	stream.indirect.gather [hbm4b:s4+s18], $0x40, s31, s18, $0xb8;
	[tilespmem:$0x1EE00] =	vst v63  }
0x46: {  	s31 =	simm.s32 $0x300  }
0x47: {  	[tilespmem:s30], [sflag:$0x3] =	stream.indirect.gather [hbm4b:s4+s18], $0x40, s31, s18, $0xb8;
	[tilespmem:$0x1EE00] =	vst v63  }
0x48: {  	s31 =	simm.s32 $0x380  }
0x49: {  	[tilespmem:s0], [sflag:$0x3] =	stream.indirect.gather [hbm4b:s4+s18], $0x40, s31, s18, $0xb8;
	[tilespmem:$0x1EE00] =	vst v63  }
0x4a: {  	_ =	swait.ge [sflag:s14], $0x2000  }
0x4b: {  	[sflag:s14] =	ssyncset.done $0x0  }
0x4c: {  	[sflag:s14] =	ssyncadd.s32 $0xFFFFE000  }
0x4d: {  	_ =	swait.ge [sflag:s14], $0x2000  }
0x4e: {  	[sflag:s14] =	ssyncset.done $0x0  }
0x4f: {  	[sflag:s14] =	ssyncadd.s32 $0xFFFFE000  }
0x50: {  	_ =	swait.ge [sflag:s14], $0x2000  }
0x51: {  	[sflag:s14] =	ssyncset.done $0x0  }
0x52: {  	[sflag:s14] =	ssyncadd.s32 $0xFFFFE000  }
0x53: {  	_ =	swait.ge [sflag:s14], $0x2000  }
0x54: {  	[sflag:s14] =	ssyncset.done $0x0  }
0x55: {  	s31 =	simm.s32 $0x2800;
	[sflag:s14] =	ssyncadd.s32 $0xFFFFE000  }
0x56: {  	[spmem:s2] =	stream.indirect.scatter.add.f32 [tilespmem:s15], [sflag:$0x4], $0x40, s31, s18, $0xb8;
	[tilespmem:$0x1EE00] =	vst v63  }
0x57: {  	_ =	swait.ge [sflag:s16], $0x2000  }
0x58: {  	[sflag:s16] =	ssyncset.done $0x0  }
0x59: {  	s31 =	simm.s32 $0x2880;
	[sflag:s16] =	ssyncadd.s32 $0xFFFFE000  }
0x5a: {  	[spmem:s2] =	stream.indirect.scatter.add.f32 [tilespmem:s19], [sflag:$0x4], $0x40, s31, s18, $0xb8;
	[tilespmem:$0x1EE00] =	vst v63  }
0x5b: {  	_ =	swait.ge [sflag:s16], $0x2000  }
0x5c: {  	[sflag:s16] =	ssyncset.done $0x0  }
0x5d: {  	s31 =	simm.s32 $0x2900;
	[sflag:s16] =	ssyncadd.s32 $0xFFFFE000  }
0x5e: {  	[spmem:s2] =	stream.indirect.scatter.add.f32 [tilespmem:s21], [sflag:$0x4], $0x40, s31, s18, $0xb8;
	[tilespmem:$0x1EE00] =	vst v63  }
0x5f: {  	_ =	swait.ge [sflag:s16], $0x2000  }
0x60: {  	[sflag:s16] =	ssyncset.done $0x0  }
0x61: {  	s31 =	simm.s32 $0x2980;
	[sflag:s16] =	ssyncadd.s32 $0xFFFFE000  }
0x62: {  	[spmem:s2] =	stream.indirect.scatter.add.f32 [tilespmem:s23], [sflag:$0x4], $0x40, s31, s18, $0xb8;
	[tilespmem:$0x1EE00] =	vst v63  }
0x63: {  	_ =	swait.ge [sflag:s16], $0x2000  }
0x64: {  	[sflag:s16] =	ssyncset.done $0x0  }
0x65: {  	s31 =	simm.s32 $0x400;
	[sflag:s16] =	ssyncadd.s32 $0xFFFFE000  }
0x66: {  	[tilespmem:s15], [sflag:$0x2] =	stream.indirect.gather [hbm4b:s4+s18], $0x40, s31, s18, $0xb8;
	[tilespmem:$0x1EE00] =	vst v63  }
0x67: {  	s31 =	simm.s32 $0x480  }
0x68: {  	[tilespmem:s19], [sflag:$0x2] =	stream.indirect.gather [hbm4b:s4+s18], $0x40, s31, s18, $0xb8;
	[tilespmem:$0x1EE00] =	vst v63  }
0x69: {  	s31 =	simm.s32 $0x500  }
0x6a: {  	[tilespmem:s21], [sflag:$0x2] =	stream.indirect.gather [hbm4b:s4+s18], $0x40, s31, s18, $0xb8;
	[tilespmem:$0x1EE00] =	vst v63  }
0x6b: {  	s31 =	simm.s32 $0x580  }
0x6c: {  	[tilespmem:s23], [sflag:$0x2] =	stream.indirect.gather [hbm4b:s4+s18], $0x40, s31, s18, $0xb8;
	[tilespmem:$0x1EE00] =	vst v63  }
0x6d: {  	_ =	swait.ge [sflag:s20], $0x2000  }
0x6e: {  	[sflag:s20] =	ssyncset.done $0x0  }
0x6f: {  	[sflag:s20] =	ssyncadd.s32 $0xFFFFE000  }
0x70: {  	_ =	swait.ge [sflag:s20], $0x2000  }
0x71: {  	[sflag:s20] =	ssyncset.done $0x0  }
0x72: {  	[sflag:s20] =	ssyncadd.s32 $0xFFFFE000  }
0x73: {  	_ =	swait.ge [sflag:s20], $0x2000  }
0x74: {  	[sflag:s20] =	ssyncset.done $0x0  }
0x75: {  	[sflag:s20] =	ssyncadd.s32 $0xFFFFE000  }
0x76: {  	_ =	swait.ge [sflag:s20], $0x2000  }
0x77: {  	[sflag:s20] =	ssyncset.done $0x0  }
0x78: {  	s31 =	simm.s32 $0x2A00;
	[sflag:s20] =	ssyncadd.s32 $0xFFFFE000  }
0x79: {  	[spmem:s2] =	stream.indirect.scatter.add.f32 [tilespmem:s25], [sflag:$0x4], $0x40, s31, s18, $0xb8;
	[tilespmem:$0x1EE00] =	vst v63  }
0x7a: {  	_ =	swait.ge [sflag:s16], $0x2000  }
0x7b: {  	[sflag:s16] =	ssyncset.done $0x0  }
0x7c: {  	s31 =	simm.s32 $0x2A80;
	[sflag:s16] =	ssyncadd.s32 $0xFFFFE000  }
0x7d: {  	[spmem:s2] =	stream.indirect.scatter.add.f32 [tilespmem:s28], [sflag:$0x4], $0x40, s31, s18, $0xb8;
	[tilespmem:$0x1EE00] =	vst v63  }
0x7e: {  	_ =	swait.ge [sflag:s16], $0x2000  }
0x7f: {  	[sflag:s16] =	ssyncset.done $0x0  }
0x80: {  	s31 =	simm.s32 $0x2B00;
	[sflag:s16] =	ssyncadd.s32 $0xFFFFE000  }
0x81: {  	[spmem:s2] =	stream.indirect.scatter.add.f32 [tilespmem:s30], [sflag:$0x4], $0x40, s31, s18, $0xb8;
	[tilespmem:$0x1EE00] =	vst v63  }
0x82: {  	_ =	swait.ge [sflag:s16], $0x2000  }
0x83: {  	[sflag:s16] =	ssyncset.done $0x0  }
0x84: {  	s31 =	simm.s32 $0x2B80;
	[sflag:s16] =	ssyncadd.s32 $0xFFFFE000  }
0x85: {  	[spmem:s2] =	stream.indirect.scatter.add.f32 [tilespmem:s0], [sflag:$0x4], $0x40, s31, s18, $0xb8;
	[tilespmem:$0x1EE00] =	vst v63  }
0x86: {  	_ =	swait.ge [sflag:s16], $0x2000  }
0x87: {  	[sflag:s16] =	ssyncset.done $0x0  }
0x88: {  	s31 =	simm.s32 $0x600;
	[sflag:s16] =	ssyncadd.s32 $0xFFFFE000  }
0x89: {  	[tilespmem:s25], [sflag:$0x3] =	stream.indirect.gather [hbm4b:s4+s18], $0x40, s31, s18, $0xb8;
	[tilespmem:$0x1EE00] =	vst v63  }
0x8a: {  	s31 =	simm.s32 $0x680  }
0x8b: {  	[tilespmem:s28], [sflag:$0x3] =	stream.indirect.gather [hbm4b:s4+s18], $0x40, s31, s18, $0xb8;
	[tilespmem:$0x1EE00] =	vst v63  }
0x8c: {  	s29 =	simm.s32 $0x1000;
	s1 =	simm.s32 $0x780;
	s31 =	simm.s32 $0x700  }
0x8d: {  	[tilespmem:s30], [sflag:$0x3] =	stream.indirect.gather [hbm4b:s4+s18], $0x40, s31, s18, $0xb8;
	[tilespmem:$0x1EE00] =	vst v63  }
.LBB2_4:
0x8e: {  	[tilespmem:s0], [sflag:$0x3] =	stream.indirect.gather [hbm4b:s4+s18], $0x40, s1, s18, $0xb8;
	[tilespmem:$0x1EE00] =	vst v63  }
0x8f: {  	s1 =	smov.u32 s29  }
0x90: {  	p0 =	sne.s32 s29, $0x8000;
	s29 =	sadd.s32 $0x1000, s29;
	_ =	swait.ge [sflag:s14], $0x2000  }
0x91: {  	[sflag:s14] =	ssyncset.done $0x0  }
0x92: {  	[sflag:s14] =	ssyncadd.s32 $0xFFFFE000  }
0x93: {  	_ =	swait.ge [sflag:s14], $0x2000  }
0x94: {  	[sflag:s14] =	ssyncset.done $0x0  }
0x95: {  	[sflag:s14] =	ssyncadd.s32 $0xFFFFE000  }
0x96: {  	_ =	swait.ge [sflag:s14], $0x2000  }
0x97: {  	[sflag:s14] =	ssyncset.done $0x0  }
0x98: {  	[sflag:s14] =	ssyncadd.s32 $0xFFFFE000  }
0x99: {  	_ =	swait.ge [sflag:s14], $0x2000  }
0x9a: {  	s1 =	sshra.s32 s1, $0x2;
	[sflag:s14] =	ssyncset.done $0x0  }
0x9b: {  	s31 =	sadd.s32 $0x2800, s1;
	[sflag:s14] =	ssyncadd.s32 $0xFFFFE000  }
0x9c: {  	[spmem:s2] =	stream.indirect.scatter.add.f32 [tilespmem:s15], [sflag:$0x4], $0x40, s31, s18, $0xb8;
	[tilespmem:$0x1EE00] =	vst v63  }
0x9d: {  	_ =	swait.ge [sflag:s16], $0x2000  }
0x9e: {  	[sflag:s16] =	ssyncset.done $0x0  }
0x9f: {  	s31 =	sadd.s32 $0x2880, s1;
	[sflag:s16] =	ssyncadd.s32 $0xFFFFE000  }
0xa0: {  	[spmem:s2] =	stream.indirect.scatter.add.f32 [tilespmem:s19], [sflag:$0x4], $0x40, s31, s18, $0xb8;
	[tilespmem:$0x1EE00] =	vst v63  }
0xa1: {  	_ =	swait.ge [sflag:s16], $0x2000  }
0xa2: {  	[sflag:s16] =	ssyncset.done $0x0  }
0xa3: {  	s31 =	sadd.s32 $0x2900, s1;
	[sflag:s16] =	ssyncadd.s32 $0xFFFFE000  }
0xa4: {  	[spmem:s2] =	stream.indirect.scatter.add.f32 [tilespmem:s21], [sflag:$0x4], $0x40, s31, s18, $0xb8;
	[tilespmem:$0x1EE00] =	vst v63  }
0xa5: {  	_ =	swait.ge [sflag:s16], $0x2000  }
0xa6: {  	[sflag:s16] =	ssyncset.done $0x0  }
0xa7: {  	s31 =	sadd.s32 $0x2980, s1;
	[sflag:s16] =	ssyncadd.s32 $0xFFFFE000  }
0xa8: {  	[spmem:s2] =	stream.indirect.scatter.add.f32 [tilespmem:s23], [sflag:$0x4], $0x40, s31, s18, $0xb8;
	[tilespmem:$0x1EE00] =	vst v63  }
0xa9: {  	_ =	swait.ge [sflag:s16], $0x2000  }
0xaa: {  	[sflag:s16] =	ssyncset.done $0x0  }
0xab: {  	s31 =	sadd.s32 $0x400, s1;
	[sflag:s16] =	ssyncadd.s32 $0xFFFFE000  }
0xac: {  	[tilespmem:s15], [sflag:$0x2] =	stream.indirect.gather [hbm4b:s4+s18], $0x40, s31, s18, $0xb8;
	[tilespmem:$0x1EE00] =	vst v63  }
0xad: {  	s31 =	sadd.s32 $0x480, s1  }
0xae: {  	[tilespmem:s19], [sflag:$0x2] =	stream.indirect.gather [hbm4b:s4+s18], $0x40, s31, s18, $0xb8;
	[tilespmem:$0x1EE00] =	vst v63  }
0xaf: {  	s31 =	sadd.s32 $0x500, s1  }
0xb0: {  	[tilespmem:s21], [sflag:$0x2] =	stream.indirect.gather [hbm4b:s4+s18], $0x40, s31, s18, $0xb8;
	[tilespmem:$0x1EE00] =	vst v63  }
0xb1: {  	s31 =	sadd.s32 $0x580, s1  }
0xb2: {  	[tilespmem:s23], [sflag:$0x2] =	stream.indirect.gather [hbm4b:s4+s18], $0x40, s31, s18, $0xb8;
	[tilespmem:$0x1EE00] =	vst v63  }
0xb3: {  	_ =	swait.ge [sflag:s20], $0x2000  }
0xb4: {  	[sflag:s20] =	ssyncset.done $0x0  }
0xb5: {  	[sflag:s20] =	ssyncadd.s32 $0xFFFFE000  }
0xb6: {  	_ =	swait.ge [sflag:s20], $0x2000  }
0xb7: {  	[sflag:s20] =	ssyncset.done $0x0  }
0xb8: {  	[sflag:s20] =	ssyncadd.s32 $0xFFFFE000  }
0xb9: {  	_ =	swait.ge [sflag:s20], $0x2000  }
0xba: {  	[sflag:s20] =	ssyncset.done $0x0  }
0xbb: {  	[sflag:s20] =	ssyncadd.s32 $0xFFFFE000  }
0xbc: {  	_ =	swait.ge [sflag:s20], $0x2000  }
0xbd: {  	[sflag:s20] =	ssyncset.done $0x0  }
0xbe: {  	s31 =	sadd.s32 $0x2A00, s1;
	[sflag:s20] =	ssyncadd.s32 $0xFFFFE000  }
0xbf: {  	[spmem:s2] =	stream.indirect.scatter.add.f32 [tilespmem:s25], [sflag:$0x4], $0x40, s31, s18, $0xb8;
	[tilespmem:$0x1EE00] =	vst v63  }
0xc0: {  	_ =	swait.ge [sflag:s16], $0x2000  }
0xc1: {  	[sflag:s16] =	ssyncset.done $0x0  }
0xc2: {  	s31 =	sadd.s32 $0x2A80, s1;
	[sflag:s16] =	ssyncadd.s32 $0xFFFFE000  }
0xc3: {  	[spmem:s2] =	stream.indirect.scatter.add.f32 [tilespmem:s28], [sflag:$0x4], $0x40, s31, s18, $0xb8;
	[tilespmem:$0x1EE00] =	vst v63  }
0xc4: {  	_ =	swait.ge [sflag:s16], $0x2000  }
0xc5: {  	[sflag:s16] =	ssyncset.done $0x0  }
0xc6: {  	s31 =	sadd.s32 $0x2B00, s1;
	[sflag:s16] =	ssyncadd.s32 $0xFFFFE000  }
0xc7: {  	[spmem:s2] =	stream.indirect.scatter.add.f32 [tilespmem:s30], [sflag:$0x4], $0x40, s31, s18, $0xb8;
	[tilespmem:$0x1EE00] =	vst v63  }
0xc8: {  	_ =	swait.ge [sflag:s16], $0x2000  }
0xc9: {  	[sflag:s16] =	ssyncset.done $0x0  }
0xca: {  	s31 =	sadd.s32 $0x2B80, s1;
	[sflag:s16] =	ssyncadd.s32 $0xFFFFE000  }
0xcb: {  	[spmem:s2] =	stream.indirect.scatter.add.f32 [tilespmem:s0], [sflag:$0x4], $0x40, s31, s18, $0xb8;
	[tilespmem:$0x1EE00] =	vst v63  }
0xcc: {  	_ =	swait.ge [sflag:s16], $0x2000  }
0xcd: {  	[sflag:s16] =	ssyncset.done $0x0  }
0xce: {  	s31 =	sadd.s32 $0x600, s1;
	[sflag:s16] =	ssyncadd.s32 $0xFFFFE000  }
0xcf: {  	[tilespmem:s25], [sflag:$0x3] =	stream.indirect.gather [hbm4b:s4+s18], $0x40, s31, s18, $0xb8;
	[tilespmem:$0x1EE00] =	vst v63  }
.Ltmp1:
0xd0: {  	s31 =	sadd.s32 $0x680, s1;
	(pc) =	sbr.rel @p0 .LBB2_4-.Ltmp1, $4  }
0xd1: {  	[tilespmem:s28], [sflag:$0x3] =	stream.indirect.gather [hbm4b:s4+s18], $0x40, s31, s18, $0xb8;
	[tilespmem:$0x1EE00] =	vst v63  }
0xd2: {  	s31 =	sadd.s32 $0x700, s1  }
0xd3: {  	[tilespmem:s30], [sflag:$0x3] =	stream.indirect.gather [hbm4b:s4+s18], $0x40, s31, s18, $0xb8;
	[tilespmem:$0x1EE00] =	vst v63  }
0xd4: {  	s1 =	sadd.s32 $0x780, s1  }
0xd5: {  	[tilespmem:s0], [sflag:$0x3] =	stream.indirect.gather [hbm4b:s4+s18], $0x40, s1, s18, $0xb8;
	[tilespmem:$0x1EE00] =	vst v63  }
0xd6: {  	_ =	swait.ge [sflag:s14], $0x2000  }
0xd7: {  	[sflag:s14] =	ssyncset.done $0x0  }
0xd8: {  	[sflag:s14] =	ssyncadd.s32 $0xFFFFE000  }
0xd9: {  	_ =	swait.ge [sflag:s14], $0x2000  }
0xda: {  	[sflag:s14] =	ssyncset.done $0x0  }
0xdb: {  	[sflag:s14] =	ssyncadd.s32 $0xFFFFE000  }
0xdc: {  	_ =	swait.ge [sflag:s14], $0x2000  }
0xdd: {  	[sflag:s14] =	ssyncset.done $0x0  }
0xde: {  	[sflag:s14] =	ssyncadd.s32 $0xFFFFE000  }
0xdf: {  	_ =	swait.ge [sflag:s14], $0x2000  }
0xe0: {  	[sflag:s14] =	ssyncset.done $0x0  }
0xe1: {  	s31 =	simm.s32 $0x4C00;
	[sflag:s14] =	ssyncadd.s32 $0xFFFFE000  }
0xe2: {  	[spmem:s2] =	stream.indirect.scatter.add.f32 [tilespmem:s15], [sflag:$0x4], $0x40, s31, s18, $0xb8;
	[tilespmem:$0x1EE00] =	vst v63  }
0xe3: {  	_ =	swait.ge [sflag:s16], $0x2000  }
0xe4: {  	[sflag:s16] =	ssyncset.done $0x0  }
0xe5: {  	s29 =	simm.s32 $0x4C80;
	[sflag:s16] =	ssyncadd.s32 $0xFFFFE000  }
0xe6: {  	[spmem:s2] =	stream.indirect.scatter.add.f32 [tilespmem:s19], [sflag:$0x4], $0x40, s29, s18, $0xb8;
	[tilespmem:$0x1EE00] =	vst v63  }
0xe7: {  	_ =	swait.ge [sflag:s16], $0x2000  }
0xe8: {  	[sflag:s16] =	ssyncset.done $0x0  }
0xe9: {  	s31 =	simm.s32 $0x4D00;
	[sflag:s16] =	ssyncadd.s32 $0xFFFFE000  }
0xea: {  	[spmem:s2] =	stream.indirect.scatter.add.f32 [tilespmem:s21], [sflag:$0x4], $0x40, s31, s18, $0xb8;
	[tilespmem:$0x1EE00] =	vst v63  }
0xeb: {  	_ =	swait.ge [sflag:s16], $0x2000  }
0xec: {  	[sflag:s16] =	ssyncset.done $0x0  }
0xed: {  	s29 =	simm.s32 $0x4D80;
	[sflag:s16] =	ssyncadd.s32 $0xFFFFE000  }
0xee: {  	[spmem:s2] =	stream.indirect.scatter.add.f32 [tilespmem:s23], [sflag:$0x4], $0x40, s29, s18, $0xb8;
	[tilespmem:$0x1EE00] =	vst v63  }
0xef: {  	_ =	swait.ge [sflag:s16], $0x2000  }
0xf0: {  	[sflag:s16] =	ssyncset.done $0x0  }
0xf1: {  	[sflag:s16] =	ssyncadd.s32 $0xFFFFE000  }
0xf2: {  	_ =	swait.ge [sflag:s20], $0x2000  }
0xf3: {  	[sflag:s20] =	ssyncset.done $0x0  }
0xf4: {  	[sflag:s20] =	ssyncadd.s32 $0xFFFFE000  }
0xf5: {  	_ =	swait.ge [sflag:s20], $0x2000  }
0xf6: {  	[sflag:s20] =	ssyncset.done $0x0  }
0xf7: {  	[sflag:s20] =	ssyncadd.s32 $0xFFFFE000  }
0xf8: {  	_ =	swait.ge [sflag:s20], $0x2000  }
0xf9: {  	[sflag:s20] =	ssyncset.done $0x0  }
0xfa: {  	[sflag:s20] =	ssyncadd.s32 $0xFFFFE000  }
0xfb: {  	_ =	swait.ge [sflag:s20], $0x2000  }
0xfc: {  	[sflag:s20] =	ssyncset.done $0x0  }
0xfd: {  	s31 =	simm.s32 $0x4E00;
	[sflag:s20] =	ssyncadd.s32 $0xFFFFE000  }
0xfe: {  	[spmem:s2] =	stream.indirect.scatter.add.f32 [tilespmem:s25], [sflag:$0x4], $0x40, s31, s18, $0xb8;
	[tilespmem:$0x1EE00] =	vst v63  }
0xff: {  	_ =	swait.ge [sflag:s16], $0x2000  }
0x100: {  	[sflag:s16] =	ssyncset.done $0x0  }
0x101: {  	s29 =	simm.s32 $0x4E80;
	[sflag:s16] =	ssyncadd.s32 $0xFFFFE000  }
0x102: {  	[spmem:s2] =	stream.indirect.scatter.add.f32 [tilespmem:s28], [sflag:$0x4], $0x40, s29, s18, $0xb8;
	[tilespmem:$0x1EE00] =	vst v63  }
0x103: {  	_ =	swait.ge [sflag:s16], $0x2000  }
0x104: {  	[sflag:s16] =	ssyncset.done $0x0  }
0x105: {  	[sflag:s16] =	ssyncadd.s32 $0xFFFFE000  }
0x106: {  	[spmem:s2] =	stream.indirect.scatter.add.f32 [tilespmem:s30], [sflag:$0x4], $0x40, s22, s18, $0xb8;
	[tilespmem:$0x1EE00] =	vst v63  }
0x107: {  	_ =	swait.ge [sflag:s16], $0x2000  }
0x108: {  	[sflag:s16] =	ssyncset.done $0x0  }
0x109: {  	[sflag:s16] =	ssyncadd.s32 $0xFFFFE000  }
0x10a: {  	[spmem:s2] =	stream.indirect.scatter.add.f32 [tilespmem:s0], [sflag:$0x4], $0x40, s24, s18, $0xb8;
	[tilespmem:$0x1EE00] =	vst v63  }
0x10b: {  	s31 =	stileid.u32;
	_ =	swait.ge [sflag:s16], $0x2000  }
0x10c: {  	s26 =	sadd.s32 $0x1, s26;
	s1 =	sshll.u32 s31, $0x6;
	[sflag:s16] =	ssyncset.done $0x0  }
0x10d: {  	p0 =	sne.s32 s26, s13;
	s1 =	sor.u32 $0x1C04, s1;
	[sflag:s16] =	ssyncadd.s32 $0xFFFFE000  }
.Ltmp2:
0x10e: {  	s29 =	sshrl.u32 s7, $0x3;
	[bflag:$0x0] =	sbarrier.arrive $0xFFFF;
	(pc) =	sbr.rel @p0 .LBB2_1-.Ltmp2, $4  }
0x10f: {  	[hbm:s12], [sflag:s1] =	dma.local [spmem:s29], $0x13C0  }
0x110: {  	_ =	swait.ge [sflag:s16], $0x13C0  }
0x111: {  	[sflag:s16] =	ssyncset.done $0x0  }
0x112: {  	[sflag:s16] =	ssyncadd.s32 $0xFFFFEC40  }
0x113: {  	_ =	sfence.sel $0x180000  }
0x114: {  	[bflag:$0x0] =	sbarrier.arrive $0xFFFF  }
0x115: {  	_ =	strace $0x9000004A  }
0x116: {  	s0 =	stileid.u32;
	[bflag:$0x2] =	sbarrier.arrive $0xFFFF  }
0x117: {  	p0 =	sne.s32 s0, $0x0;
	s0 =	rddreg [dreg:$0x2]  }
0x118: {  	s0 =	sadd.s32 @!p0 $0x100000, s0  }
0x119: {  	[sflag:s0] =	ssyncadd.tile.s32 @!p0 $0x1;
	_ =	shalt  }
.Lfunc_end2:
_tile_overlayer_lowered:
.L_overlay_start_2:
0x11a: {  	(tag) =	ssettag $0x2  }
0x11b: {  	s0 =	rddreg [dreg:$0x0];
	s2 =	stileid.u32  }
0x11c: {  	s1 =	rddreg [dreg:$0x1];
	p0 =	sne.s32 s2, $0x0  }
0x11d: {  	s3 =	rddreg [dreg:$0x2];
	[bflag:$0x3] =	sbarrier.arrive $0xFFFF;
	s2 =	simm.s32 @!p0 $0x1C04  }
0x11e: {  	[timem:s3], [sflag:s2] =	dma.local @!p0 [hbm:s0], s1  }
0x11f: {  	s0 =	simm.s32 @!p0 $0x4  }
0x120: {  	_ =	swait.ge @!p0 [sflag:s0], s1  }
0x121: {  	s1 =	ssub.s32 @!p0 $0x0, s1;
	[sflag:s0] =	ssyncset.done @!p0 $0x0  }
0x122: {  	[sflag:s0] =	ssyncadd.s32 @!p0 s1  }
0x123: {  	[bflag:$0x3] =	sbarrier.arrive $0xFFFF  }
0x124: {  	_ =	shalt  }

// kernel: kernel.14.cloned.1.call-start
scs
__scs_entry_jumppad:
0x0: {  	(pc) =	sbr.rel $0x88, $3  }
0x1: {  	(tag) =	ssettag $0x0;
	lr =	simm.s32 $0x1  }
0x2: {  	[smem:$0x3F98] =	sst lr;
	_ =	strace $0xD0000000  }
0x3: {  	_ = 	snop  }
0x4: {  	_ = 	snop  }
0x5: {  	_ = 	snop  }
0x6: {  	_ = 	snop  }
0x7: {  	_ = 	snop  }
__scs_overlays_trampoline_lowered:
0x8: {  	[smem:$0x3FA7] =	sst s0  }
0x9: {  	[smem:$0x3FA8] =	sst s1  }
0xa: {  	[smem:$0x3FA9] =	sst s2  }
0xb: {  	[smem:$0x3FAA] =	sst s3  }
0xc: {  	[smem:$0x3FAB] =	sst s4  }
0xd: {  	[smem:$0x3FAC] =	sst s5  }
0xe: {  	[smem:$0x3FAD] =	sst s6  }
0xf: {  	[smem:$0x3FAE] =	sst s7  }
0x10: {  	[smem:$0x3FAF] =	sst s8  }
0x11: {  	[smem:$0x3FB0] =	sst s9;
	s0 =	simm.s32 @!p0 $0x0  }
0x12: {  	s1 =	sld [smem:$0x3F96];
	s0 =	simm.s32 @p0 $0x1  }
0x13: {  	[smem:$0x3FB1] =	sst s0;
	s0 =	simm.s32 @!p1 $0x0  }
0x14: {  	s2 =	sld [smem:$0x3F95];
	s0 =	simm.s32 @p1 $0x1  }
0x15: {  	[smem:$0x3FB2] =	sst s0;
	s0 =	simm.s32 @!p2 $0x0  }
0x16: {  	s3 =	sld [smem:$0x3FDB];
	s0 =	simm.s32 @p2 $0x1  }
0x17: {  	s4 =	simm.s32 $0x1BF5;
	[smem:$0x3FB4] =	sst s0  }
0x18: {  	s0 =	sld [smem:$0x3F97];
	_ =	swait.ge [sflag:s4], $0x0  }
0x19: {  	s7 =	sld [smem:$0x3F98]  }
0x1a: {  	s8 =	sadd.s32 $0xFFFFE003, lr  }
0x1b: {  	s9 =	sadd.s32 $0xFFFFFEF7, lr;
	s5 =	simm.s32 $0xFFFFFFFF;
	p2 =	slt.u32 s8, $0xFFFFF086  }
0x1c: {  	p1 =	slt.u32 s9, $0xF7A;
	s5 =	simm.s32 @!p2 $0x0  }
0x1d: {  	s5 =	simm.s32 @p1 $0x1;
	p0 =	seq.s32 s7, s2  }
0x1e: {  	s7 =	smul.u32 @!p0 $0xF7A, s2;
	p2 =	seq.s32 @!p0 s5, $0x0  }
0x1f: {  	s9 =	smul.u32 $0xF7A, s1;
	s8 =	simm.s32 @!p0 $0x1BF5;
	p2 =	por !p2, p0  }
0x20: {  	[sflag:s8] =	ssyncset.s32 @!p0 $0xFFFFF086;
	s6 =	sadd.s32 @!p0 s3, s7;
	s7 =	simm.s32 @!p0 $0x108  }
0x21: {  	s3 =	sadd.s32 s3, s9;
	s6 =	sadd.s32 @!p0 $0x88, s6;
	s7 =	simm.s32 @p2 $0x1082  }
0x22: {  	[simem:s7], [sflag:s8] =	dma.local @!p0 [hbm:s6], $0xF7A  }
0x23: {  	s9 =	sor.u32 $0xD0000000, s2;
	s6 =	simm.s32 $0x108;
	_ =	swait.ge @!p0 [sflag:s8], $0x0  }
0x24: {  	s3 =	sadd.s32 $0x88, s3;
	s6 =	simm.s32 @!p1 $0x1082;
	[sflag:s4] =	ssyncset.s32 $0xFFFFF086  }
0x25: {  	[simem:s6], [sflag:s4] =	dma.local [hbm:s3], $0xF7A  }
0x26: {  	[smem:$0x3F98] =	sst s1;
	(tag) =	ssettag s2;
	_ =	strace s9  }
0x27: {  	s1 =	sld [smem:$0x3FA8]  }
0x28: {  	s2 =	sld [smem:$0x3FA9]  }
0x29: {  	s4 =	sld [smem:$0x3FAB]  }
0x2a: {  	p0 =	seq.s32 s5, $0x0;
	s5 =	sld [smem:$0x3FAC]  }
0x2b: {  	s6 =	sld [smem:$0x3FAD]  }
0x2c: {  	s7 =	sld [smem:$0x3FAE]  }
0x2d: {  	s3 =	simm.s32 $0x108;
	s8 =	sld [smem:$0x3FAF]  }
0x2e: {  	s3 =	simm.s32 @!p0 $0x1082;
	s9 =	sld [smem:$0x3FB0]  }
0x2f: {  	lr =	sadd.s32 s0, s3;
	s0 =	sld [smem:$0x3FA7]  }
0x30: {  	s3 =	sld [smem:$0x3FAA]  }
0x31: {  	[smem:$0x3FB3] =	sst s10  }
0x32: {  	s10 =	sld [smem:$0x3FB1];
	_ =	sdelay $0x3  }
0x33: {  	p0 =	seq.s32 s10, $0x1;
	s10 =	sld [smem:$0x3FB3];
	_ =	sdelay $0x3  }
0x34: {  	[smem:$0x3FB3] =	sst s10  }
0x35: {  	s10 =	sld [smem:$0x3FB2];
	_ =	sdelay $0x3  }
0x36: {  	p1 =	seq.s32 s10, $0x1;
	s10 =	sld [smem:$0x3FB3];
	_ =	sdelay $0x3  }
0x37: {  	[smem:$0x3FB3] =	sst s10  }
0x38: {  	s10 =	sld [smem:$0x3FB4]  }
0x39: {  	_ = 	snop;
	(pc) =	sbr.ind lr, $3  }
0x3a: {  	_ = 	snop  }
0x3b: {  	_ = 	snop  }
0x3c: {  	p2 =	seq.s32 s10, $0x1;
	s10 =	sld [smem:$0x3FB3]  }
0x3d: {  	_ =	shalt  }
0x3e: {  	_ =	shalt  }
0x3f: {  	_ =	shalt  }
0x40: {  	_ =	shalt  }
0x41: {  	_ =	shalt  }
0x42: {  	_ =	shalt  }
0x43: {  	_ =	shalt  }
0x44: {  	_ =	shalt  }
0x45: {  	_ =	shalt  }
0x46: {  	_ =	shalt  }
0x47: {  	_ =	shalt  }
0x48: {  	_ =	shalt  }
0x49: {  	_ =	shalt  }
0x4a: {  	_ =	shalt  }
0x4b: {  	_ =	shalt  }
0x4c: {  	_ =	shalt  }
0x4d: {  	_ =	shalt  }
0x4e: {  	_ =	shalt  }
0x4f: {  	_ =	shalt  }
0x50: {  	_ =	shalt  }
0x51: {  	_ =	shalt  }
0x52: {  	_ =	shalt  }
0x53: {  	_ =	shalt  }
0x54: {  	_ =	shalt  }
0x55: {  	_ =	shalt  }
0x56: {  	_ =	shalt  }
0x57: {  	_ =	shalt  }
0x58: {  	_ =	shalt  }
0x59: {  	_ =	shalt  }
0x5a: {  	_ =	shalt  }
0x5b: {  	_ =	shalt  }
0x5c: {  	_ =	shalt  }
0x5d: {  	_ =	shalt  }
0x5e: {  	_ =	shalt  }
0x5f: {  	_ =	shalt  }
0x60: {  	_ =	shalt  }
0x61: {  	_ =	shalt  }
0x62: {  	_ =	shalt  }
0x63: {  	_ =	shalt  }
0x64: {  	_ =	shalt  }
0x65: {  	_ =	shalt  }
0x66: {  	_ =	shalt  }
0x67: {  	_ =	shalt  }
0x68: {  	_ =	shalt  }
0x69: {  	_ =	shalt  }
0x6a: {  	_ =	shalt  }
0x6b: {  	_ =	shalt  }
0x6c: {  	_ =	shalt  }
0x6d: {  	_ =	shalt  }
0x6e: {  	_ =	shalt  }
0x6f: {  	_ =	shalt  }
0x70: {  	_ =	shalt  }
0x71: {  	_ =	shalt  }
0x72: {  	_ =	shalt  }
0x73: {  	_ =	shalt  }
0x74: {  	_ =	shalt  }
0x75: {  	_ =	shalt  }
0x76: {  	_ =	shalt  }
0x77: {  	_ =	shalt  }
0x78: {  	_ =	shalt  }
0x79: {  	_ =	shalt  }
0x7a: {  	_ =	shalt  }
0x7b: {  	_ =	shalt  }
0x7c: {  	_ =	shalt  }
0x7d: {  	_ =	shalt  }
0x7e: {  	_ =	shalt  }
0x7f: {  	_ =	shalt  }
0x80: {  	_ =	shalt  }
0x81: {  	_ =	shalt  }
0x82: {  	_ =	shalt  }
0x83: {  	_ =	shalt  }
0x84: {  	_ =	shalt  }
0x85: {  	_ =	shalt  }
0x86: {  	_ =	shalt  }
0x87: {  	_ =	shalt  }
.Lfunc_end0:
.L_simem_size_0:
called_computation.2_lowered:
.L_overlay_start_0:
0x88: {  	s2 =	sld [smem:$0x3FD9]  }
0x89: {  	s3 =	sld [smem:$0x3FFE];
	_ =	sdelay $0x1  }
0x8a: {  	s1 =	srdreg.scid  }
0x8b: {  	s0 =	sand.u32 $0x1, s1  }
0x8c: {  	s16 =	sshll.u32 s0, $0xA;
	s2 =	sadd.s32 s3, s2  }
0x8d: {  	s2 =	sadd.s32 s2, s16  }
0x8e: {  	[smem:$0x3FBF] =	sst s2  }
0x8f: {  	_ = 	snop  }
0x90: {  	(tm) =	ssettm $0x1  }
0x91: {  	s17 =	sld [smem:$0x3FFB];
	_ =	sdelay $0x3  }
0x92: {  	_ =	strace s17  }
0x93: {  	s2 =	sld [smem:$0x3FFC];
	_ =	sdelay $0x3  }
0x94: {  	_ =	strace s2  }
0x95: {  	s2 =	sld [smem:$0x3FFD];
	_ =	sdelay $0x3  }
0x96: {  	_ =	strace s2  }
0x97: {  	_ =	strace $0x8FFFFFFF  }
0x98: {  	s18 =	sld [smem:$0x3FDB];
	_ =	sdelay $0x1  }
0x99: {  	s19 =	simm.s32 $_scs_section_size  }
0x9a: {  	s4 =	simm.s32 $_size__tile_overlayer_lowered;
	s5 =	simm.s32 $_tile_overlayer_lowered  }
0x9b: {  	s22 =	simm.s32 $0x1BFF;
	s21 =	sshll.u32 s5, $0x1;
	s2 =	sadd.s32 s19, s18  }
0x9c: {  	s6 =	simm.s32 $0x0;
	s20 =	sshll.u32 s4, $0x1;
	s4 =	sadd.s32 s21, s2  }
0x9d: {  	[timem:s6], [sflag:s22] =	dma.local [hbm:s4], s20  }
0x9e: {  	_ =	swait.ge [sflag:s22], s20  }
0x9f: {  	s3 =	ssub.s32 $0x0, s20;
	[sflag:s22] =	ssyncset.done $0x0  }
0xa0: {  	[sflag:s22] =	ssyncadd.s32 s3;
	_ =	sdelay $0x1  }
0xa1: {  	s23 =	simm.s32 $0x1B8B  }
0xa2: {  	_ =	swait.ge [sflag:s23], $0x1  }
0xa3: {  	[sflag:s23] =	ssyncset.done $0x0  }
0xa4: {  	s25 =	simm.s32 $0x1B8E;
	s24 =	sld [smem:$0x3FFE];
	[sflag:s23] =	ssyncadd.s32 $0xFFFFFFFF  }
0xa5: {  	s26 =	simm.s32 $execute0_lowered;
	[smem:$0x3FD2] =	sst s25  }
0xa6: {  	s4 =	sshll.u32 s26, $0x1;
	_ =	strace $0x8000004C;
	[dreg:$0x1] =	wrdreg $0xFFFFFFFF  }
0xa7: {  	s28 =	simm.s32 $_size_execute0_lowered;
	s2 =	sadd.s32 s2, s4;
	[dreg:$0x0] =	wrdreg $0x0  }
0xa8: {  	s4 =	sshll.u32 s28, $0x1;
	[dreg:$0x2] =	wrdreg s2  }
0xa9: {  	[dreg:$0x3] =	wrdreg s4  }
0xaa: {  	[dreg:$0x4] =	wrdreg $0xC0  }
0xab: {  	_ =	task [dreg:s6], $0x5FFFF  }
0xac: {  	[dreg:$0x1] =	wrdreg $0xFFFFFFFF  }
0xad: {  	[dreg:$0x0] =	wrdreg $0x60  }
0xae: {  	[dreg:$0x2] =	wrdreg s24  }
0xaf: {  	[dreg:$0x3] =	wrdreg $0x150000  }
0xb0: {  	[dreg:$0x4] =	wrdreg $0x9  }
0xb1: {  	_ =	task.clear_ibuf [dreg:s6], $0x5FFFF;
	_ =	strace $0x9000004C  }
0xb2: {  	s29 =	simm.s32 $0x9;
	_ =	strace $0x8000004E  }
0xb3: {  	_ =	swait.ge [sflag:s29], $0x1  }
0xb4: {  	[sflag:s29] =	ssyncadd.s32 $0xFFFFFFFF  }
0xb5: {  	_ =	strace $0x9000004E  }
0xb6: {  	_ =	sfence  }
0xb7: {  	s30 =	sld [smem:$0x0];
	_ =	sdelay $0x2  }
0xb8: {  	s31 =	sshll.u32 s1, $0xD;
	s1 =	sshrl.u32 s1, $0x2  }
0xb9: {  	s3 =	sand.u32 $0x4000, s31;
	s1 =	sadd.s32 s1, s30  }
0xba: {  	s0 =	sor.u32 s3, s0;
	s1 =	sshll.u32 s1, $0x11  }
0xbb: {  	s0 =	sor.u32 s1, s0  }
0xbc: {  	s0 =	sadd.s32 $0x8F2B, s0  }
0xbd: {  	[sflag:s0] =	ssyncadd.remote.s32 $0x1  }
0xbe: {  	_ =	sfence.sel $0xFFFF  }
0xbf: {  	[dreg:$0x0] =	wrdreg $0xFFFFFFFF;
	(pc) =	sbr.abs _section_cstart, $3  }
0xc0: {  	[dreg:$0x1] =	wrdreg $0xFFFFFFFF  }
0xc1: {  	_ =	task.clear_ibuf [dreg:s6], $0x2FFFF;
	_ =	strace $0x9FFFFFFF  }
0xc2: {  	(tm) =	ssettm $0x7FFFFFFF  }
0xc3: {  	_ =	shalt  }
tec
execute0_lowered:
.L_overlay_start_1:
0x0: {  	(tag) =	ssettag $0x1  }
0x1: {  	s0 =	rddreg [dreg:$0x0]  }
0x2: {  	s2 =	rddreg [dreg:$0x1]  }
0x3: {  	s1 =	srdreg.scid;
	s8 =	stileid.u32  }
0x4: {  	s3 =	simm.s32 $0x0;
	s15 =	simm.s32 $0x5000;
	s16 =	simm.s32 $0x4  }
0x5: {  	s17 =	simm.s32 $0x1;
	s18 =	simm.s32 $0x80;
	s19 =	simm.s32 $0x7000  }
0x6: {  	s21 =	simm.s32 $0x9000;
	s23 =	simm.s32 $0xB000;
	s25 =	simm.s32 $0xD000  }
0x7: {  	s28 =	simm.s32 $0xF000;
	s30 =	simm.s32 $0x11000;
	s14 =	simm.s32 $0x2  }
0x8: {  	s20 =	simm.s32 $0x3;
	s22 =	simm.s32 $0x4F00;
	s24 =	simm.s32 $0x4F80  }
0x9: {  	s26 =	simm.s32 $0x0;
	s1 =	sand.u32 $0x1, s1;
	s7 =	smul.u32 $0x9E00, s8  }
0xa: {  	[smem:$0x7FF] =	sst s3;
	s4 =	sshll.u32 s1, $0x4;
	s6 =	smul.u32 $0x9E000, s1  }
0xb: {  	_ =	strace $0x8000004D;
	s1 =	ssub.s32 $0x2, s1;
	s5 =	sor.u32 s8, s4  }
0xc: {  	s4 =	sadd.s32 $0x47800, s0;
	s8 =	smul.u32 $0x27800, s8;
	s31 =	sshrl.u32 s1, $0x1  }
0xd: {  	s5 =	smul.u32 $0x500, s5;
	s6 =	sadd.s32 s7, s6;
	s1 =	ssub.s32 s1, s31  }
0xe: {  	s7 =	sadd.s32 s7, s2;
	s29 =	sshrl.u32 s6, $0x3;
	s8 =	sshrl.u32 s8, $0x2  }
0xf: {  	s13 =	smax.u32 s1, $0x1;
	s9 =	sadd.s32 s5, s0;
	s0 =	sadd.s32 s29, s0  }
0x10: {  	s11 =	sadd.s32 s8, s2;
	s5 =	sadd.s32 $0x16000, s9;
	s6 =	sadd.s32 $0x2200, s9  }
0x11: {  	s8 =	sadd.s32 $0x2000, s11;
	s9 =	sadd.s32 $0x4000, s11;
	s10 =	sadd.s32 $0x6000, s11  }
0x12: {  	v0 =	vimm.f32 $0.0e+00;
	s11 =	sadd.s32 $0x8000, s11;
	s12 =	sadd.s32 $0x5B400, s0;
	s0 =	simm.s32 $0x13000  }
.LBB2_1:
0x13: {  	[tilespmem:s3], [sflag:$0x1] =	stream.linear.gather [hbm4b:s5+s3], $0x2800, $0x38;
	[tilespmem:$0x1EE00] =	vst v63  }
0x14: {  	s1 =	simm.s32 $0x2800  }
0x15: {  	[tilespmem:s1], [sflag:$0x1] =	stream.linear.gather [hbm4b:s6+s3], $0x2800, $0x38;
	[tilespmem:$0x1EE00] =	vst v63  }
0x16: {  	s29 =	simm.s32 $0x100;
	s1 =	simm.s32 $0x0  }
.LBB2_2:
0x17: {  	p0 =	sne.s32 s29, $0x7F00;
	[tilespmem:s1+$0x5030] =	vst v0;
	s31 =	smov.u32 s29;
	s29 =	sadd.s32 $0x100, s29  }
.Ltmp0:
0x18: {  	[tilespmem:s1+$0x5020] =	vst v0;
	(pc) =	sbr.rel @p0 .LBB2_2-.Ltmp0, $3  }
0x19: {  	[tilespmem:s1+$0x5000] =	vst v0  }
0x1a: {  	[tilespmem:s1+$0x5010] =	vst v0;
	_ =	sdelay $0x1  }
0x1b: {  	s1 =	sshra.s32 s31, $0x2  }
0x1c: {  	[tilespmem:s1+$0x5030] =	vst v0  }
0x1d: {  	[tilespmem:s1+$0x5020] =	vst v0  }
0x1e: {  	[tilespmem:s1+$0x5000] =	vst v0  }
0x1f: {  	[tilespmem:s1+$0x5010] =	vst v0  }
0x20: {  	[spmem:s7] =	stream.linear.scatter [tilespmem:s15], [sflag:$0x4], $0x2000, $0x38;
	[tilespmem:$0x1EE00] =	vst v63  }
0x21: {  	_ =	swait.ge [sflag:s16], $0x2000  }
0x22: {  	[sflag:s16] =	ssyncset.done $0x0  }
0x23: {  	[sflag:s16] =	ssyncadd.s32 $0xFFFFE000  }
0x24: {  	[spmem:s8] =	stream.linear.scatter [tilespmem:s15], [sflag:$0x4], $0x2000, $0x38;
	[tilespmem:$0x1EE00] =	vst v63  }
0x25: {  	_ =	swait.ge [sflag:s16], $0x2000  }
0x26: {  	[sflag:s16] =	ssyncset.done $0x0  }
0x27: {  	[sflag:s16] =	ssyncadd.s32 $0xFFFFE000  }
0x28: {  	[spmem:s9] =	stream.linear.scatter [tilespmem:s15], [sflag:$0x4], $0x2000, $0x38;
	[tilespmem:$0x1EE00] =	vst v63  }
0x29: {  	_ =	swait.ge [sflag:s16], $0x2000  }
0x2a: {  	[sflag:s16] =	ssyncset.done $0x0  }
0x2b: {  	[sflag:s16] =	ssyncadd.s32 $0xFFFFE000  }
0x2c: {  	[spmem:s10] =	stream.linear.scatter [tilespmem:s15], [sflag:$0x4], $0x2000, $0x38;
	[tilespmem:$0x1EE00] =	vst v63  }
0x2d: {  	_ =	swait.ge [sflag:s16], $0x2000  }
0x2e: {  	[sflag:s16] =	ssyncset.done $0x0  }
0x2f: {  	[sflag:s16] =	ssyncadd.s32 $0xFFFFE000  }
0x30: {  	[spmem:s11] =	stream.linear.scatter [tilespmem:s15], [sflag:$0x4], $0x1E00, $0x38;
	[tilespmem:$0x1EE00] =	vst v63  }
0x31: {  	_ =	swait.ge [sflag:s16], $0x1E00  }
0x32: {  	[sflag:s16] =	ssyncset.done $0x0  }
0x33: {  	[sflag:s16] =	ssyncadd.s32 $0xFFFFE200  }
0x34: {  	_ =	swait.ge [sflag:s17], $0x2800  }
0x35: {  	[sflag:s17] =	ssyncset.done $0x0  }
0x36: {  	[sflag:s17] =	ssyncadd.s32 $0xFFFFD800  }
0x37: {  	_ =	swait.ge [sflag:s17], $0x2800  }
0x38: {  	[sflag:s17] =	ssyncset.done $0x0  }
0x39: {  	[sflag:s17] =	ssyncadd.s32 $0xFFFFD800  }
0x3a: {  	s31 =	simm.s32 $0x0;
	[bflag:$0x0] =	sbarrier.arrive $0xFFFF  }
0x3b: {  	[tilespmem:s15], [sflag:$0x2] =	stream.indirect.gather [hbm4b:s4+s18], $0x40, s31, s18, $0xb8;
	[tilespmem:$0x1EE00] =	vst v63  }
0x3c: {  	_ = 	snop  }
0x3d: {  	[tilespmem:s19], [sflag:$0x2] =	stream.indirect.gather [hbm4b:s4+s18], $0x40, s18, s18, $0xb8;
	[tilespmem:$0x1EE00] =	vst v63  }
0x3e: {  	s31 =	simm.s32 $0x100  }
0x3f: {  	[tilespmem:s21], [sflag:$0x2] =	stream.indirect.gather [hbm4b:s4+s18], $0x40, s31, s18, $0xb8;
	[tilespmem:$0x1EE00] =	vst v63  }
0x40: {  	s31 =	simm.s32 $0x180  }
0x41: {  	[tilespmem:s23], [sflag:$0x2] =	stream.indirect.gather [hbm4b:s4+s18], $0x40, s31, s18, $0xb8;
	[tilespmem:$0x1EE00] =	vst v63  }
0x42: {  	s31 =	simm.s32 $0x200  }
0x43: {  	[tilespmem:s25], [sflag:$0x3] =	stream.indirect.gather [hbm4b:s4+s18], $0x40, s31, s18, $0xb8;
	[tilespmem:$0x1EE00] =	vst v63  }
0x44: {  	s31 =	simm.s32 $0x280  }
0x45: {  	[tilespmem:s28], [sflag:$0x3] =	stream.indirect.gather [hbm4b:s4+s18], $0x40, s31, s18, $0xb8;
	[tilespmem:$0x1EE00] =	vst v63  }
0x46: {  	s31 =	simm.s32 $0x300  }
0x47: {  	[tilespmem:s30], [sflag:$0x3] =	stream.indirect.gather [hbm4b:s4+s18], $0x40, s31, s18, $0xb8;
	[tilespmem:$0x1EE00] =	vst v63  }
0x48: {  	s31 =	simm.s32 $0x380  }
0x49: {  	[tilespmem:s0], [sflag:$0x3] =	stream.indirect.gather [hbm4b:s4+s18], $0x40, s31, s18, $0xb8;
	[tilespmem:$0x1EE00] =	vst v63  }
0x4a: {  	_ =	swait.ge [sflag:s14], $0x2000  }
0x4b: {  	[sflag:s14] =	ssyncset.done $0x0  }
0x4c: {  	[sflag:s14] =	ssyncadd.s32 $0xFFFFE000  }
0x4d: {  	_ =	swait.ge [sflag:s14], $0x2000  }
0x4e: {  	[sflag:s14] =	ssyncset.done $0x0  }
0x4f: {  	[sflag:s14] =	ssyncadd.s32 $0xFFFFE000  }
0x50: {  	_ =	swait.ge [sflag:s14], $0x2000  }
0x51: {  	[sflag:s14] =	ssyncset.done $0x0  }
0x52: {  	[sflag:s14] =	ssyncadd.s32 $0xFFFFE000  }
0x53: {  	_ =	swait.ge [sflag:s14], $0x2000  }
0x54: {  	[sflag:s14] =	ssyncset.done $0x0  }
0x55: {  	s31 =	simm.s32 $0x2800;
	[sflag:s14] =	ssyncadd.s32 $0xFFFFE000  }
0x56: {  	[spmem:s2] =	stream.indirect.scatter.add.f32 [tilespmem:s15], [sflag:$0x4], $0x40, s31, s18, $0xb8;
	[tilespmem:$0x1EE00] =	vst v63  }
0x57: {  	_ =	swait.ge [sflag:s16], $0x2000  }
0x58: {  	[sflag:s16] =	ssyncset.done $0x0  }
0x59: {  	s31 =	simm.s32 $0x2880;
	[sflag:s16] =	ssyncadd.s32 $0xFFFFE000  }
0x5a: {  	[spmem:s2] =	stream.indirect.scatter.add.f32 [tilespmem:s19], [sflag:$0x4], $0x40, s31, s18, $0xb8;
	[tilespmem:$0x1EE00] =	vst v63  }
0x5b: {  	_ =	swait.ge [sflag:s16], $0x2000  }
0x5c: {  	[sflag:s16] =	ssyncset.done $0x0  }
0x5d: {  	s31 =	simm.s32 $0x2900;
	[sflag:s16] =	ssyncadd.s32 $0xFFFFE000  }
0x5e: {  	[spmem:s2] =	stream.indirect.scatter.add.f32 [tilespmem:s21], [sflag:$0x4], $0x40, s31, s18, $0xb8;
	[tilespmem:$0x1EE00] =	vst v63  }
0x5f: {  	_ =	swait.ge [sflag:s16], $0x2000  }
0x60: {  	[sflag:s16] =	ssyncset.done $0x0  }
0x61: {  	s31 =	simm.s32 $0x2980;
	[sflag:s16] =	ssyncadd.s32 $0xFFFFE000  }
0x62: {  	[spmem:s2] =	stream.indirect.scatter.add.f32 [tilespmem:s23], [sflag:$0x4], $0x40, s31, s18, $0xb8;
	[tilespmem:$0x1EE00] =	vst v63  }
0x63: {  	_ =	swait.ge [sflag:s16], $0x2000  }
0x64: {  	[sflag:s16] =	ssyncset.done $0x0  }
0x65: {  	s31 =	simm.s32 $0x400;
	[sflag:s16] =	ssyncadd.s32 $0xFFFFE000  }
0x66: {  	[tilespmem:s15], [sflag:$0x2] =	stream.indirect.gather [hbm4b:s4+s18], $0x40, s31, s18, $0xb8;
	[tilespmem:$0x1EE00] =	vst v63  }
0x67: {  	s31 =	simm.s32 $0x480  }
0x68: {  	[tilespmem:s19], [sflag:$0x2] =	stream.indirect.gather [hbm4b:s4+s18], $0x40, s31, s18, $0xb8;
	[tilespmem:$0x1EE00] =	vst v63  }
0x69: {  	s31 =	simm.s32 $0x500  }
0x6a: {  	[tilespmem:s21], [sflag:$0x2] =	stream.indirect.gather [hbm4b:s4+s18], $0x40, s31, s18, $0xb8;
	[tilespmem:$0x1EE00] =	vst v63  }
0x6b: {  	s31 =	simm.s32 $0x580  }
0x6c: {  	[tilespmem:s23], [sflag:$0x2] =	stream.indirect.gather [hbm4b:s4+s18], $0x40, s31, s18, $0xb8;
	[tilespmem:$0x1EE00] =	vst v63  }
0x6d: {  	_ =	swait.ge [sflag:s20], $0x2000  }
0x6e: {  	[sflag:s20] =	ssyncset.done $0x0  }
0x6f: {  	[sflag:s20] =	ssyncadd.s32 $0xFFFFE000  }
0x70: {  	_ =	swait.ge [sflag:s20], $0x2000  }
0x71: {  	[sflag:s20] =	ssyncset.done $0x0  }
0x72: {  	[sflag:s20] =	ssyncadd.s32 $0xFFFFE000  }
0x73: {  	_ =	swait.ge [sflag:s20], $0x2000  }
0x74: {  	[sflag:s20] =	ssyncset.done $0x0  }
0x75: {  	[sflag:s20] =	ssyncadd.s32 $0xFFFFE000  }
0x76: {  	_ =	swait.ge [sflag:s20], $0x2000  }
0x77: {  	[sflag:s20] =	ssyncset.done $0x0  }
0x78: {  	s31 =	simm.s32 $0x2A00;
	[sflag:s20] =	ssyncadd.s32 $0xFFFFE000  }
0x79: {  	[spmem:s2] =	stream.indirect.scatter.add.f32 [tilespmem:s25], [sflag:$0x4], $0x40, s31, s18, $0xb8;
	[tilespmem:$0x1EE00] =	vst v63  }
0x7a: {  	_ =	swait.ge [sflag:s16], $0x2000  }
0x7b: {  	[sflag:s16] =	ssyncset.done $0x0  }
0x7c: {  	s31 =	simm.s32 $0x2A80;
	[sflag:s16] =	ssyncadd.s32 $0xFFFFE000  }
0x7d: {  	[spmem:s2] =	stream.indirect.scatter.add.f32 [tilespmem:s28], [sflag:$0x4], $0x40, s31, s18, $0xb8;
	[tilespmem:$0x1EE00] =	vst v63  }
0x7e: {  	_ =	swait.ge [sflag:s16], $0x2000  }
0x7f: {  	[sflag:s16] =	ssyncset.done $0x0  }
0x80: {  	s31 =	simm.s32 $0x2B00;
	[sflag:s16] =	ssyncadd.s32 $0xFFFFE000  }
0x81: {  	[spmem:s2] =	stream.indirect.scatter.add.f32 [tilespmem:s30], [sflag:$0x4], $0x40, s31, s18, $0xb8;
	[tilespmem:$0x1EE00] =	vst v63  }
0x82: {  	_ =	swait.ge [sflag:s16], $0x2000  }
0x83: {  	[sflag:s16] =	ssyncset.done $0x0  }
0x84: {  	s31 =	simm.s32 $0x2B80;
	[sflag:s16] =	ssyncadd.s32 $0xFFFFE000  }
0x85: {  	[spmem:s2] =	stream.indirect.scatter.add.f32 [tilespmem:s0], [sflag:$0x4], $0x40, s31, s18, $0xb8;
	[tilespmem:$0x1EE00] =	vst v63  }
0x86: {  	_ =	swait.ge [sflag:s16], $0x2000  }
0x87: {  	[sflag:s16] =	ssyncset.done $0x0  }
0x88: {  	s31 =	simm.s32 $0x600;
	[sflag:s16] =	ssyncadd.s32 $0xFFFFE000  }
0x89: {  	[tilespmem:s25], [sflag:$0x3] =	stream.indirect.gather [hbm4b:s4+s18], $0x40, s31, s18, $0xb8;
	[tilespmem:$0x1EE00] =	vst v63  }
0x8a: {  	s31 =	simm.s32 $0x680  }
0x8b: {  	[tilespmem:s28], [sflag:$0x3] =	stream.indirect.gather [hbm4b:s4+s18], $0x40, s31, s18, $0xb8;
	[tilespmem:$0x1EE00] =	vst v63  }
0x8c: {  	s29 =	simm.s32 $0x1000;
	s1 =	simm.s32 $0x780;
	s31 =	simm.s32 $0x700  }
0x8d: {  	[tilespmem:s30], [sflag:$0x3] =	stream.indirect.gather [hbm4b:s4+s18], $0x40, s31, s18, $0xb8;
	[tilespmem:$0x1EE00] =	vst v63  }
.LBB2_4:
0x8e: {  	[tilespmem:s0], [sflag:$0x3] =	stream.indirect.gather [hbm4b:s4+s18], $0x40, s1, s18, $0xb8;
	[tilespmem:$0x1EE00] =	vst v63  }
0x8f: {  	s1 =	smov.u32 s29  }
0x90: {  	p0 =	sne.s32 s29, $0x8000;
	s29 =	sadd.s32 $0x1000, s29;
	_ =	swait.ge [sflag:s14], $0x2000  }
0x91: {  	[sflag:s14] =	ssyncset.done $0x0  }
0x92: {  	[sflag:s14] =	ssyncadd.s32 $0xFFFFE000  }
0x93: {  	_ =	swait.ge [sflag:s14], $0x2000  }
0x94: {  	[sflag:s14] =	ssyncset.done $0x0  }
0x95: {  	[sflag:s14] =	ssyncadd.s32 $0xFFFFE000  }
0x96: {  	_ =	swait.ge [sflag:s14], $0x2000  }
0x97: {  	[sflag:s14] =	ssyncset.done $0x0  }
0x98: {  	[sflag:s14] =	ssyncadd.s32 $0xFFFFE000  }
0x99: {  	_ =	swait.ge [sflag:s14], $0x2000  }
0x9a: {  	s1 =	sshra.s32 s1, $0x2;
	[sflag:s14] =	ssyncset.done $0x0  }
0x9b: {  	s31 =	sadd.s32 $0x2800, s1;
	[sflag:s14] =	ssyncadd.s32 $0xFFFFE000  }
0x9c: {  	[spmem:s2] =	stream.indirect.scatter.add.f32 [tilespmem:s15], [sflag:$0x4], $0x40, s31, s18, $0xb8;
	[tilespmem:$0x1EE00] =	vst v63  }
0x9d: {  	_ =	swait.ge [sflag:s16], $0x2000  }
0x9e: {  	[sflag:s16] =	ssyncset.done $0x0  }
0x9f: {  	s31 =	sadd.s32 $0x2880, s1;
	[sflag:s16] =	ssyncadd.s32 $0xFFFFE000  }
0xa0: {  	[spmem:s2] =	stream.indirect.scatter.add.f32 [tilespmem:s19], [sflag:$0x4], $0x40, s31, s18, $0xb8;
	[tilespmem:$0x1EE00] =	vst v63  }
0xa1: {  	_ =	swait.ge [sflag:s16], $0x2000  }
0xa2: {  	[sflag:s16] =	ssyncset.done $0x0  }
0xa3: {  	s31 =	sadd.s32 $0x2900, s1;
	[sflag:s16] =	ssyncadd.s32 $0xFFFFE000  }
0xa4: {  	[spmem:s2] =	stream.indirect.scatter.add.f32 [tilespmem:s21], [sflag:$0x4], $0x40, s31, s18, $0xb8;
	[tilespmem:$0x1EE00] =	vst v63  }
0xa5: {  	_ =	swait.ge [sflag:s16], $0x2000  }
0xa6: {  	[sflag:s16] =	ssyncset.done $0x0  }
0xa7: {  	s31 =	sadd.s32 $0x2980, s1;
	[sflag:s16] =	ssyncadd.s32 $0xFFFFE000  }
0xa8: {  	[spmem:s2] =	stream.indirect.scatter.add.f32 [tilespmem:s23], [sflag:$0x4], $0x40, s31, s18, $0xb8;
	[tilespmem:$0x1EE00] =	vst v63  }
0xa9: {  	_ =	swait.ge [sflag:s16], $0x2000  }
0xaa: {  	[sflag:s16] =	ssyncset.done $0x0  }
0xab: {  	s31 =	sadd.s32 $0x400, s1;
	[sflag:s16] =	ssyncadd.s32 $0xFFFFE000  }
0xac: {  	[tilespmem:s15], [sflag:$0x2] =	stream.indirect.gather [hbm4b:s4+s18], $0x40, s31, s18, $0xb8;
	[tilespmem:$0x1EE00] =	vst v63  }
0xad: {  	s31 =	sadd.s32 $0x480, s1  }
0xae: {  	[tilespmem:s19], [sflag:$0x2] =	stream.indirect.gather [hbm4b:s4+s18], $0x40, s31, s18, $0xb8;
	[tilespmem:$0x1EE00] =	vst v63  }
0xaf: {  	s31 =	sadd.s32 $0x500, s1  }
0xb0: {  	[tilespmem:s21], [sflag:$0x2] =	stream.indirect.gather [hbm4b:s4+s18], $0x40, s31, s18, $0xb8;
	[tilespmem:$0x1EE00] =	vst v63  }
0xb1: {  	s31 =	sadd.s32 $0x580, s1  }
0xb2: {  	[tilespmem:s23], [sflag:$0x2] =	stream.indirect.gather [hbm4b:s4+s18], $0x40, s31, s18, $0xb8;
	[tilespmem:$0x1EE00] =	vst v63  }
0xb3: {  	_ =	swait.ge [sflag:s20], $0x2000  }
0xb4: {  	[sflag:s20] =	ssyncset.done $0x0  }
0xb5: {  	[sflag:s20] =	ssyncadd.s32 $0xFFFFE000  }
0xb6: {  	_ =	swait.ge [sflag:s20], $0x2000  }
0xb7: {  	[sflag:s20] =	ssyncset.done $0x0  }
0xb8: {  	[sflag:s20] =	ssyncadd.s32 $0xFFFFE000  }
0xb9: {  	_ =	swait.ge [sflag:s20], $0x2000  }
0xba: {  	[sflag:s20] =	ssyncset.done $0x0  }
0xbb: {  	[sflag:s20] =	ssyncadd.s32 $0xFFFFE000  }
0xbc: {  	_ =	swait.ge [sflag:s20], $0x2000  }
0xbd: {  	[sflag:s20] =	ssyncset.done $0x0  }
0xbe: {  	s31 =	sadd.s32 $0x2A00, s1;
	[sflag:s20] =	ssyncadd.s32 $0xFFFFE000  }
0xbf: {  	[spmem:s2] =	stream.indirect.scatter.add.f32 [tilespmem:s25], [sflag:$0x4], $0x40, s31, s18, $0xb8;
	[tilespmem:$0x1EE00] =	vst v63  }
0xc0: {  	_ =	swait.ge [sflag:s16], $0x2000  }
0xc1: {  	[sflag:s16] =	ssyncset.done $0x0  }
0xc2: {  	s31 =	sadd.s32 $0x2A80, s1;
	[sflag:s16] =	ssyncadd.s32 $0xFFFFE000  }
0xc3: {  	[spmem:s2] =	stream.indirect.scatter.add.f32 [tilespmem:s28], [sflag:$0x4], $0x40, s31, s18, $0xb8;
	[tilespmem:$0x1EE00] =	vst v63  }
0xc4: {  	_ =	swait.ge [sflag:s16], $0x2000  }
0xc5: {  	[sflag:s16] =	ssyncset.done $0x0  }
0xc6: {  	s31 =	sadd.s32 $0x2B00, s1;
	[sflag:s16] =	ssyncadd.s32 $0xFFFFE000  }
0xc7: {  	[spmem:s2] =	stream.indirect.scatter.add.f32 [tilespmem:s30], [sflag:$0x4], $0x40, s31, s18, $0xb8;
	[tilespmem:$0x1EE00] =	vst v63  }
0xc8: {  	_ =	swait.ge [sflag:s16], $0x2000  }
0xc9: {  	[sflag:s16] =	ssyncset.done $0x0  }
0xca: {  	s31 =	sadd.s32 $0x2B80, s1;
	[sflag:s16] =	ssyncadd.s32 $0xFFFFE000  }
0xcb: {  	[spmem:s2] =	stream.indirect.scatter.add.f32 [tilespmem:s0], [sflag:$0x4], $0x40, s31, s18, $0xb8;
	[tilespmem:$0x1EE00] =	vst v63  }
0xcc: {  	_ =	swait.ge [sflag:s16], $0x2000  }
0xcd: {  	[sflag:s16] =	ssyncset.done $0x0  }
0xce: {  	s31 =	sadd.s32 $0x600, s1;
	[sflag:s16] =	ssyncadd.s32 $0xFFFFE000  }
0xcf: {  	[tilespmem:s25], [sflag:$0x3] =	stream.indirect.gather [hbm4b:s4+s18], $0x40, s31, s18, $0xb8;
	[tilespmem:$0x1EE00] =	vst v63  }
.Ltmp1:
0xd0: {  	s31 =	sadd.s32 $0x680, s1;
	(pc) =	sbr.rel @p0 .LBB2_4-.Ltmp1, $4  }
0xd1: {  	[tilespmem:s28], [sflag:$0x3] =	stream.indirect.gather [hbm4b:s4+s18], $0x40, s31, s18, $0xb8;
	[tilespmem:$0x1EE00] =	vst v63  }
0xd2: {  	s31 =	sadd.s32 $0x700, s1  }
0xd3: {  	[tilespmem:s30], [sflag:$0x3] =	stream.indirect.gather [hbm4b:s4+s18], $0x40, s31, s18, $0xb8;
	[tilespmem:$0x1EE00] =	vst v63  }
0xd4: {  	s1 =	sadd.s32 $0x780, s1  }
0xd5: {  	[tilespmem:s0], [sflag:$0x3] =	stream.indirect.gather [hbm4b:s4+s18], $0x40, s1, s18, $0xb8;
	[tilespmem:$0x1EE00] =	vst v63  }
0xd6: {  	_ =	swait.ge [sflag:s14], $0x2000  }
0xd7: {  	[sflag:s14] =	ssyncset.done $0x0  }
0xd8: {  	[sflag:s14] =	ssyncadd.s32 $0xFFFFE000  }
0xd9: {  	_ =	swait.ge [sflag:s14], $0x2000  }
0xda: {  	[sflag:s14] =	ssyncset.done $0x0  }
0xdb: {  	[sflag:s14] =	ssyncadd.s32 $0xFFFFE000  }
0xdc: {  	_ =	swait.ge [sflag:s14], $0x2000  }
0xdd: {  	[sflag:s14] =	ssyncset.done $0x0  }
0xde: {  	[sflag:s14] =	ssyncadd.s32 $0xFFFFE000  }
0xdf: {  	_ =	swait.ge [sflag:s14], $0x2000  }
0xe0: {  	[sflag:s14] =	ssyncset.done $0x0  }
0xe1: {  	s31 =	simm.s32 $0x4C00;
	[sflag:s14] =	ssyncadd.s32 $0xFFFFE000  }
0xe2: {  	[spmem:s2] =	stream.indirect.scatter.add.f32 [tilespmem:s15], [sflag:$0x4], $0x40, s31, s18, $0xb8;
	[tilespmem:$0x1EE00] =	vst v63  }
0xe3: {  	_ =	swait.ge [sflag:s16], $0x2000  }
0xe4: {  	[sflag:s16] =	ssyncset.done $0x0  }
0xe5: {  	s29 =	simm.s32 $0x4C80;
	[sflag:s16] =	ssyncadd.s32 $0xFFFFE000  }
0xe6: {  	[spmem:s2] =	stream.indirect.scatter.add.f32 [tilespmem:s19], [sflag:$0x4], $0x40, s29, s18, $0xb8;
	[tilespmem:$0x1EE00] =	vst v63  }
0xe7: {  	_ =	swait.ge [sflag:s16], $0x2000  }
0xe8: {  	[sflag:s16] =	ssyncset.done $0x0  }
0xe9: {  	s31 =	simm.s32 $0x4D00;
	[sflag:s16] =	ssyncadd.s32 $0xFFFFE000  }
0xea: {  	[spmem:s2] =	stream.indirect.scatter.add.f32 [tilespmem:s21], [sflag:$0x4], $0x40, s31, s18, $0xb8;
	[tilespmem:$0x1EE00] =	vst v63  }
0xeb: {  	_ =	swait.ge [sflag:s16], $0x2000  }
0xec: {  	[sflag:s16] =	ssyncset.done $0x0  }
0xed: {  	s29 =	simm.s32 $0x4D80;
	[sflag:s16] =	ssyncadd.s32 $0xFFFFE000  }
0xee: {  	[spmem:s2] =	stream.indirect.scatter.add.f32 [tilespmem:s23], [sflag:$0x4], $0x40, s29, s18, $0xb8;
	[tilespmem:$0x1EE00] =	vst v63  }
0xef: {  	_ =	swait.ge [sflag:s16], $0x2000  }
0xf0: {  	[sflag:s16] =	ssyncset.done $0x0  }
0xf1: {  	[sflag:s16] =	ssyncadd.s32 $0xFFFFE000  }
0xf2: {  	_ =	swait.ge [sflag:s20], $0x2000  }
0xf3: {  	[sflag:s20] =	ssyncset.done $0x0  }
0xf4: {  	[sflag:s20] =	ssyncadd.s32 $0xFFFFE000  }
0xf5: {  	_ =	swait.ge [sflag:s20], $0x2000  }
0xf6: {  	[sflag:s20] =	ssyncset.done $0x0  }
0xf7: {  	[sflag:s20] =	ssyncadd.s32 $0xFFFFE000  }
0xf8: {  	_ =	swait.ge [sflag:s20], $0x2000  }
0xf9: {  	[sflag:s20] =	ssyncset.done $0x0  }
0xfa: {  	[sflag:s20] =	ssyncadd.s32 $0xFFFFE000  }
0xfb: {  	_ =	swait.ge [sflag:s20], $0x2000  }
0xfc: {  	[sflag:s20] =	ssyncset.done $0x0  }
0xfd: {  	s31 =	simm.s32 $0x4E00;
	[sflag:s20] =	ssyncadd.s32 $0xFFFFE000  }
0xfe: {  	[spmem:s2] =	stream.indirect.scatter.add.f32 [tilespmem:s25], [sflag:$0x4], $0x40, s31, s18, $0xb8;
	[tilespmem:$0x1EE00] =	vst v63  }
0xff: {  	_ =	swait.ge [sflag:s16], $0x2000  }
0x100: {  	[sflag:s16] =	ssyncset.done $0x0  }
0x101: {  	s29 =	simm.s32 $0x4E80;
	[sflag:s16] =	ssyncadd.s32 $0xFFFFE000  }
0x102: {  	[spmem:s2] =	stream.indirect.scatter.add.f32 [tilespmem:s28], [sflag:$0x4], $0x40, s29, s18, $0xb8;
	[tilespmem:$0x1EE00] =	vst v63  }
0x103: {  	_ =	swait.ge [sflag:s16], $0x2000  }
0x104: {  	[sflag:s16] =	ssyncset.done $0x0  }
0x105: {  	[sflag:s16] =	ssyncadd.s32 $0xFFFFE000  }
0x106: {  	[spmem:s2] =	stream.indirect.scatter.add.f32 [tilespmem:s30], [sflag:$0x4], $0x40, s22, s18, $0xb8;
	[tilespmem:$0x1EE00] =	vst v63  }
0x107: {  	_ =	swait.ge [sflag:s16], $0x2000  }
0x108: {  	[sflag:s16] =	ssyncset.done $0x0  }
0x109: {  	[sflag:s16] =	ssyncadd.s32 $0xFFFFE000  }
0x10a: {  	[spmem:s2] =	stream.indirect.scatter.add.f32 [tilespmem:s0], [sflag:$0x4], $0x40, s24, s18, $0xb8;
	[tilespmem:$0x1EE00] =	vst v63  }
0x10b: {  	s31 =	stileid.u32;
	_ =	swait.ge [sflag:s16], $0x2000  }
0x10c: {  	s26 =	sadd.s32 $0x1, s26;
	s1 =	sshll.u32 s31, $0x6;
	[sflag:s16] =	ssyncset.done $0x0  }
0x10d: {  	p0 =	sne.s32 s26, s13;
	s1 =	sor.u32 $0x1C04, s1;
	[sflag:s16] =	ssyncadd.s32 $0xFFFFE000  }
.Ltmp2:
0x10e: {  	s29 =	sshrl.u32 s7, $0x3;
	[bflag:$0x0] =	sbarrier.arrive $0xFFFF;
	(pc) =	sbr.rel @p0 .LBB2_1-.Ltmp2, $4  }
0x10f: {  	[hbm:s12], [sflag:s1] =	dma.local [spmem:s29], $0x13C0  }
0x110: {  	_ =	swait.ge [sflag:s16], $0x13C0  }
0x111: {  	[sflag:s16] =	ssyncset.done $0x0  }
0x112: {  	[sflag:s16] =	ssyncadd.s32 $0xFFFFEC40  }
0x113: {  	_ =	sfence.sel $0x180000  }
0x114: {  	[bflag:$0x0] =	sbarrier.arrive $0xFFFF  }
0x115: {  	_ =	strace $0x9000004D  }
0x116: {  	s0 =	stileid.u32;
	[bflag:$0x2] =	sbarrier.arrive $0xFFFF  }
0x117: {  	p0 =	sne.s32 s0, $0x0;
	s0 =	rddreg [dreg:$0x2]  }
0x118: {  	s0 =	sadd.s32 @!p0 $0x100000, s0  }
0x119: {  	[sflag:s0] =	ssyncadd.tile.s32 @!p0 $0x1;
	_ =	shalt  }
.Lfunc_end2:
_tile_overlayer_lowered:
.L_overlay_start_2:
0x11a: {  	(tag) =	ssettag $0x2  }
0x11b: {  	s0 =	rddreg [dreg:$0x0];
	s2 =	stileid.u32  }
0x11c: {  	s1 =	rddreg [dreg:$0x1];
	p0 =	sne.s32 s2, $0x0  }
0x11d: {  	s3 =	rddreg [dreg:$0x2];
	[bflag:$0x3] =	sbarrier.arrive $0xFFFF;
	s2 =	simm.s32 @!p0 $0x1C04  }
0x11e: {  	[timem:s3], [sflag:s2] =	dma.local @!p0 [hbm:s0], s1  }
0x11f: {  	s0 =	simm.s32 @!p0 $0x4  }
0x120: {  	_ =	swait.ge @!p0 [sflag:s0], s1  }
0x121: {  	s1 =	ssub.s32 @!p0 $0x0, s1;
	[sflag:s0] =	ssyncset.done @!p0 $0x0  }
0x122: {  	[sflag:s0] =	ssyncadd.s32 @!p0 s1  }
0x123: {  	[bflag:$0x3] =	sbarrier.arrive $0xFFFF  }
0x124: {  	_ =	shalt  }

// kernel: kernel.8.cloned.1.call-start
scs
__scs_entry_jumppad:
0x0: {  	(pc) =	sbr.rel $0x88, $3  }
0x1: {  	(tag) =	ssettag $0x0;
	lr =	simm.s32 $0x1  }
0x2: {  	[smem:$0x3F98] =	sst lr;
	_ =	strace $0xD0000000  }
0x3: {  	_ = 	snop  }
0x4: {  	_ = 	snop  }
0x5: {  	_ = 	snop  }
0x6: {  	_ = 	snop  }
0x7: {  	_ = 	snop  }
__scs_overlays_trampoline_lowered:
0x8: {  	[smem:$0x3FA7] =	sst s0  }
0x9: {  	[smem:$0x3FA8] =	sst s1  }
0xa: {  	[smem:$0x3FA9] =	sst s2  }
0xb: {  	[smem:$0x3FAA] =	sst s3  }
0xc: {  	[smem:$0x3FAB] =	sst s4  }
0xd: {  	[smem:$0x3FAC] =	sst s5  }
0xe: {  	[smem:$0x3FAD] =	sst s6  }
0xf: {  	[smem:$0x3FAE] =	sst s7  }
0x10: {  	[smem:$0x3FAF] =	sst s8  }
0x11: {  	[smem:$0x3FB0] =	sst s9;
	s0 =	simm.s32 @!p0 $0x0  }
0x12: {  	s1 =	sld [smem:$0x3F96];
	s0 =	simm.s32 @p0 $0x1  }
0x13: {  	[smem:$0x3FB1] =	sst s0;
	s0 =	simm.s32 @!p1 $0x0  }
0x14: {  	s2 =	sld [smem:$0x3F95];
	s0 =	simm.s32 @p1 $0x1  }
0x15: {  	[smem:$0x3FB2] =	sst s0;
	s0 =	simm.s32 @!p2 $0x0  }
0x16: {  	s3 =	sld [smem:$0x3FDB];
	s0 =	simm.s32 @p2 $0x1  }
0x17: {  	s4 =	simm.s32 $0x1BF5;
	[smem:$0x3FB4] =	sst s0  }
0x18: {  	s0 =	sld [smem:$0x3F97];
	_ =	swait.ge [sflag:s4], $0x0  }
0x19: {  	s7 =	sld [smem:$0x3F98]  }
0x1a: {  	s8 =	sadd.s32 $0xFFFFE003, lr  }
0x1b: {  	s9 =	sadd.s32 $0xFFFFFEF7, lr;
	s5 =	simm.s32 $0xFFFFFFFF;
	p2 =	slt.u32 s8, $0xFFFFF086  }
0x1c: {  	p1 =	slt.u32 s9, $0xF7A;
	s5 =	simm.s32 @!p2 $0x0  }
0x1d: {  	s5 =	simm.s32 @p1 $0x1;
	p0 =	seq.s32 s7, s2  }
0x1e: {  	s7 =	smul.u32 @!p0 $0xF7A, s2;
	p2 =	seq.s32 @!p0 s5, $0x0  }
0x1f: {  	s9 =	smul.u32 $0xF7A, s1;
	s8 =	simm.s32 @!p0 $0x1BF5;
	p2 =	por !p2, p0  }
0x20: {  	[sflag:s8] =	ssyncset.s32 @!p0 $0xFFFFF086;
	s6 =	sadd.s32 @!p0 s3, s7;
	s7 =	simm.s32 @!p0 $0x108  }
0x21: {  	s3 =	sadd.s32 s3, s9;
	s6 =	sadd.s32 @!p0 $0x88, s6;
	s7 =	simm.s32 @p2 $0x1082  }
0x22: {  	[simem:s7], [sflag:s8] =	dma.local @!p0 [hbm:s6], $0xF7A  }
0x23: {  	s9 =	sor.u32 $0xD0000000, s2;
	s6 =	simm.s32 $0x108;
	_ =	swait.ge @!p0 [sflag:s8], $0x0  }
0x24: {  	s3 =	sadd.s32 $0x88, s3;
	s6 =	simm.s32 @!p1 $0x1082;
	[sflag:s4] =	ssyncset.s32 $0xFFFFF086  }
0x25: {  	[simem:s6], [sflag:s4] =	dma.local [hbm:s3], $0xF7A  }
0x26: {  	[smem:$0x3F98] =	sst s1;
	(tag) =	ssettag s2;
	_ =	strace s9  }
0x27: {  	s1 =	sld [smem:$0x3FA8]  }
0x28: {  	s2 =	sld [smem:$0x3FA9]  }
0x29: {  	s4 =	sld [smem:$0x3FAB]  }
0x2a: {  	p0 =	seq.s32 s5, $0x0;
	s5 =	sld [smem:$0x3FAC]  }
0x2b: {  	s6 =	sld [smem:$0x3FAD]  }
0x2c: {  	s7 =	sld [smem:$0x3FAE]  }
0x2d: {  	s3 =	simm.s32 $0x108;
	s8 =	sld [smem:$0x3FAF]  }
0x2e: {  	s3 =	simm.s32 @!p0 $0x1082;
	s9 =	sld [smem:$0x3FB0]  }
0x2f: {  	lr =	sadd.s32 s0, s3;
	s0 =	sld [smem:$0x3FA7]  }
0x30: {  	s3 =	sld [smem:$0x3FAA]  }
0x31: {  	[smem:$0x3FB3] =	sst s10  }
0x32: {  	s10 =	sld [smem:$0x3FB1];
	_ =	sdelay $0x3  }
0x33: {  	p0 =	seq.s32 s10, $0x1;
	s10 =	sld [smem:$0x3FB3];
	_ =	sdelay $0x3  }
0x34: {  	[smem:$0x3FB3] =	sst s10  }
0x35: {  	s10 =	sld [smem:$0x3FB2];
	_ =	sdelay $0x3  }
0x36: {  	p1 =	seq.s32 s10, $0x1;
	s10 =	sld [smem:$0x3FB3];
	_ =	sdelay $0x3  }
0x37: {  	[smem:$0x3FB3] =	sst s10  }
0x38: {  	s10 =	sld [smem:$0x3FB4]  }
0x39: {  	_ = 	snop;
	(pc) =	sbr.ind lr, $3  }
0x3a: {  	_ = 	snop  }
0x3b: {  	_ = 	snop  }
0x3c: {  	p2 =	seq.s32 s10, $0x1;
	s10 =	sld [smem:$0x3FB3]  }
0x3d: {  	_ =	shalt  }
0x3e: {  	_ =	shalt  }
0x3f: {  	_ =	shalt  }
0x40: {  	_ =	shalt  }
0x41: {  	_ =	shalt  }
0x42: {  	_ =	shalt  }
0x43: {  	_ =	shalt  }
0x44: {  	_ =	shalt  }
0x45: {  	_ =	shalt  }
0x46: {  	_ =	shalt  }
0x47: {  	_ =	shalt  }
0x48: {  	_ =	shalt  }
0x49: {  	_ =	shalt  }
0x4a: {  	_ =	shalt  }
0x4b: {  	_ =	shalt  }
0x4c: {  	_ =	shalt  }
0x4d: {  	_ =	shalt  }
0x4e: {  	_ =	shalt  }
0x4f: {  	_ =	shalt  }
0x50: {  	_ =	shalt  }
0x51: {  	_ =	shalt  }
0x52: {  	_ =	shalt  }
0x53: {  	_ =	shalt  }
0x54: {  	_ =	shalt  }
0x55: {  	_ =	shalt  }
0x56: {  	_ =	shalt  }
0x57: {  	_ =	shalt  }
0x58: {  	_ =	shalt  }
0x59: {  	_ =	shalt  }
0x5a: {  	_ =	shalt  }
0x5b: {  	_ =	shalt  }
0x5c: {  	_ =	shalt  }
0x5d: {  	_ =	shalt  }
0x5e: {  	_ =	shalt  }
0x5f: {  	_ =	shalt  }
0x60: {  	_ =	shalt  }
0x61: {  	_ =	shalt  }
0x62: {  	_ =	shalt  }
0x63: {  	_ =	shalt  }
0x64: {  	_ =	shalt  }
0x65: {  	_ =	shalt  }
0x66: {  	_ =	shalt  }
0x67: {  	_ =	shalt  }
0x68: {  	_ =	shalt  }
0x69: {  	_ =	shalt  }
0x6a: {  	_ =	shalt  }
0x6b: {  	_ =	shalt  }
0x6c: {  	_ =	shalt  }
0x6d: {  	_ =	shalt  }
0x6e: {  	_ =	shalt  }
0x6f: {  	_ =	shalt  }
0x70: {  	_ =	shalt  }
0x71: {  	_ =	shalt  }
0x72: {  	_ =	shalt  }
0x73: {  	_ =	shalt  }
0x74: {  	_ =	shalt  }
0x75: {  	_ =	shalt  }
0x76: {  	_ =	shalt  }
0x77: {  	_ =	shalt  }
0x78: {  	_ =	shalt  }
0x79: {  	_ =	shalt  }
0x7a: {  	_ =	shalt  }
0x7b: {  	_ =	shalt  }
0x7c: {  	_ =	shalt  }
0x7d: {  	_ =	shalt  }
0x7e: {  	_ =	shalt  }
0x7f: {  	_ =	shalt  }
0x80: {  	_ =	shalt  }
0x81: {  	_ =	shalt  }
0x82: {  	_ =	shalt  }
0x83: {  	_ =	shalt  }
0x84: {  	_ =	shalt  }
0x85: {  	_ =	shalt  }
0x86: {  	_ =	shalt  }
0x87: {  	_ =	shalt  }
.Lfunc_end0:
.L_simem_size_0:
called_computation_lowered:
.L_overlay_start_0:
0x88: {  	s2 =	sld [smem:$0x3FD9]  }
0x89: {  	s3 =	sld [smem:$0x3FFE];
	_ =	sdelay $0x1  }
0x8a: {  	s1 =	srdreg.scid  }
0x8b: {  	s0 =	sand.u32 $0x1, s1  }
0x8c: {  	s16 =	sshll.u32 s0, $0xA;
	s2 =	sadd.s32 s3, s2  }
0x8d: {  	s2 =	sadd.s32 s2, s16  }
0x8e: {  	[smem:$0x3FBF] =	sst s2  }
0x8f: {  	_ = 	snop  }
0x90: {  	(tm) =	ssettm $0x1  }
0x91: {  	s17 =	sld [smem:$0x3FFB];
	_ =	sdelay $0x3  }
0x92: {  	_ =	strace s17  }
0x93: {  	s2 =	sld [smem:$0x3FFC];
	_ =	sdelay $0x3  }
0x94: {  	_ =	strace s2  }
0x95: {  	s2 =	sld [smem:$0x3FFD];
	_ =	sdelay $0x3  }
0x96: {  	_ =	strace s2  }
0x97: {  	_ =	strace $0x8FFFFFFF  }
0x98: {  	s18 =	sld [smem:$0x3FDB];
	_ =	sdelay $0x1  }
0x99: {  	s19 =	simm.s32 $_scs_section_size  }
0x9a: {  	s4 =	simm.s32 $_size__tile_overlayer_lowered;
	s5 =	simm.s32 $_tile_overlayer_lowered  }
0x9b: {  	s22 =	simm.s32 $0x1BFF;
	s21 =	sshll.u32 s5, $0x1;
	s2 =	sadd.s32 s19, s18  }
0x9c: {  	s6 =	simm.s32 $0x0;
	s20 =	sshll.u32 s4, $0x1;
	s4 =	sadd.s32 s21, s2  }
0x9d: {  	[timem:s6], [sflag:s22] =	dma.local [hbm:s4], s20  }
0x9e: {  	_ =	swait.ge [sflag:s22], s20  }
0x9f: {  	s3 =	ssub.s32 $0x0, s20;
	[sflag:s22] =	ssyncset.done $0x0  }
0xa0: {  	[sflag:s22] =	ssyncadd.s32 s3;
	_ =	sdelay $0x1  }
0xa1: {  	s23 =	simm.s32 $0x1B8B  }
0xa2: {  	_ =	swait.ge [sflag:s23], $0x1  }
0xa3: {  	[sflag:s23] =	ssyncset.done $0x0  }
0xa4: {  	s25 =	simm.s32 $0x1B8E;
	s24 =	sld [smem:$0x3FFE];
	[sflag:s23] =	ssyncadd.s32 $0xFFFFFFFF  }
0xa5: {  	s26 =	simm.s32 $execute0_lowered;
	[smem:$0x3FD2] =	sst s25  }
0xa6: {  	s4 =	sshll.u32 s26, $0x1;
	_ =	strace $0x80000046;
	[dreg:$0x1] =	wrdreg $0xFFFFFFFF  }
0xa7: {  	s28 =	simm.s32 $_size_execute0_lowered;
	s2 =	sadd.s32 s2, s4;
	[dreg:$0x0] =	wrdreg $0x0  }
0xa8: {  	s4 =	sshll.u32 s28, $0x1;
	[dreg:$0x2] =	wrdreg s2  }
0xa9: {  	[dreg:$0x3] =	wrdreg s4  }
0xaa: {  	[dreg:$0x4] =	wrdreg $0xC0  }
0xab: {  	_ =	task [dreg:s6], $0x5FFFF  }
0xac: {  	[dreg:$0x1] =	wrdreg $0xFFFFFFFF  }
0xad: {  	[dreg:$0x0] =	wrdreg $0x60  }
0xae: {  	[dreg:$0x2] =	wrdreg s24  }
0xaf: {  	[dreg:$0x3] =	wrdreg $0x9  }
0xb0: {  	_ =	task.clear_ibuf [dreg:s6], $0x4FFFF;
	_ =	strace $0x90000046  }
0xb1: {  	s29 =	simm.s32 $0x9;
	_ =	strace $0x80000048  }
0xb2: {  	_ =	swait.ge [sflag:s29], $0x1  }
0xb3: {  	[sflag:s29] =	ssyncadd.s32 $0xFFFFFFFF  }
0xb4: {  	_ =	strace $0x90000048  }
0xb5: {  	_ =	sfence  }
0xb6: {  	s30 =	sld [smem:$0x0];
	_ =	sdelay $0x2  }
0xb7: {  	s31 =	sshll.u32 s1, $0xD;
	s1 =	sshrl.u32 s1, $0x2  }
0xb8: {  	s3 =	sand.u32 $0x4000, s31;
	s1 =	sadd.s32 s1, s30  }
0xb9: {  	s0 =	sor.u32 s3, s0;
	s1 =	sshll.u32 s1, $0x11  }
0xba: {  	s0 =	sor.u32 s1, s0  }
0xbb: {  	s0 =	sadd.s32 $0x8F2B, s0  }
0xbc: {  	[sflag:s0] =	ssyncadd.remote.s32 $0x1  }
0xbd: {  	_ =	sfence.sel $0xFFFF  }
0xbe: {  	[dreg:$0x0] =	wrdreg $0xFFFFFFFF;
	(pc) =	sbr.abs _section_cstart, $3  }
0xbf: {  	[dreg:$0x1] =	wrdreg $0xFFFFFFFF  }
0xc0: {  	_ =	task.clear_ibuf [dreg:s6], $0x2FFFF;
	_ =	strace $0x9FFFFFFF  }
0xc1: {  	(tm) =	ssettm $0x7FFFFFFF  }
tec
execute0_lowered:
.L_overlay_start_1:
0x0: {  	(tag) =	ssettag $0x1  }
0x1: {  	s0 =	srdreg.scid  }
0x2: {  	s4 =	rddreg [dreg:$0x0];
	s3 =	sand.u32 $0x1, s0  }
0x3: {  	s2 =	simm.s32 $0x0;
	s0 =	stileid.u32;
	s1 =	sshll.u32 s3, $0x4  }
0x4: {  	s8 =	simm.s32 $0x2;
	s9 =	simm.s32 $0x0;
	s5 =	sor.u32 s0, s1  }
0x5: {  	[smem:$0x7FF] =	sst s2;
	s3 =	ssub.s32 $0x2, s3;
	s6 =	smul.u32 $0x500, s5  }
0x6: {  	s1 =	rddreg [dreg:$0x1];
	s7 =	sshrl.u32 s3, $0x1;
	s5 =	smul.u32 $0x4F0, s5  }
0x7: {  	_ =	strace $0x80000047;
	s31 =	ssub.s32 s3, s7;
	s7 =	simm.s32 $0x2800  }
0x8: {  	s6 =	sadd.s32 s6, s4;
	s4 =	sadd.s32 s5, s4;
	s5 =	smax.u32 s31, $0x1  }
0x9: {  	v0 =	vimm.f32 $0.0e+00;
	v1 =	vimm.f32 $1.000000000e+00;
	s3 =	sadd.s32 $0x2200, s6;
	s4 =	sadd.s32 $0xC200, s4;
	s6 =	simm.s32 $0x1  }
.LBB2_1:
0xa: {  	[tilespmem:s2], [sflag:$0x1] =	stream.linear.gather [hbm4b:s3+s2], $0x2800, $0x38;
	[tilespmem:$0x4F80] =	vst v63  }
0xb: {  	s10 =	simm.s32 $0x40;
	s11 =	simm.s32 $0x0  }
.LBB2_2:
0xc: {  	p0 =	sne.s32 s10, $0x9DC0;
	[tilespmem:s11+$0x2800] =	vst v0;
	s11 =	smov.u32 s10;
	s10 =	sadd.s32 $0x40, s10  }
.Ltmp0:
0xd: {  	(pc) =	sbr.rel @p0 .LBB2_2-.Ltmp0, $2  }
0xe: {  	_ =	sdelay $0x2  }
0xf: {  	s11 =	sshra.s32 s11, $0x2  }
0x10: {  	[tilespmem:s11+$0x2800] =	vst v0  }
0x11: {  	_ =	swait.ge [sflag:s6], $0x2800  }
0x12: {  	[sflag:s6] =	ssyncset.done $0x0  }
0x13: {  	s10 =	simm.s32 $0x0;
	[sflag:s6] =	ssyncadd.s32 $0xFFFFD800  }
.LBB2_4:
0x14: {  	s11 =	sshra.s32 s10, $0x2  }
0x15: {  	v2 =	vld [tilespmem:s11+$0x0];
	_ =	sdelay $0x7  }
0x16: {  	[tilespmem:v2+s7+$0x0] =	vst.idx.add.f32.msk $0xffff, v1  }
0x17: {  	v2 =	vld [tilespmem:s11+$0x10];
	_ =	sdelay $0x7  }
0x18: {  	[tilespmem:v2+s7+$0x0] =	vst.idx.add.f32.msk $0xffff, v1  }
0x19: {  	v2 =	vld [tilespmem:s11+$0x20];
	_ =	sdelay $0x7  }
0x1a: {  	[tilespmem:v2+s7+$0x0] =	vst.idx.add.f32.msk $0xffff, v1  }
0x1b: {  	v2 =	vld [tilespmem:s11+$0x30];
	_ =	sdelay $0x7  }
0x1c: {  	[tilespmem:v2+s7+$0x0] =	vst.idx.add.f32.msk $0xffff, v1  }
0x1d: {  	v2 =	vld [tilespmem:s11+$0x40];
	_ =	sdelay $0x7  }
0x1e: {  	[tilespmem:v2+s7+$0x0] =	vst.idx.add.f32.msk $0xffff, v1  }
0x1f: {  	v2 =	vld [tilespmem:s11+$0x50];
	_ =	sdelay $0x7  }
0x20: {  	[tilespmem:v2+s7+$0x0] =	vst.idx.add.f32.msk $0xffff, v1  }
0x21: {  	v2 =	vld [tilespmem:s11+$0x60];
	_ =	sdelay $0x7  }
0x22: {  	[tilespmem:v2+s7+$0x0] =	vst.idx.add.f32.msk $0xffff, v1  }
0x23: {  	v2 =	vld [tilespmem:s11+$0x70];
	_ =	sdelay $0x2  }
0x24: {  	p0 =	sne.s32 s10, $0x9E00  }
.Ltmp1:
0x25: {  	_ = 	snop;
	(pc) =	sbr.rel @p0 .LBB2_4-.Ltmp1, $2  }
0x26: {  	_ =	sdelay $0x2  }
0x27: {  	s10 =	sadd.s32 $0x200, s10;
	[tilespmem:v2+s7+$0x0] =	vst.idx.add.f32.msk $0xffff, v1  }
0x28: {  	s9 =	sadd.s32 $0x1, s9  }
0x29: {  	p0 =	sne.s32 s9, s5  }
.Ltmp2:
0x2a: {  	_ = 	snop;
	(pc) =	sbr.rel @p0 .LBB2_1-.Ltmp2, $4  }
0x2b: {  	[hbm4b:s4+s2] =	stream.linear.scatter [tilespmem:s7], [sflag:$0x2], $0x2780, $0x38;
	[tilespmem:$0x4F80] =	vst v63  }
0x2c: {  	_ =	swait.ge [sflag:s8], $0x2780  }
0x2d: {  	[sflag:s8] =	ssyncset.done $0x0  }
0x2e: {  	[sflag:s8] =	ssyncadd.s32 $0xFFFFD880  }
0x2f: {  	_ =	sfence.sel $0x180000  }
0x30: {  	[bflag:$0x0] =	sbarrier.arrive $0xFFFF  }
0x31: {  	p0 =	sne.s32 s0, $0x0;
	_ =	strace $0x90000047  }
0x32: {  	s0 =	sadd.s32 @!p0 $0x100000, s1;
	[bflag:$0x2] =	sbarrier.arrive $0xFFFF  }
0x33: {  	[sflag:s0] =	ssyncadd.tile.s32 @!p0 $0x1;
	_ =	shalt  }
.Lfunc_end2:
_tile_overlayer_lowered:
.L_overlay_start_2:
0x34: {  	(tag) =	ssettag $0x2  }
0x35: {  	s0 =	rddreg [dreg:$0x0];
	s2 =	stileid.u32  }
0x36: {  	s1 =	rddreg [dreg:$0x1];
	p0 =	sne.s32 s2, $0x0  }
0x37: {  	s3 =	rddreg [dreg:$0x2];
	[bflag:$0x3] =	sbarrier.arrive $0xFFFF;
	s2 =	simm.s32 @!p0 $0x1C02  }
0x38: {  	[timem:s3], [sflag:s2] =	dma.local @!p0 [hbm:s0], s1  }
0x39: {  	s0 =	simm.s32 @!p0 $0x2  }
0x3a: {  	_ =	swait.ge @!p0 [sflag:s0], s1  }
0x3b: {  	s1 =	ssub.s32 @!p0 $0x0, s1;
	[sflag:s0] =	ssyncset.done @!p0 $0x0  }
0x3c: {  	[sflag:s0] =	ssyncadd.s32 @!p0 s1  }
0x3d: {  	[bflag:$0x3] =	sbarrier.arrive $0xFFFF  }
0x3e: {  	_ =	shalt  }

</sc_bundles>
